<compile_context>
chip_gen: v7x
topology: tpu7x:2x2x1
jax: 0.10.2.dev20260603
libtpu: 0.0.44.dev20260713+nightly
codegen_flags: <defaults>
</compile_context>

<pallas_src>
import functools

import jax
import jax.numpy as jnp
from jax import lax
from jax.experimental import pallas as pl
from jax.experimental.pallas import tpu as pltpu
from jax.experimental.pallas import tpu_sc as plsc

V = 1000
D = 1000
DPAD = 1024
B = 1024 * 50
NC, NS = 2, 16
NW = NC * NS
NTC = B // 128
KCH = DPAD // 128
TAIL = D - 896


def _sc_gather_t(table_r, idx):
    mesh = plsc.VectorSubcoreMesh(core_axis_name="c", subcore_axis_name="s")

    @functools.partial(
        pl.kernel,
        mesh=mesh,
        compiler_params=pltpu.CompilerParams(needs_layout_passes=False),
        out_type=jax.ShapeDtypeStruct((D, B), jnp.float32),
        scratch_types=[
            pltpu.VMEM((128,), jnp.int32),
            pltpu.VMEM((128,), jnp.int32),
            pltpu.VMEM((128,), jnp.int32),
            pltpu.VMEM((128,), jnp.int32),
            pltpu.VMEM((128, 128), jnp.float32),
            pltpu.VMEM((128, 128), jnp.float32),
            pltpu.VMEM((128, 128), jnp.float32),
            pltpu.VMEM((128, 128), jnp.float32),
            pltpu.VMEM((128, 128), jnp.float32),
            pltpu.SemaphoreType.DMA,
            pltpu.SemaphoreType.DMA,
            pltpu.SemaphoreType.DMA,
            pltpu.SemaphoreType.DMA,
            pltpu.SemaphoreType.DMA,
        ],
    )
    def k(table_hbm, idx_hbm, out_hbm, idx_v, idx8_v, gidx0, gidx1,
          rows0, rows1, blk0, blk1, blk7,
          sem_g0, sem_g1, sem_w0, sem_w1, sem_w7):
        cid = lax.axis_index("c")
        sid = lax.axis_index("s")
        wid = sid * NC + cid
        ntc = jnp.where(wid < NTC % NW, NTC // NW + 1, NTC // NW)

        rows = (rows0, rows1)
        gidx = (gidx0, gidx1)
        sem_g = (sem_g0, sem_g1)
        blks = (blk0, blk1)
        sem_w = (sem_w0, sem_w1)

        iota16 = lax.broadcasted_iota(jnp.int32, (16,), 0)
        iotas = [iota16 + 16 * sg for sg in range(8)]

        def set_gidx(p, kk):
            for s in range(8):
                gidx[p][pl.ds(16 * s, 16)] = idx8_v[pl.ds(16 * s, 16)] + kk

        def gather_start(p):
            pltpu.async_copy(table_hbm.at[gidx[p]], rows[p], sem_g[p])

        def gather_wait(p):
            pltpu.make_async_copy(table_hbm.at[gidx[p]], rows[p], sem_g[p]).wait()

        def transpose(src, dst, limit):
            def body(j, carry):
                for dd in range(4):
                    d = j * 4 + dd
                    dvec = (iota16 + d) & 127
                    mask = dvec < limit if limit < 128 else None
                    vals = [
                        plsc.load_gather(src, [iotas[sg], dvec]) for sg in range(8)
                    ]
                    for sg in range(8):
                        plsc.store_scatter(
                            dst, [dvec, iotas[sg]], vals[sg], mask=mask
                        )
                return carry

            lax.fori_loop(0, 32, body, 0)

        def write_start(kk, t, p):
            pltpu.async_copy(
                blks[p],
                out_hbm.at[pl.ds(kk * 128, 128), pl.ds(t * 128, 128)],
                sem_w[p],
            )

        def write_wait(kk, t, p):
            pltpu.make_async_copy(
                blks[p],
                out_hbm.at[pl.ds(kk * 128, 128), pl.ds(t * 128, 128)],
                sem_w[p],
            ).wait()

        def tile_col(ti, carry):
            t = wid + ti * NW
            pltpu.sync_copy(idx_hbm.at[pl.ds(t * 128, 128)], idx_v)
            for s in range(8):
                idx8_v[pl.ds(16 * s, 16)] = idx_v[pl.ds(16 * s, 16)] * 8
            set_gidx(0, 0)
            gather_start(0)
            set_gidx(1, 1)
            gather_start(1)

            def work(kk, p):
                gather_wait(p)

                @pl.when((kk >= 2) | (ti > 0))
                def _():
                    write_wait(kk, t, p)

                transpose(rows[p], blks[p], 128)

                @pl.when(kk + 2 <= KCH - 1)
                def _():
                    set_gidx(p, kk + 2)
                    gather_start(p)

                write_start(kk, t, p)

            def group(g, carry2):
                work(2 * g, 0)
                work(2 * g + 1, 1)
                return carry2

            lax.fori_loop(0, 3, group, 0)
            work(jnp.int32(6), 0)

            gather_wait(1)

            @pl.when(ti > 0)
            def _():
                pltpu.make_async_copy(
                    blk7.at[pl.ds(0, TAIL)],
                    out_hbm.at[pl.ds(896, TAIL), pl.ds(t * 128, 128)],
                    sem_w7,
                ).wait()

            transpose(rows[1], blk7, TAIL)
            pltpu.async_copy(
                blk7.at[pl.ds(0, TAIL)],
                out_hbm.at[pl.ds(896, TAIL), pl.ds(t * 128, 128)],
                sem_w7,
            )
            return carry

        lax.fori_loop(0, ntc, tile_col, 0)

        last_t = wid + (ntc - 1) * NW
        write_wait(jnp.int32(6), last_t, 0)
        write_wait(jnp.int32(5), last_t, 1)
        pltpu.make_async_copy(
            blk7.at[pl.ds(0, TAIL)],
            out_hbm.at[pl.ds(896, TAIL), pl.ds(last_t * 128, 128)],
            sem_w7,
        ).wait()

    return k(table_r, idx)


def kernel(X, table):
    idx = X.reshape(-1)
    table_r = jnp.pad(table, ((0, 0), (0, DPAD - D))).reshape(V * KCH, 128)
    out_t = _sc_gather_t(table_r, idx)
    return out_t.T

# --- scband reference (transcript-rebuilt; emitter-appended) ---
"""Pipeline reference for scband-bi-gram-model-51805895524748 (READ-ONLY COPY).

The authoritative reference and input builder live on the scoring server;
editing this copy changes nothing except your own understanding.
"""

import jax, jax.numpy as jnp
import numpy as np

VOCAB = 1000
BATCH = 1024
SEQ = 50

def setup_inputs(seed: int = 0) -> dict:
    key = jax.random.key(seed)
    k1, k2 = jax.random.split(key)
    X = jax.random.randint(k1, (BATCH, SEQ), 0, VOCAB, dtype=jnp.int64 if jax.config.jax_enable_x64 else jnp.int32)
    table = jax.random.normal(k2, (VOCAB, VOCAB), dtype=jnp.float32) * 0.02
    return {"X": X, "table": table}

def reference(X, table):
    # nn.Embedding lookup: logits[b, t, :] = table[X[b, t], :]
    logits = jnp.take(table, X, axis=0)  # [B, S, V]
    n_samples, sample_length, vocab_size = logits.shape
    logits = logits.reshape(n_samples * sample_length, vocab_size)
    return logits

if __name__ == "__main__":
    import jax
    _d = setup_inputs()
    print(jax.jit(kernel)(*tuple(_d.values())))

</pallas_src>

<mosaic_0001>
#map = affine_map<(d0, d1) -> (0, 0)>
#map1 = affine_map<(d0, d1) -> (0)>
module attributes {stable_mosaic.version = 14 : i64} {
  func.func @k(%arg0: i32, %arg1: i32, %arg2: memref<8000x128xf32, #tpu.memory_space<hbm>>, %arg3: memref<51200xi32, #tpu.memory_space<hbm>>, %arg4: memref<1000x51200xf32, #tpu.memory_space<hbm>>, %arg5: memref<128xi32, #tpu.memory_space<vmem>>, %arg6: memref<128xi32, #tpu.memory_space<vmem>>, %arg7: memref<128xi32, #tpu.memory_space<vmem>>, %arg8: memref<128xi32, #tpu.memory_space<vmem>>, %arg9: memref<128x128xf32, #tpu.memory_space<vmem>>, %arg10: memref<128x128xf32, #tpu.memory_space<vmem>>, %arg11: memref<128x128xf32, #tpu.memory_space<vmem>>, %arg12: memref<128x128xf32, #tpu.memory_space<vmem>>, %arg13: memref<128x128xf32, #tpu.memory_space<vmem>>, %arg14: memref<!tpu.dma_semaphore, #tpu.memory_space<semaphore_mem>>, %arg15: memref<!tpu.dma_semaphore, #tpu.memory_space<semaphore_mem>>, %arg16: memref<!tpu.dma_semaphore, #tpu.memory_space<semaphore_mem>>, %arg17: memref<!tpu.dma_semaphore, #tpu.memory_space<semaphore_mem>>, %arg18: memref<!tpu.dma_semaphore, #tpu.memory_space<semaphore_mem>>) attributes {dimension_semantics = [#tpu.dimension_semantics<core_parallel>, #tpu.dimension_semantics<subcore_parallel>], iteration_bounds = array<i64: 2, 16>, scalar_prefetch = 0 : i64, scratch_operands = 14 : i64, tpu.core_type = #tpu.core_type<sc_vector_subcore>, window_params = [{transform_indices = #map}, {transform_indices = #map1}, {transform_indices = #map}]} {
    %mul3A = arith.constant 2 : i32
    %mul3A_0 = arith.muli %arg1, %mul3A : i32
    %add3A = arith.addi %mul3A_0, %arg0 : i32
    %lt3A = arith.constant 16 : i32
    %lt3A_1 = arith.cmpi slt, %add3A, %lt3A : i32
    %jit3A = arith.constant 13 : i32
    %jit3A_2 = arith.constant 12 : i32
    %select_n3A = arith.select %lt3A_1, %jit3A, %jit3A_2 : i32
    %iota3A = tpu.iota {dimensions = array<i32: 0>} : vector<16xi32>
    %add3A_3 = arith.constant 0 : i32
    %add3A_4 = vector.broadcast %add3A_3 : i32 to vector<16xi32>
    %add3A_5 = arith.addi %iota3A, %add3A_4 : vector<16xi32>
    %add3A_6 = arith.constant 16 : i32
    %add3A_7 = vector.broadcast %add3A_6 : i32 to vector<16xi32>
    %add3A_8 = arith.addi %iota3A, %add3A_7 : vector<16xi32>
    %add3A_9 = arith.constant 32 : i32
    %add3A_10 = vector.broadcast %add3A_9 : i32 to vector<16xi32>
    %add3A_11 = arith.addi %iota3A, %add3A_10 : vector<16xi32>
    %add3A_12 = arith.constant 48 : i32
    %add3A_13 = vector.broadcast %add3A_12 : i32 to vector<16xi32>
    %add3A_14 = arith.addi %iota3A, %add3A_13 : vector<16xi32>
    %add3A_15 = arith.constant 64 : i32
    %add3A_16 = vector.broadcast %add3A_15 : i32 to vector<16xi32>
    %add3A_17 = arith.addi %iota3A, %add3A_16 : vector<16xi32>
    %add3A_18 = arith.constant 80 : i32
    %add3A_19 = vector.broadcast %add3A_18 : i32 to vector<16xi32>
    %add3A_20 = arith.addi %iota3A, %add3A_19 : vector<16xi32>
    %add3A_21 = arith.constant 96 : i32
    %add3A_22 = vector.broadcast %add3A_21 : i32 to vector<16xi32>
    %add3A_23 = arith.addi %iota3A, %add3A_22 : vector<16xi32>
    %add3A_24 = arith.constant 112 : i32
    %add3A_25 = vector.broadcast %add3A_24 : i32 to vector<16xi32>
    %add3A_26 = arith.addi %iota3A, %add3A_25 : vector<16xi32>
    %while3A = arith.constant 0 : i32
    %while3A_27 = arith.constant 0 : i32
    %while3A_28 = arith.subi %select_n3A, %while3A_27 : i32
    %while3A_29 = arith.addi %while3A_27, %while3A_28 : i32
    %while3A_30 = arith.constant 1 : i32
    %while3A_31 = arith.divsi %while3A_28, %while3A_30 : i32
    %while3A_32 = arith.muli %while3A_31, %while3A_30 : i32
    %while3A_33 = arith.addi %while3A_27, %while3A_32 : i32
    %while3A_34 = arith.constant 1 : i32
    scf.for %while3A_65 = %while3A_27 to %while3A_33 step %while3A_34  : i32 {
      %mul3A_66 = arith.constant 32 : i32
      %mul3A_67 = arith.muli %while3A_65, %mul3A_66 : i32
      %add3A_68 = arith.addi %add3A, %mul3A_67 : i32
      %mul3A_69 = arith.constant 128 : i32
      %mul3A_70 = arith.muli %add3A_68, %mul3A_69 : i32
      "tpu.region"() ({
        %run_scoped3A = tpu.sem_alloc : memref<!tpu.dma_semaphore, #tpu.memory_space<semaphore_mem>>
        %dma_start3A_302 = tpu.memref_slice %arg3[%mul3A_70] : memref<51200xi32, #tpu.memory_space<hbm>> -> memref<128xi32, #tpu.memory_space<hbm>>
        %dma_start3A_303 = tpu.memref_slice %arg3[%mul3A_70] : memref<51200xi32, #tpu.memory_space<hbm>> -> memref<128xi32, #tpu.memory_space<hbm>>
        tpu.enqueue_dma source(%dma_start3A_303 : memref<128xi32, #tpu.memory_space<hbm>>) target(%arg5 : memref<128xi32, #tpu.memory_space<vmem>>) target_semaphore(%run_scoped3A : memref<!tpu.dma_semaphore, #tpu.memory_space<semaphore_mem>>)
        %dma_wait3A_304 = tpu.memref_slice %arg3[%mul3A_70] : memref<51200xi32, #tpu.memory_space<hbm>> -> memref<128xi32, #tpu.memory_space<hbm>>
        %dma_wait3A_305 = tpu.memref_slice %arg3[%mul3A_70] : memref<51200xi32, #tpu.memory_space<hbm>> -> memref<128xi32, #tpu.memory_space<hbm>>
        tpu.wait_dma2 semaphore(%run_scoped3A : memref<!tpu.dma_semaphore, #tpu.memory_space<semaphore_mem>>) src(%dma_wait3A_305 : memref<128xi32, #tpu.memory_space<hbm>>) dst(%arg5 : memref<128xi32, #tpu.memory_space<vmem>>)
        tpu.yield
      }) : () -> ()
      %get3A = arith.constant 0 : index
      %get3A_71 = tpu.vector_load %arg5[%get3A] {strides = array<i32>} : memref<128xi32, #tpu.memory_space<vmem>>, vector<16xi32>,
      %mul3A_72 = arith.constant 8 : i32
      %mul3A_73 = vector.broadcast %mul3A_72 : i32 to vector<16xi32>
      %mul3A_74 = arith.muli %get3A_71, %mul3A_73 : vector<16xi32>
      %swap3A = arith.constant 0 : index
      %swap3A_75 = tpu.vector_load %arg6[%swap3A] {strides = array<i32>} : memref<128xi32, #tpu.memory_space<vmem>>, vector<16xi32>,
      tpu.vector_store %arg6[%swap3A], %mul3A_74 {strides = array<i32>} : memref<128xi32, #tpu.memory_space<vmem>>, vector<16xi32>,
      %get3A_76 = arith.constant 16 : index
      %get3A_77 = tpu.vector_load %arg5[%get3A_76] {strides = array<i32>} : memref<128xi32, #tpu.memory_space<vmem>>, vector<16xi32>,
      %mul3A_78 = arith.constant 8 : i32
      %mul3A_79 = vector.broadcast %mul3A_78 : i32 to vector<16xi32>
      %mul3A_80 = arith.muli %get3A_77, %mul3A_79 : vector<16xi32>
      %swap3A_81 = arith.constant 16 : index
      %swap3A_82 = tpu.vector_load %arg6[%swap3A_81] {strides = array<i32>} : memref<128xi32, #tpu.memory_space<vmem>>, vector<16xi32>,
      tpu.vector_store %arg6[%swap3A_81], %mul3A_80 {strides = array<i32>} : memref<128xi32, #tpu.memory_space<vmem>>, vector<16xi32>,
      %get3A_83 = arith.constant 32 : index
      %get3A_84 = tpu.vector_load %arg5[%get3A_83] {strides = array<i32>} : memref<128xi32, #tpu.memory_space<vmem>>, vector<16xi32>,
      %mul3A_85 = arith.constant 8 : i32
      %mul3A_86 = vector.broadcast %mul3A_85 : i32 to vector<16xi32>
      %mul3A_87 = arith.muli %get3A_84, %mul3A_86 : vector<16xi32>
      %swap3A_88 = arith.constant 32 : index
      %swap3A_89 = tpu.vector_load %arg6[%swap3A_88] {strides = array<i32>} : memref<128xi32, #tpu.memory_space<vmem>>, vector<16xi32>,
      tpu.vector_store %arg6[%swap3A_88], %mul3A_87 {strides = array<i32>} : memref<128xi32, #tpu.memory_space<vmem>>, vector<16xi32>,
      %get3A_90 = arith.constant 48 : index
      %get3A_91 = tpu.vector_load %arg5[%get3A_90] {strides = array<i32>} : memref<128xi32, #tpu.memory_space<vmem>>, vector<16xi32>,
      %mul3A_92 = arith.constant 8 : i32
      %mul3A_93 = vector.broadcast %mul3A_92 : i32 to vector<16xi32>
      %mul3A_94 = arith.muli %get3A_91, %mul3A_93 : vector<16xi32>
      %swap3A_95 = arith.constant 48 : index
      %swap3A_96 = tpu.vector_load %arg6[%swap3A_95] {strides = array<i32>} : memref<128xi32, #tpu.memory_space<vmem>>, vector<16xi32>,
      tpu.vector_store %arg6[%swap3A_95], %mul3A_94 {strides = array<i32>} : memref<128xi32, #tpu.memory_space<vmem>>, vector<16xi32>,
      %get3A_97 = arith.constant 64 : index
      %get3A_98 = tpu.vector_load %arg5[%get3A_97] {strides = array<i32>} : memref<128xi32, #tpu.memory_space<vmem>>, vector<16xi32>,
      %mul3A_99 = arith.constant 8 : i32
      %mul3A_100 = vector.broadcast %mul3A_99 : i32 to vector<16xi32>
      %mul3A_101 = arith.muli %get3A_98, %mul3A_100 : vector<16xi32>
      %swap3A_102 = arith.constant 64 : index
      %swap3A_103 = tpu.vector_load %arg6[%swap3A_102] {strides = array<i32>} : memref<128xi32, #tpu.memory_space<vmem>>, vector<16xi32>,
      tpu.vector_store %arg6[%swap3A_102], %mul3A_101 {strides = array<i32>} : memref<128xi32, #tpu.memory_space<vmem>>, vector<16xi32>,
      %get3A_104 = arith.constant 80 : index
      %get3A_105 = tpu.vector_load %arg5[%get3A_104] {strides = array<i32>} : memref<128xi32, #tpu.memory_space<vmem>>, vector<16xi32>,
      %mul3A_106 = arith.constant 8 : i32
      %mul3A_107 = vector.broadcast %mul3A_106 : i32 to vector<16xi32>
      %mul3A_108 = arith.muli %get3A_105, %mul3A_107 : vector<16xi32>
      %swap3A_109 = arith.constant 80 : index
      %swap3A_110 = tpu.vector_load %arg6[%swap3A_109] {strides = array<i32>} : memref<128xi32, #tpu.memory_space<vmem>>, vector<16xi32>,
      tpu.vector_store %arg6[%swap3A_109], %mul3A_108 {strides = array<i32>} : memref<128xi32, #tpu.memory_space<vmem>>, vector<16xi32>,
      %get3A_111 = arith.constant 96 : index
      %get3A_112 = tpu.vector_load %arg5[%get3A_111] {strides = array<i32>} : memref<128xi32, #tpu.memory_space<vmem>>, vector<16xi32>,
      %mul3A_113 = arith.constant 8 : i32
      %mul3A_114 = vector.broadcast %mul3A_113 : i32 to vector<16xi32>
      %mul3A_115 = arith.muli %get3A_112, %mul3A_114 : vector<16xi32>
      %swap3A_116 = arith.constant 96 : index
      %swap3A_117 = tpu.vector_load %arg6[%swap3A_116] {strides = array<i32>} : memref<128xi32, #tpu.memory_space<vmem>>, vector<16xi32>,
      tpu.vector_store %arg6[%swap3A_116], %mul3A_115 {strides = array<i32>} : memref<128xi32, #tpu.memory_space<vmem>>, vector<16xi32>,
      %get3A_118 = arith.constant 112 : index
      %get3A_119 = tpu.vector_load %arg5[%get3A_118] {strides = array<i32>} : memref<128xi32, #tpu.memory_space<vmem>>, vector<16xi32>,
      %mul3A_120 = arith.constant 8 : i32
      %mul3A_121 = vector.broadcast %mul3A_120 : i32 to vector<16xi32>
      %mul3A_122 = arith.muli %get3A_119, %mul3A_121 : vector<16xi32>
      %swap3A_123 = arith.constant 112 : index
      %swap3A_124 = tpu.vector_load %arg6[%swap3A_123] {strides = array<i32>} : memref<128xi32, #tpu.memory_space<vmem>>, vector<16xi32>,
      tpu.vector_store %arg6[%swap3A_123], %mul3A_122 {strides = array<i32>} : memref<128xi32, #tpu.memory_space<vmem>>, vector<16xi32>,
      %get3A_125 = arith.constant 0 : index
      %get3A_126 = tpu.vector_load %arg6[%get3A_125] {strides = array<i32>} : memref<128xi32, #tpu.memory_space<vmem>>, vector<16xi32>,
      %add3A_127 = arith.constant 0 : i32
      %add3A_128 = vector.broadcast %add3A_127 : i32 to vector<16xi32>
      %add3A_129 = arith.addi %get3A_126, %add3A_128 : vector<16xi32>
      %swap3A_130 = arith.constant 0 : index
      %swap3A_131 = tpu.vector_load %arg7[%swap3A_130] {strides = array<i32>} : memref<128xi32, #tpu.memory_space<vmem>>, vector<16xi32>,
      tpu.vector_store %arg7[%swap3A_130], %add3A_129 {strides = array<i32>} : memref<128xi32, #tpu.memory_space<vmem>>, vector<16xi32>,
      %get3A_132 = arith.constant 16 : index
      %get3A_133 = tpu.vector_load %arg6[%get3A_132] {strides = array<i32>} : memref<128xi32, #tpu.memory_space<vmem>>, vector<16xi32>,
      %add3A_134 = arith.constant 0 : i32
      %add3A_135 = vector.broadcast %add3A_134 : i32 to vector<16xi32>
      %add3A_136 = arith.addi %get3A_133, %add3A_135 : vector<16xi32>
      %swap3A_137 = arith.constant 16 : index
      %swap3A_138 = tpu.vector_load %arg7[%swap3A_137] {strides = array<i32>} : memref<128xi32, #tpu.memory_space<vmem>>, vector<16xi32>,
      tpu.vector_store %arg7[%swap3A_137], %add3A_136 {strides = array<i32>} : memref<128xi32, #tpu.memory_space<vmem>>, vector<16xi32>,
      %get3A_139 = arith.constant 32 : index
      %get3A_140 = tpu.vector_load %arg6[%get3A_139] {strides = array<i32>} : memref<128xi32, #tpu.memory_space<vmem>>, vector<16xi32>,
      %add3A_141 = arith.constant 0 : i32
      %add3A_142 = vector.broadcast %add3A_141 : i32 to vector<16xi32>
      %add3A_143 = arith.addi %get3A_140, %add3A_142 : vector<16xi32>
      %swap3A_144 = arith.constant 32 : index
      %swap3A_145 = tpu.vector_load %arg7[%swap3A_144] {strides = array<i32>} : memref<128xi32, #tpu.memory_space<vmem>>, vector<16xi32>,
      tpu.vector_store %arg7[%swap3A_144], %add3A_143 {strides = array<i32>} : memref<128xi32, #tpu.memory_space<vmem>>, vector<16xi32>,
      %get3A_146 = arith.constant 48 : index
      %get3A_147 = tpu.vector_load %arg6[%get3A_146] {strides = array<i32>} : memref<128xi32, #tpu.memory_space<vmem>>, vector<16xi32>,
      %add3A_148 = arith.constant 0 : i32
      %add3A_149 = vector.broadcast %add3A_148 : i32 to vector<16xi32>
      %add3A_150 = arith.addi %get3A_147, %add3A_149 : vector<16xi32>
      %swap3A_151 = arith.constant 48 : index
      %swap3A_152 = tpu.vector_load %arg7[%swap3A_151] {strides = array<i32>} : memref<128xi32, #tpu.memory_space<vmem>>, vector<16xi32>,
      tpu.vector_store %arg7[%swap3A_151], %add3A_150 {strides = array<i32>} : memref<128xi32, #tpu.memory_space<vmem>>, vector<16xi32>,
      %get3A_153 = arith.constant 64 : index
      %get3A_154 = tpu.vector_load %arg6[%get3A_153] {strides = array<i32>} : memref<128xi32, #tpu.memory_space<vmem>>, vector<16xi32>,
      %add3A_155 = arith.constant 0 : i32
      %add3A_156 = vector.broadcast %add3A_155 : i32 to vector<16xi32>
      %add3A_157 = arith.addi %get3A_154, %add3A_156 : vector<16xi32>
      %swap3A_158 = arith.constant 64 : index
      %swap3A_159 = tpu.vector_load %arg7[%swap3A_158] {strides = array<i32>} : memref<128xi32, #tpu.memory_space<vmem>>, vector<16xi32>,
      tpu.vector_store %arg7[%swap3A_158], %add3A_157 {strides = array<i32>} : memref<128xi32, #tpu.memory_space<vmem>>, vector<16xi32>,
      %get3A_160 = arith.constant 80 : index
      %get3A_161 = tpu.vector_load %arg6[%get3A_160] {strides = array<i32>} : memref<128xi32, #tpu.memory_space<vmem>>, vector<16xi32>,
      %add3A_162 = arith.constant 0 : i32
      %add3A_163 = vector.broadcast %add3A_162 : i32 to vector<16xi32>
      %add3A_164 = arith.addi %get3A_161, %add3A_163 : vector<16xi32>
      %swap3A_165 = arith.constant 80 : index
      %swap3A_166 = tpu.vector_load %arg7[%swap3A_165] {strides = array<i32>} : memref<128xi32, #tpu.memory_space<vmem>>, vector<16xi32>,
      tpu.vector_store %arg7[%swap3A_165], %add3A_164 {strides = array<i32>} : memref<128xi32, #tpu.memory_space<vmem>>, vector<16xi32>,
      %get3A_167 = arith.constant 96 : index
      %get3A_168 = tpu.vector_load %arg6[%get3A_167] {strides = array<i32>} : memref<128xi32, #tpu.memory_space<vmem>>, vector<16xi32>,
      %add3A_169 = arith.constant 0 : i32
      %add3A_170 = vector.broadcast %add3A_169 : i32 to vector<16xi32>
      %add3A_171 = arith.addi %get3A_168, %add3A_170 : vector<16xi32>
      %swap3A_172 = arith.constant 96 : index
      %swap3A_173 = tpu.vector_load %arg7[%swap3A_172] {strides = array<i32>} : memref<128xi32, #tpu.memory_space<vmem>>, vector<16xi32>,
      tpu.vector_store %arg7[%swap3A_172], %add3A_171 {strides = array<i32>} : memref<128xi32, #tpu.memory_space<vmem>>, vector<16xi32>,
      %get3A_174 = arith.constant 112 : index
      %get3A_175 = tpu.vector_load %arg6[%get3A_174] {strides = array<i32>} : memref<128xi32, #tpu.memory_space<vmem>>, vector<16xi32>,
      %add3A_176 = arith.constant 0 : i32
      %add3A_177 = vector.broadcast %add3A_176 : i32 to vector<16xi32>
      %add3A_178 = arith.addi %get3A_175, %add3A_177 : vector<16xi32>
      %swap3A_179 = arith.constant 112 : index
      %swap3A_180 = tpu.vector_load %arg7[%swap3A_179] {strides = array<i32>} : memref<128xi32, #tpu.memory_space<vmem>>, vector<16xi32>,
      tpu.vector_store %arg7[%swap3A_179], %add3A_178 {strides = array<i32>} : memref<128xi32, #tpu.memory_space<vmem>>, vector<16xi32>,
      %dma_start3A = arith.constant 0 : i32
      %dma_start3A_181 = arith.constant 0 : i32
      %dma_start3A_182 = tpu.memref_slice %arg2[%dma_start3A, %dma_start3A_181] : memref<8000x128xf32, #tpu.memory_space<hbm>> -> memref<8000x128xf32, #tpu.memory_space<hbm>>
      tpu.enqueue_indirect_dma source(%dma_start3A_182 : memref<8000x128xf32, #tpu.memory_space<hbm>>) target(%arg9 : memref<128x128xf32, #tpu.memory_space<vmem>>) offsets(%arg7 : memref<128xi32, #tpu.memory_space<vmem>>) semaphore(%arg14 : memref<!tpu.dma_semaphore, #tpu.memory_space<semaphore_mem>>)
      %get3A_183 = arith.constant 0 : index
      %get3A_184 = tpu.vector_load %arg6[%get3A_183] {strides = array<i32>} : memref<128xi32, #tpu.memory_space<vmem>>, vector<16xi32>,
      %add3A_185 = arith.constant 1 : i32
      %add3A_186 = vector.broadcast %add3A_185 : i32 to vector<16xi32>
      %add3A_187 = arith.addi %get3A_184, %add3A_186 : vector<16xi32>
      %swap3A_188 = arith.constant 0 : index
      %swap3A_189 = tpu.vector_load %arg8[%swap3A_188] {strides = array<i32>} : memref<128xi32, #tpu.memory_space<vmem>>, vector<16xi32>,
      tpu.vector_store %arg8[%swap3A_188], %add3A_187 {strides = array<i32>} : memref<128xi32, #tpu.memory_space<vmem>>, vector<16xi32>,
      %get3A_190 = arith.constant 16 : index
      %get3A_191 = tpu.vector_load %arg6[%get3A_190] {strides = array<i32>} : memref<128xi32, #tpu.memory_space<vmem>>, vector<16xi32>,
      %add3A_192 = arith.constant 1 : i32
      %add3A_193 = vector.broadcast %add3A_192 : i32 to vector<16xi32>
      %add3A_194 = arith.addi %get3A_191, %add3A_193 : vector<16xi32>
      %swap3A_195 = arith.constant 16 : index
      %swap3A_196 = tpu.vector_load %arg8[%swap3A_195] {strides = array<i32>} : memref<128xi32, #tpu.memory_space<vmem>>, vector<16xi32>,
      tpu.vector_store %arg8[%swap3A_195], %add3A_194 {strides = array<i32>} : memref<128xi32, #tpu.memory_space<vmem>>, vector<16xi32>,
      %get3A_197 = arith.constant 32 : index
      %get3A_198 = tpu.vector_load %arg6[%get3A_197] {strides = array<i32>} : memref<128xi32, #tpu.memory_space<vmem>>, vector<16xi32>,
      %add3A_199 = arith.constant 1 : i32
      %add3A_200 = vector.broadcast %add3A_199 : i32 to vector<16xi32>
      %add3A_201 = arith.addi %get3A_198, %add3A_200 : vector<16xi32>
      %swap3A_202 = arith.constant 32 : index
      %swap3A_203 = tpu.vector_load %arg8[%swap3A_202] {strides = array<i32>} : memref<128xi32, #tpu.memory_space<vmem>>, vector<16xi32>,
      tpu.vector_store %arg8[%swap3A_202], %add3A_201 {strides = array<i32>} : memref<128xi32, #tpu.memory_space<vmem>>, vector<16xi32>,
      %get3A_204 = arith.constant 48 : index
      %get3A_205 = tpu.vector_load %arg6[%get3A_204] {strides = array<i32>} : memref<128xi32, #tpu.memory_space<vmem>>, vector<16xi32>,
      %add3A_206 = arith.constant 1 : i32
      %add3A_207 = vector.broadcast %add3A_206 : i32 to vector<16xi32>
      %add3A_208 = arith.addi %get3A_205, %add3A_207 : vector<16xi32>
      %swap3A_209 = arith.constant 48 : index
      %swap3A_210 = tpu.vector_load %arg8[%swap3A_209] {strides = array<i32>} : memref<128xi32, #tpu.memory_space<vmem>>, vector<16xi32>,
      tpu.vector_store %arg8[%swap3A_209], %add3A_208 {strides = array<i32>} : memref<128xi32, #tpu.memory_space<vmem>>, vector<16xi32>,
      %get3A_211 = arith.constant 64 : index
      %get3A_212 = tpu.vector_load %arg6[%get3A_211] {strides = array<i32>} : memref<128xi32, #tpu.memory_space<vmem>>, vector<16xi32>,
      %add3A_213 = arith.constant 1 : i32
      %add3A_214 = vector.broadcast %add3A_213 : i32 to vector<16xi32>
      %add3A_215 = arith.addi %get3A_212, %add3A_214 : vector<16xi32>
      %swap3A_216 = arith.constant 64 : index
      %swap3A_217 = tpu.vector_load %arg8[%swap3A_216] {strides = array<i32>} : memref<128xi32, #tpu.memory_space<vmem>>, vector<16xi32>,
      tpu.vector_store %arg8[%swap3A_216], %add3A_215 {strides = array<i32>} : memref<128xi32, #tpu.memory_space<vmem>>, vector<16xi32>,
      %get3A_218 = arith.constant 80 : index
      %get3A_219 = tpu.vector_load %arg6[%get3A_218] {strides = array<i32>} : memref<128xi32, #tpu.memory_space<vmem>>, vector<16xi32>,
      %add3A_220 = arith.constant 1 : i32
      %add3A_221 = vector.broadcast %add3A_220 : i32 to vector<16xi32>
      %add3A_222 = arith.addi %get3A_219, %add3A_221 : vector<16xi32>
      %swap3A_223 = arith.constant 80 : index
      %swap3A_224 = tpu.vector_load %arg8[%swap3A_223] {strides = array<i32>} : memref<128xi32, #tpu.memory_space<vmem>>, vector<16xi32>,
      tpu.vector_store %arg8[%swap3A_223], %add3A_222 {strides = array<i32>} : memref<128xi32, #tpu.memory_space<vmem>>, vector<16xi32>,
      %get3A_225 = arith.constant 96 : index
      %get3A_226 = tpu.vector_load %arg6[%get3A_225] {strides = array<i32>} : memref<128xi32, #tpu.memory_space<vmem>>, vector<16xi32>,
      %add3A_227 = arith.constant 1 : i32
      %add3A_228 = vector.broadcast %add3A_227 : i32 to vector<16xi32>
      %add3A_229 = arith.addi %get3A_226, %add3A_228 : vector<16xi32>
      %swap3A_230 = arith.constant 96 : index
      %swap3A_231 = tpu.vector_load %arg8[%swap3A_230] {strides = array<i32>} : memref<128xi32, #tpu.memory_space<vmem>>, vector<16xi32>,
      tpu.vector_store %arg8[%swap3A_230], %add3A_229 {strides = array<i32>} : memref<128xi32, #tpu.memory_space<vmem>>, vector<16xi32>,
      %get3A_232 = arith.constant 112 : index
      %get3A_233 = tpu.vector_load %arg6[%get3A_232] {strides = array<i32>} : memref<128xi32, #tpu.memory_space<vmem>>, vector<16xi32>,
      %add3A_234 = arith.constant 1 : i32
      %add3A_235 = vector.broadcast %add3A_234 : i32 to vector<16xi32>
      %add3A_236 = arith.addi %get3A_233, %add3A_235 : vector<16xi32>
      %swap3A_237 = arith.constant 112 : index
      %swap3A_238 = tpu.vector_load %arg8[%swap3A_237] {strides = array<i32>} : memref<128xi32, #tpu.memory_space<vmem>>, vector<16xi32>,
      tpu.vector_store %arg8[%swap3A_237], %add3A_236 {strides = array<i32>} : memref<128xi32, #tpu.memory_space<vmem>>, vector<16xi32>,
      %dma_start3A_239 = arith.constant 0 : i32
      %dma_start3A_240 = arith.constant 0 : i32
      %dma_start3A_241 = tpu.memref_slice %arg2[%dma_start3A_239, %dma_start3A_240] : memref<8000x128xf32, #tpu.memory_space<hbm>> -> memref<8000x128xf32, #tpu.memory_space<hbm>>
      tpu.enqueue_indirect_dma source(%dma_start3A_241 : memref<8000x128xf32, #tpu.memory_space<hbm>>) target(%arg10 : memref<128x128xf32, #tpu.memory_space<vmem>>) offsets(%arg8 : memref<128xi32, #tpu.memory_space<vmem>>) semaphore(%arg15 : memref<!tpu.dma_semaphore, #tpu.memory_space<semaphore_mem>>)
      %scan3A = arith.constant 0 : i32
      %scan3A_242 = arith.constant 0 : i32
      %scan3A_243 = arith.constant 3 : i32
      %scan3A_244 = arith.addi %scan3A_242, %scan3A_243 : i32
      %scan3A_245 = arith.constant 1 : i32
      scf.for %scan3A_302 = %scan3A_242 to %scan3A_244 step %scan3A_245  : i32 {
        %mul3A_303 = arith.constant 2 : i32
        %mul3A_304 = arith.muli %mul3A_303, %scan3A_302 : i32
        %dma_wait3A_305 = arith.constant 0 : i32
        %dma_wait3A_306 = arith.constant 0 : i32
        %dma_wait3A_307 = tpu.memref_slice %arg2[%dma_wait3A_305, %dma_wait3A_306] : memref<8000x128xf32, #tpu.memory_space<hbm>> -> memref<8000x128xf32, #tpu.memory_space<hbm>>
        tpu.wait_indirect_dma semaphore(%arg14 : memref<!tpu.dma_semaphore, #tpu.memory_space<semaphore_mem>>) src(%dma_wait3A_307 : memref<8000x128xf32, #tpu.memory_space<hbm>>) dst(%arg9 : memref<128x128xf32, #tpu.memory_space<vmem>>)
        %ge3A_308 = arith.constant 2 : i32
        %ge3A_309 = arith.cmpi sge, %mul3A_304, %ge3A_308 : i32
        %gt3A_310 = arith.constant 0 : i32
        %gt3A_311 = arith.cmpi sgt, %while3A_65, %gt3A_310 : i32
        %or3A_312 = arith.ori %ge3A_309, %gt3A_311 : i1
        %convert_element_type3A_313 = arith.extui %or3A_312 : i1 to i32
        %cond3A_314 = arith.constant 0 : i32
        %cond3A_315 = arith.cmpi ne, %convert_element_type3A_313, %cond3A_314 : i32
        scf.if %cond3A_315 {
          %mul3A_369 = arith.constant 128 : i32
          %mul3A_370 = arith.muli %mul3A_304, %mul3A_369 : i32
          %mul3A_371 = arith.constant 128 : i32
          %mul3A_372 = arith.muli %add3A_68, %mul3A_371 : i32
          %dma_wait3A_373 = tpu.memref_slice %arg4[%mul3A_370, %mul3A_372] : memref<1000x51200xf32, #tpu.memory_space<hbm>> -> memref<128x128xf32, #tpu.memory_space<hbm>>
          %dma_wait3A_374 = tpu.memref_slice %arg4[%mul3A_370, %mul3A_372] : memref<1000x51200xf32, #tpu.memory_space<hbm>> -> memref<128x128xf32, #tpu.memory_space<hbm>>
          tpu.wait_dma2 semaphore(%arg16 : memref<!tpu.dma_semaphore, #tpu.memory_space<semaphore_mem>>) src(%arg11 : memref<128x128xf32, #tpu.memory_space<vmem>>) dst(%dma_wait3A_374 : memref<128x128xf32, #tpu.memory_space<hbm>>)
        } else {
        }
        %scan3A_316 = arith.constant 0 : i32
        %scan3A_317 = arith.constant 0 : i32
        %scan3A_318 = arith.constant 32 : i32
        %scan3A_319 = arith.addi %scan3A_317, %scan3A_318 : i32
        %scan3A_320 = arith.constant 1 : i32
        scf.for %scan3A_369 = %scan3A_317 to %scan3A_319 step %scan3A_320  : i32 {
          %mul3A_370 = arith.constant 4 : i32
          %mul3A_371 = arith.muli %scan3A_369, %mul3A_370 : i32
          %add3A_372 = arith.constant 0 : i32
          %add3A_373 = arith.addi %mul3A_371, %add3A_372 : i32
          %add3A_374 = vector.broadcast %add3A_373 : i32 to vector<16xi32>
          %add3A_375 = arith.addi %iota3A, %add3A_374 : vector<16xi32>
          %and3A = arith.constant 127 : i32
          %and3A_376 = vector.broadcast %and3A : i32 to vector<16xi32>
          %and3A_377 = arith.andi %add3A_375, %and3A_376 : vector<16xi32>
          %gather3A = tpu.vector_load_idx %arg9[%add3A_5, %and3A_377] : memref<128x128xf32, #tpu.memory_space<vmem>>[vector<16xi32>, vector<16xi32>], vector<16xf32>,
          %gather3A_378 = tpu.vector_load_idx %arg9[%add3A_8, %and3A_377] : memref<128x128xf32, #tpu.memory_space<vmem>>[vector<16xi32>, vector<16xi32>], vector<16xf32>,
          %gather3A_379 = tpu.vector_load_idx %arg9[%add3A_11, %and3A_377] : memref<128x128xf32, #tpu.memory_space<vmem>>[vector<16xi32>, vector<16xi32>], vector<16xf32>,
          %gather3A_380 = tpu.vector_load_idx %arg9[%add3A_14, %and3A_377] : memref<128x128xf32, #tpu.memory_space<vmem>>[vector<16xi32>, vector<16xi32>], vector<16xf32>,
          %gather3A_381 = tpu.vector_load_idx %arg9[%add3A_17, %and3A_377] : memref<128x128xf32, #tpu.memory_space<vmem>>[vector<16xi32>, vector<16xi32>], vector<16xf32>,
          %gather3A_382 = tpu.vector_load_idx %arg9[%add3A_20, %and3A_377] : memref<128x128xf32, #tpu.memory_space<vmem>>[vector<16xi32>, vector<16xi32>], vector<16xf32>,
          %gather3A_383 = tpu.vector_load_idx %arg9[%add3A_23, %and3A_377] : memref<128x128xf32, #tpu.memory_space<vmem>>[vector<16xi32>, vector<16xi32>], vector<16xf32>,
          %gather3A_384 = tpu.vector_load_idx %arg9[%add3A_26, %and3A_377] : memref<128x128xf32, #tpu.memory_space<vmem>>[vector<16xi32>, vector<16xi32>], vector<16xf32>,
          tpu.vector_store_idx %arg11[%and3A_377, %add3A_5], %gather3A : memref<128x128xf32, #tpu.memory_space<vmem>>[vector<16xi32>, vector<16xi32>], vector<16xf32>,
          tpu.vector_store_idx %arg11[%and3A_377, %add3A_8], %gather3A_378 : memref<128x128xf32, #tpu.memory_space<vmem>>[vector<16xi32>, vector<16xi32>], vector<16xf32>,
          tpu.vector_store_idx %arg11[%and3A_377, %add3A_11], %gather3A_379 : memref<128x128xf32, #tpu.memory_space<vmem>>[vector<16xi32>, vector<16xi32>], vector<16xf32>,
          tpu.vector_store_idx %arg11[%and3A_377, %add3A_14], %gather3A_380 : memref<128x128xf32, #tpu.memory_space<vmem>>[vector<16xi32>, vector<16xi32>], vector<16xf32>,
          tpu.vector_store_idx %arg11[%and3A_377, %add3A_17], %gather3A_381 : memref<128x128xf32, #tpu.memory_space<vmem>>[vector<16xi32>, vector<16xi32>], vector<16xf32>,
          tpu.vector_store_idx %arg11[%and3A_377, %add3A_20], %gather3A_382 : memref<128x128xf32, #tpu.memory_space<vmem>>[vector<16xi32>, vector<16xi32>], vector<16xf32>,
          tpu.vector_store_idx %arg11[%and3A_377, %add3A_23], %gather3A_383 : memref<128x128xf32, #tpu.memory_space<vmem>>[vector<16xi32>, vector<16xi32>], vector<16xf32>,
          tpu.vector_store_idx %arg11[%and3A_377, %add3A_26], %gather3A_384 : memref<128x128xf32, #tpu.memory_space<vmem>>[vector<16xi32>, vector<16xi32>], vector<16xf32>,
          %mul3A_385 = arith.constant 4 : i32
          %mul3A_386 = arith.muli %scan3A_369, %mul3A_385 : i32
          %add3A_387 = arith.constant 1 : i32
          %add3A_388 = arith.addi %mul3A_386, %add3A_387 : i32
          %add3A_389 = vector.broadcast %add3A_388 : i32 to vector<16xi32>
          %add3A_390 = arith.addi %iota3A, %add3A_389 : vector<16xi32>
          %and3A_391 = arith.constant 127 : i32
          %and3A_392 = vector.broadcast %and3A_391 : i32 to vector<16xi32>
          %and3A_393 = arith.andi %add3A_390, %and3A_392 : vector<16xi32>
          %gather3A_394 = tpu.vector_load_idx %arg9[%add3A_5, %and3A_393] : memref<128x128xf32, #tpu.memory_space<vmem>>[vector<16xi32>, vector<16xi32>], vector<16xf32>,
          %gather3A_395 = tpu.vector_load_idx %arg9[%add3A_8, %and3A_393] : memref<128x128xf32, #tpu.memory_space<vmem>>[vector<16xi32>, vector<16xi32>], vector<16xf32>,
          %gather3A_396 = tpu.vector_load_idx %arg9[%add3A_11, %and3A_393] : memref<128x128xf32, #tpu.memory_space<vmem>>[vector<16xi32>, vector<16xi32>], vector<16xf32>,
          %gather3A_397 = tpu.vector_load_idx %arg9[%add3A_14, %and3A_393] : memref<128x128xf32, #tpu.memory_space<vmem>>[vector<16xi32>, vector<16xi32>], vector<16xf32>,
          %gather3A_398 = tpu.vector_load_idx %arg9[%add3A_17, %and3A_393] : memref<128x128xf32, #tpu.memory_space<vmem>>[vector<16xi32>, vector<16xi32>], vector<16xf32>,
          %gather3A_399 = tpu.vector_load_idx %arg9[%add3A_20, %and3A_393] : memref<128x128xf32, #tpu.memory_space<vmem>>[vector<16xi32>, vector<16xi32>], vector<16xf32>,
          %gather3A_400 = tpu.vector_load_idx %arg9[%add3A_23, %and3A_393] : memref<128x128xf32, #tpu.memory_space<vmem>>[vector<16xi32>, vector<16xi32>], vector<16xf32>,
          %gather3A_401 = tpu.vector_load_idx %arg9[%add3A_26, %and3A_393] : memref<128x128xf32, #tpu.memory_space<vmem>>[vector<16xi32>, vector<16xi32>], vector<16xf32>,
          tpu.vector_store_idx %arg11[%and3A_393, %add3A_5], %gather3A_394 : memref<128x128xf32, #tpu.memory_space<vmem>>[vector<16xi32>, vector<16xi32>], vector<16xf32>,
          tpu.vector_store_idx %arg11[%and3A_393, %add3A_8], %gather3A_395 : memref<128x128xf32, #tpu.memory_space<vmem>>[vector<16xi32>, vector<16xi32>], vector<16xf32>,
          tpu.vector_store_idx %arg11[%and3A_393, %add3A_11], %gather3A_396 : memref<128x128xf32, #tpu.memory_space<vmem>>[vector<16xi32>, vector<16xi32>], vector<16xf32>,
          tpu.vector_store_idx %arg11[%and3A_393, %add3A_14], %gather3A_397 : memref<128x128xf32, #tpu.memory_space<vmem>>[vector<16xi32>, vector<16xi32>], vector<16xf32>,
          tpu.vector_store_idx %arg11[%and3A_393, %add3A_17], %gather3A_398 : memref<128x128xf32, #tpu.memory_space<vmem>>[vector<16xi32>, vector<16xi32>], vector<16xf32>,
          tpu.vector_store_idx %arg11[%and3A_393, %add3A_20], %gather3A_399 : memref<128x128xf32, #tpu.memory_space<vmem>>[vector<16xi32>, vector<16xi32>], vector<16xf32>,
          tpu.vector_store_idx %arg11[%and3A_393, %add3A_23], %gather3A_400 : memref<128x128xf32, #tpu.memory_space<vmem>>[vector<16xi32>, vector<16xi32>], vector<16xf32>,
          tpu.vector_store_idx %arg11[%and3A_393, %add3A_26], %gather3A_401 : memref<128x128xf32, #tpu.memory_space<vmem>>[vector<16xi32>, vector<16xi32>], vector<16xf32>,
          %mul3A_402 = arith.constant 4 : i32
          %mul3A_403 = arith.muli %scan3A_369, %mul3A_402 : i32
          %add3A_404 = arith.constant 2 : i32
          %add3A_405 = arith.addi %mul3A_403, %add3A_404 : i32
          %add3A_406 = vector.broadcast %add3A_405 : i32 to vector<16xi32>
          %add3A_407 = arith.addi %iota3A, %add3A_406 : vector<16xi32>
          %and3A_408 = arith.constant 127 : i32
          %and3A_409 = vector.broadcast %and3A_408 : i32 to vector<16xi32>
          %and3A_410 = arith.andi %add3A_407, %and3A_409 : vector<16xi32>
          %gather3A_411 = tpu.vector_load_idx %arg9[%add3A_5, %and3A_410] : memref<128x128xf32, #tpu.memory_space<vmem>>[vector<16xi32>, vector<16xi32>], vector<16xf32>,
          %gather3A_412 = tpu.vector_load_idx %arg9[%add3A_8, %and3A_410] : memref<128x128xf32, #tpu.memory_space<vmem>>[vector<16xi32>, vector<16xi32>], vector<16xf32>,
          %gather3A_413 = tpu.vector_load_idx %arg9[%add3A_11, %and3A_410] : memref<128x128xf32, #tpu.memory_space<vmem>>[vector<16xi32>, vector<16xi32>], vector<16xf32>,
          %gather3A_414 = tpu.vector_load_idx %arg9[%add3A_14, %and3A_410] : memref<128x128xf32, #tpu.memory_space<vmem>>[vector<16xi32>, vector<16xi32>], vector<16xf32>,
          %gather3A_415 = tpu.vector_load_idx %arg9[%add3A_17, %and3A_410] : memref<128x128xf32, #tpu.memory_space<vmem>>[vector<16xi32>, vector<16xi32>], vector<16xf32>,
          %gather3A_416 = tpu.vector_load_idx %arg9[%add3A_20, %and3A_410] : memref<128x128xf32, #tpu.memory_space<vmem>>[vector<16xi32>, vector<16xi32>], vector<16xf32>,
          %gather3A_417 = tpu.vector_load_idx %arg9[%add3A_23, %and3A_410] : memref<128x128xf32, #tpu.memory_space<vmem>>[vector<16xi32>, vector<16xi32>], vector<16xf32>,
          %gather3A_418 = tpu.vector_load_idx %arg9[%add3A_26, %and3A_410] : memref<128x128xf32, #tpu.memory_space<vmem>>[vector<16xi32>, vector<16xi32>], vector<16xf32>,
          tpu.vector_store_idx %arg11[%and3A_410, %add3A_5], %gather3A_411 : memref<128x128xf32, #tpu.memory_space<vmem>>[vector<16xi32>, vector<16xi32>], vector<16xf32>,
          tpu.vector_store_idx %arg11[%and3A_410, %add3A_8], %gather3A_412 : memref<128x128xf32, #tpu.memory_space<vmem>>[vector<16xi32>, vector<16xi32>], vector<16xf32>,
          tpu.vector_store_idx %arg11[%and3A_410, %add3A_11], %gather3A_413 : memref<128x128xf32, #tpu.memory_space<vmem>>[vector<16xi32>, vector<16xi32>], vector<16xf32>,
          tpu.vector_store_idx %arg11[%and3A_410, %add3A_14], %gather3A_414 : memref<128x128xf32, #tpu.memory_space<vmem>>[vector<16xi32>, vector<16xi32>], vector<16xf32>,
          tpu.vector_store_idx %arg11[%and3A_410, %add3A_17], %gather3A_415 : memref<128x128xf32, #tpu.memory_space<vmem>>[vector<16xi32>, vector<16xi32>], vector<16xf32>,
          tpu.vector_store_idx %arg11[%and3A_410, %add3A_20], %gather3A_416 : memref<128x128xf32, #tpu.memory_space<vmem>>[vector<16xi32>, vector<16xi32>], vector<16xf32>,
          tpu.vector_store_idx %arg11[%and3A_410, %add3A_23], %gather3A_417 : memref<128x128xf32, #tpu.memory_space<vmem>>[vector<16xi32>, vector<16xi32>], vector<16xf32>,
          tpu.vector_store_idx %arg11[%and3A_410, %add3A_26], %gather3A_418 : memref<128x128xf32, #tpu.memory_space<vmem>>[vector<16xi32>, vector<16xi32>], vector<16xf32>,
          %mul3A_419 = arith.constant 4 : i32
          %mul3A_420 = arith.muli %scan3A_369, %mul3A_419 : i32
          %add3A_421 = arith.constant 3 : i32
          %add3A_422 = arith.addi %mul3A_420, %add3A_421 : i32
          %add3A_423 = vector.broadcast %add3A_422 : i32 to vector<16xi32>
          %add3A_424 = arith.addi %iota3A, %add3A_423 : vector<16xi32>
          %and3A_425 = arith.constant 127 : i32
          %and3A_426 = vector.broadcast %and3A_425 : i32 to vector<16xi32>
          %and3A_427 = arith.andi %add3A_424, %and3A_426 : vector<16xi32>
          %gather3A_428 = tpu.vector_load_idx %arg9[%add3A_5, %and3A_427] : memref<128x128xf32, #tpu.memory_space<vmem>>[vector<16xi32>, vector<16xi32>], vector<16xf32>,
          %gather3A_429 = tpu.vector_load_idx %arg9[%add3A_8, %and3A_427] : memref<128x128xf32, #tpu.memory_space<vmem>>[vector<16xi32>, vector<16xi32>], vector<16xf32>,
          %gather3A_430 = tpu.vector_load_idx %arg9[%add3A_11, %and3A_427] : memref<128x128xf32, #tpu.memory_space<vmem>>[vector<16xi32>, vector<16xi32>], vector<16xf32>,
          %gather3A_431 = tpu.vector_load_idx %arg9[%add3A_14, %and3A_427] : memref<128x128xf32, #tpu.memory_space<vmem>>[vector<16xi32>, vector<16xi32>], vector<16xf32>,
          %gather3A_432 = tpu.vector_load_idx %arg9[%add3A_17, %and3A_427] : memref<128x128xf32, #tpu.memory_space<vmem>>[vector<16xi32>, vector<16xi32>], vector<16xf32>,
          %gather3A_433 = tpu.vector_load_idx %arg9[%add3A_20, %and3A_427] : memref<128x128xf32, #tpu.memory_space<vmem>>[vector<16xi32>, vector<16xi32>], vector<16xf32>,
          %gather3A_434 = tpu.vector_load_idx %arg9[%add3A_23, %and3A_427] : memref<128x128xf32, #tpu.memory_space<vmem>>[vector<16xi32>, vector<16xi32>], vector<16xf32>,
          %gather3A_435 = tpu.vector_load_idx %arg9[%add3A_26, %and3A_427] : memref<128x128xf32, #tpu.memory_space<vmem>>[vector<16xi32>, vector<16xi32>], vector<16xf32>,
          tpu.vector_store_idx %arg11[%and3A_427, %add3A_5], %gather3A_428 : memref<128x128xf32, #tpu.memory_space<vmem>>[vector<16xi32>, vector<16xi32>], vector<16xf32>,
          tpu.vector_store_idx %arg11[%and3A_427, %add3A_8], %gather3A_429 : memref<128x128xf32, #tpu.memory_space<vmem>>[vector<16xi32>, vector<16xi32>], vector<16xf32>,
          tpu.vector_store_idx %arg11[%and3A_427, %add3A_11], %gather3A_430 : memref<128x128xf32, #tpu.memory_space<vmem>>[vector<16xi32>, vector<16xi32>], vector<16xf32>,
          tpu.vector_store_idx %arg11[%and3A_427, %add3A_14], %gather3A_431 : memref<128x128xf32, #tpu.memory_space<vmem>>[vector<16xi32>, vector<16xi32>], vector<16xf32>,
          tpu.vector_store_idx %arg11[%and3A_427, %add3A_17], %gather3A_432 : memref<128x128xf32, #tpu.memory_space<vmem>>[vector<16xi32>, vector<16xi32>], vector<16xf32>,
          tpu.vector_store_idx %arg11[%and3A_427, %add3A_20], %gather3A_433 : memref<128x128xf32, #tpu.memory_space<vmem>>[vector<16xi32>, vector<16xi32>], vector<16xf32>,
          tpu.vector_store_idx %arg11[%and3A_427, %add3A_23], %gather3A_434 : memref<128x128xf32, #tpu.memory_space<vmem>>[vector<16xi32>, vector<16xi32>], vector<16xf32>,
          tpu.vector_store_idx %arg11[%and3A_427, %add3A_26], %gather3A_435 : memref<128x128xf32, #tpu.memory_space<vmem>>[vector<16xi32>, vector<16xi32>], vector<16xf32>,
        }
        %scan3A_321 = arith.constant 32 : i32
        %add3A_322 = arith.constant 2 : i32
        %add3A_323 = arith.addi %mul3A_304, %add3A_322 : i32
        %le3A_324 = arith.constant 7 : i32
        %le3A_325 = arith.cmpi sle, %add3A_323, %le3A_324 : i32
        %convert_element_type3A_326 = arith.extui %le3A_325 : i1 to i32
        %cond3A_327 = arith.constant 0 : i32
        %cond3A_328 = arith.cmpi ne, %convert_element_type3A_326, %cond3A_327 : i32
        scf.if %cond3A_328 {
          %add3A_369 = arith.constant 2 : i32
          %add3A_370 = arith.addi %mul3A_304, %add3A_369 : i32
          %get3A_371 = arith.constant 0 : index
          %get3A_372 = tpu.vector_load %arg6[%get3A_371] {strides = array<i32>} : memref<128xi32, #tpu.memory_space<vmem>>, vector<16xi32>,
          %add3A_373 = vector.broadcast %add3A_370 : i32 to vector<16xi32>
          %add3A_374 = arith.addi %get3A_372, %add3A_373 : vector<16xi32>
          %swap3A_375 = arith.constant 0 : index
          %swap3A_376 = tpu.vector_load %arg7[%swap3A_375] {strides = array<i32>} : memref<128xi32, #tpu.memory_space<vmem>>, vector<16xi32>,
          tpu.vector_store %arg7[%swap3A_375], %add3A_374 {strides = array<i32>} : memref<128xi32, #tpu.memory_space<vmem>>, vector<16xi32>,
          %get3A_377 = arith.constant 16 : index
          %get3A_378 = tpu.vector_load %arg6[%get3A_377] {strides = array<i32>} : memref<128xi32, #tpu.memory_space<vmem>>, vector<16xi32>,
          %add3A_379 = vector.broadcast %add3A_370 : i32 to vector<16xi32>
          %add3A_380 = arith.addi %get3A_378, %add3A_379 : vector<16xi32>
          %swap3A_381 = arith.constant 16 : index
          %swap3A_382 = tpu.vector_load %arg7[%swap3A_381] {strides = array<i32>} : memref<128xi32, #tpu.memory_space<vmem>>, vector<16xi32>,
          tpu.vector_store %arg7[%swap3A_381], %add3A_380 {strides = array<i32>} : memref<128xi32, #tpu.memory_space<vmem>>, vector<16xi32>,
          %get3A_383 = arith.constant 32 : index
          %get3A_384 = tpu.vector_load %arg6[%get3A_383] {strides = array<i32>} : memref<128xi32, #tpu.memory_space<vmem>>, vector<16xi32>,
          %add3A_385 = vector.broadcast %add3A_370 : i32 to vector<16xi32>
          %add3A_386 = arith.addi %get3A_384, %add3A_385 : vector<16xi32>
          %swap3A_387 = arith.constant 32 : index
          %swap3A_388 = tpu.vector_load %arg7[%swap3A_387] {strides = array<i32>} : memref<128xi32, #tpu.memory_space<vmem>>, vector<16xi32>,
          tpu.vector_store %arg7[%swap3A_387], %add3A_386 {strides = array<i32>} : memref<128xi32, #tpu.memory_space<vmem>>, vector<16xi32>,
          %get3A_389 = arith.constant 48 : index
          %get3A_390 = tpu.vector_load %arg6[%get3A_389] {strides = array<i32>} : memref<128xi32, #tpu.memory_space<vmem>>, vector<16xi32>,
          %add3A_391 = vector.broadcast %add3A_370 : i32 to vector<16xi32>
          %add3A_392 = arith.addi %get3A_390, %add3A_391 : vector<16xi32>
          %swap3A_393 = arith.constant 48 : index
          %swap3A_394 = tpu.vector_load %arg7[%swap3A_393] {strides = array<i32>} : memref<128xi32, #tpu.memory_space<vmem>>, vector<16xi32>,
          tpu.vector_store %arg7[%swap3A_393], %add3A_392 {strides = array<i32>} : memref<128xi32, #tpu.memory_space<vmem>>, vector<16xi32>,
          %get3A_395 = arith.constant 64 : index
          %get3A_396 = tpu.vector_load %arg6[%get3A_395] {strides = array<i32>} : memref<128xi32, #tpu.memory_space<vmem>>, vector<16xi32>,
          %add3A_397 = vector.broadcast %add3A_370 : i32 to vector<16xi32>
          %add3A_398 = arith.addi %get3A_396, %add3A_397 : vector<16xi32>
          %swap3A_399 = arith.constant 64 : index
          %swap3A_400 = tpu.vector_load %arg7[%swap3A_399] {strides = array<i32>} : memref<128xi32, #tpu.memory_space<vmem>>, vector<16xi32>,
          tpu.vector_store %arg7[%swap3A_399], %add3A_398 {strides = array<i32>} : memref<128xi32, #tpu.memory_space<vmem>>, vector<16xi32>,
          %get3A_401 = arith.constant 80 : index
          %get3A_402 = tpu.vector_load %arg6[%get3A_401] {strides = array<i32>} : memref<128xi32, #tpu.memory_space<vmem>>, vector<16xi32>,
          %add3A_403 = vector.broadcast %add3A_370 : i32 to vector<16xi32>
          %add3A_404 = arith.addi %get3A_402, %add3A_403 : vector<16xi32>
          %swap3A_405 = arith.constant 80 : index
          %swap3A_406 = tpu.vector_load %arg7[%swap3A_405] {strides = array<i32>} : memref<128xi32, #tpu.memory_space<vmem>>, vector<16xi32>,
          tpu.vector_store %arg7[%swap3A_405], %add3A_404 {strides = array<i32>} : memref<128xi32, #tpu.memory_space<vmem>>, vector<16xi32>,
          %get3A_407 = arith.constant 96 : index
          %get3A_408 = tpu.vector_load %arg6[%get3A_407] {strides = array<i32>} : memref<128xi32, #tpu.memory_space<vmem>>, vector<16xi32>,
          %add3A_409 = vector.broadcast %add3A_370 : i32 to vector<16xi32>
          %add3A_410 = arith.addi %get3A_408, %add3A_409 : vector<16xi32>
          %swap3A_411 = arith.constant 96 : index
          %swap3A_412 = tpu.vector_load %arg7[%swap3A_411] {strides = array<i32>} : memref<128xi32, #tpu.memory_space<vmem>>, vector<16xi32>,
          tpu.vector_store %arg7[%swap3A_411], %add3A_410 {strides = array<i32>} : memref<128xi32, #tpu.memory_space<vmem>>, vector<16xi32>,
          %get3A_413 = arith.constant 112 : index
          %get3A_414 = tpu.vector_load %arg6[%get3A_413] {strides = array<i32>} : memref<128xi32, #tpu.memory_space<vmem>>, vector<16xi32>,
          %add3A_415 = vector.broadcast %add3A_370 : i32 to vector<16xi32>
          %add3A_416 = arith.addi %get3A_414, %add3A_415 : vector<16xi32>
          %swap3A_417 = arith.constant 112 : index
          %swap3A_418 = tpu.vector_load %arg7[%swap3A_417] {strides = array<i32>} : memref<128xi32, #tpu.memory_space<vmem>>, vector<16xi32>,
          tpu.vector_store %arg7[%swap3A_417], %add3A_416 {strides = array<i32>} : memref<128xi32, #tpu.memory_space<vmem>>, vector<16xi32>,
          %dma_start3A_419 = arith.constant 0 : i32
          %dma_start3A_420 = arith.constant 0 : i32
          %dma_start3A_421 = tpu.memref_slice %arg2[%dma_start3A_419, %dma_start3A_420] : memref<8000x128xf32, #tpu.memory_space<hbm>> -> memref<8000x128xf32, #tpu.memory_space<hbm>>
          tpu.enqueue_indirect_dma source(%dma_start3A_421 : memref<8000x128xf32, #tpu.memory_space<hbm>>) target(%arg9 : memref<128x128xf32, #tpu.memory_space<vmem>>) offsets(%arg7 : memref<128xi32, #tpu.memory_space<vmem>>) semaphore(%arg14 : memref<!tpu.dma_semaphore, #tpu.memory_space<semaphore_mem>>)
        } else {
        }
        %mul3A_329 = arith.constant 128 : i32
        %mul3A_330 = arith.muli %mul3A_304, %mul3A_329 : i32
        %mul3A_331 = arith.constant 128 : i32
        %mul3A_332 = arith.muli %add3A_68, %mul3A_331 : i32
        %dma_start3A_333 = tpu.memref_slice %arg4[%mul3A_330, %mul3A_332] : memref<1000x51200xf32, #tpu.memory_space<hbm>> -> memref<128x128xf32, #tpu.memory_space<hbm>>
        %dma_start3A_334 = tpu.memref_slice %arg4[%mul3A_330, %mul3A_332] : memref<1000x51200xf32, #tpu.memory_space<hbm>> -> memref<128x128xf32, #tpu.memory_space<hbm>>
        tpu.enqueue_dma source(%arg11 : memref<128x128xf32, #tpu.memory_space<vmem>>) target(%dma_start3A_334 : memref<128x128xf32, #tpu.memory_space<hbm>>) target_semaphore(%arg16 : memref<!tpu.dma_semaphore, #tpu.memory_space<semaphore_mem>>)
        %mul3A_335 = arith.constant 2 : i32
        %mul3A_336 = arith.muli %mul3A_335, %scan3A_302 : i32
        %add3A_337 = arith.constant 1 : i32
        %add3A_338 = arith.addi %mul3A_336, %add3A_337 : i32
        %dma_wait3A_339 = arith.constant 0 : i32
        %dma_wait3A_340 = arith.constant 0 : i32
        %dma_wait3A_341 = tpu.memref_slice %arg2[%dma_wait3A_339, %dma_wait3A_340] : memref<8000x128xf32, #tpu.memory_space<hbm>> -> memref<8000x128xf32, #tpu.memory_space<hbm>>
        tpu.wait_indirect_dma semaphore(%arg15 : memref<!tpu.dma_semaphore, #tpu.memory_space<semaphore_mem>>) src(%dma_wait3A_341 : memref<8000x128xf32, #tpu.memory_space<hbm>>) dst(%arg10 : memref<128x128xf32, #tpu.memory_space<vmem>>)
        %ge3A_342 = arith.constant 2 : i32
        %ge3A_343 = arith.cmpi sge, %add3A_338, %ge3A_342 : i32
        %gt3A_344 = arith.constant 0 : i32
        %gt3A_345 = arith.cmpi sgt, %while3A_65, %gt3A_344 : i32
        %or3A_346 = arith.ori %ge3A_343, %gt3A_345 : i1
        %convert_element_type3A_347 = arith.extui %or3A_346 : i1 to i32
        %cond3A_348 = arith.constant 0 : i32
        %cond3A_349 = arith.cmpi ne, %convert_element_type3A_347, %cond3A_348 : i32
        scf.if %cond3A_349 {
          %mul3A_369 = arith.constant 128 : i32
          %mul3A_370 = arith.muli %add3A_338, %mul3A_369 : i32
          %mul3A_371 = arith.constant 128 : i32
          %mul3A_372 = arith.muli %add3A_68, %mul3A_371 : i32
          %dma_wait3A_373 = tpu.memref_slice %arg4[%mul3A_370, %mul3A_372] : memref<1000x51200xf32, #tpu.memory_space<hbm>> -> memref<128x128xf32, #tpu.memory_space<hbm>>
          %dma_wait3A_374 = tpu.memref_slice %arg4[%mul3A_370, %mul3A_372] : memref<1000x51200xf32, #tpu.memory_space<hbm>> -> memref<128x128xf32, #tpu.memory_space<hbm>>
          tpu.wait_dma2 semaphore(%arg17 : memref<!tpu.dma_semaphore, #tpu.memory_space<semaphore_mem>>) src(%arg12 : memref<128x128xf32, #tpu.memory_space<vmem>>) dst(%dma_wait3A_374 : memref<128x128xf32, #tpu.memory_space<hbm>>)
        } else {
        }
        %scan3A_350 = arith.constant 0 : i32
        %scan3A_351 = arith.constant 0 : i32
        %scan3A_352 = arith.constant 32 : i32
        %scan3A_353 = arith.addi %scan3A_351, %scan3A_352 : i32
        %scan3A_354 = arith.constant 1 : i32
        scf.for %scan3A_369 = %scan3A_351 to %scan3A_353 step %scan3A_354  : i32 {
          %mul3A_370 = arith.constant 4 : i32
          %mul3A_371 = arith.muli %scan3A_369, %mul3A_370 : i32
          %add3A_372 = arith.constant 0 : i32
          %add3A_373 = arith.addi %mul3A_371, %add3A_372 : i32
          %add3A_374 = vector.broadcast %add3A_373 : i32 to vector<16xi32>
          %add3A_375 = arith.addi %iota3A, %add3A_374 : vector<16xi32>
          %and3A = arith.constant 127 : i32
          %and3A_376 = vector.broadcast %and3A : i32 to vector<16xi32>
          %and3A_377 = arith.andi %add3A_375, %and3A_376 : vector<16xi32>
          %gather3A = tpu.vector_load_idx %arg10[%add3A_5, %and3A_377] : memref<128x128xf32, #tpu.memory_space<vmem>>[vector<16xi32>, vector<16xi32>], vector<16xf32>,
          %gather3A_378 = tpu.vector_load_idx %arg10[%add3A_8, %and3A_377] : memref<128x128xf32, #tpu.memory_space<vmem>>[vector<16xi32>, vector<16xi32>], vector<16xf32>,
          %gather3A_379 = tpu.vector_load_idx %arg10[%add3A_11, %and3A_377] : memref<128x128xf32, #tpu.memory_space<vmem>>[vector<16xi32>, vector<16xi32>], vector<16xf32>,
          %gather3A_380 = tpu.vector_load_idx %arg10[%add3A_14, %and3A_377] : memref<128x128xf32, #tpu.memory_space<vmem>>[vector<16xi32>, vector<16xi32>], vector<16xf32>,
          %gather3A_381 = tpu.vector_load_idx %arg10[%add3A_17, %and3A_377] : memref<128x128xf32, #tpu.memory_space<vmem>>[vector<16xi32>, vector<16xi32>], vector<16xf32>,
          %gather3A_382 = tpu.vector_load_idx %arg10[%add3A_20, %and3A_377] : memref<128x128xf32, #tpu.memory_space<vmem>>[vector<16xi32>, vector<16xi32>], vector<16xf32>,
          %gather3A_383 = tpu.vector_load_idx %arg10[%add3A_23, %and3A_377] : memref<128x128xf32, #tpu.memory_space<vmem>>[vector<16xi32>, vector<16xi32>], vector<16xf32>,
          %gather3A_384 = tpu.vector_load_idx %arg10[%add3A_26, %and3A_377] : memref<128x128xf32, #tpu.memory_space<vmem>>[vector<16xi32>, vector<16xi32>], vector<16xf32>,
          tpu.vector_store_idx %arg12[%and3A_377, %add3A_5], %gather3A : memref<128x128xf32, #tpu.memory_space<vmem>>[vector<16xi32>, vector<16xi32>], vector<16xf32>,
          tpu.vector_store_idx %arg12[%and3A_377, %add3A_8], %gather3A_378 : memref<128x128xf32, #tpu.memory_space<vmem>>[vector<16xi32>, vector<16xi32>], vector<16xf32>,
          tpu.vector_store_idx %arg12[%and3A_377, %add3A_11], %gather3A_379 : memref<128x128xf32, #tpu.memory_space<vmem>>[vector<16xi32>, vector<16xi32>], vector<16xf32>,
          tpu.vector_store_idx %arg12[%and3A_377, %add3A_14], %gather3A_380 : memref<128x128xf32, #tpu.memory_space<vmem>>[vector<16xi32>, vector<16xi32>], vector<16xf32>,
          tpu.vector_store_idx %arg12[%and3A_377, %add3A_17], %gather3A_381 : memref<128x128xf32, #tpu.memory_space<vmem>>[vector<16xi32>, vector<16xi32>], vector<16xf32>,
          tpu.vector_store_idx %arg12[%and3A_377, %add3A_20], %gather3A_382 : memref<128x128xf32, #tpu.memory_space<vmem>>[vector<16xi32>, vector<16xi32>], vector<16xf32>,
          tpu.vector_store_idx %arg12[%and3A_377, %add3A_23], %gather3A_383 : memref<128x128xf32, #tpu.memory_space<vmem>>[vector<16xi32>, vector<16xi32>], vector<16xf32>,
          tpu.vector_store_idx %arg12[%and3A_377, %add3A_26], %gather3A_384 : memref<128x128xf32, #tpu.memory_space<vmem>>[vector<16xi32>, vector<16xi32>], vector<16xf32>,
          %mul3A_385 = arith.constant 4 : i32
          %mul3A_386 = arith.muli %scan3A_369, %mul3A_385 : i32
          %add3A_387 = arith.constant 1 : i32
          %add3A_388 = arith.addi %mul3A_386, %add3A_387 : i32
          %add3A_389 = vector.broadcast %add3A_388 : i32 to vector<16xi32>
          %add3A_390 = arith.addi %iota3A, %add3A_389 : vector<16xi32>
          %and3A_391 = arith.constant 127 : i32
          %and3A_392 = vector.broadcast %and3A_391 : i32 to vector<16xi32>
          %and3A_393 = arith.andi %add3A_390, %and3A_392 : vector<16xi32>
          %gather3A_394 = tpu.vector_load_idx %arg10[%add3A_5, %and3A_393] : memref<128x128xf32, #tpu.memory_space<vmem>>[vector<16xi32>, vector<16xi32>], vector<16xf32>,
          %gather3A_395 = tpu.vector_load_idx %arg10[%add3A_8, %and3A_393] : memref<128x128xf32, #tpu.memory_space<vmem>>[vector<16xi32>, vector<16xi32>], vector<16xf32>,
          %gather3A_396 = tpu.vector_load_idx %arg10[%add3A_11, %and3A_393] : memref<128x128xf32, #tpu.memory_space<vmem>>[vector<16xi32>, vector<16xi32>], vector<16xf32>,
          %gather3A_397 = tpu.vector_load_idx %arg10[%add3A_14, %and3A_393] : memref<128x128xf32, #tpu.memory_space<vmem>>[vector<16xi32>, vector<16xi32>], vector<16xf32>,
          %gather3A_398 = tpu.vector_load_idx %arg10[%add3A_17, %and3A_393] : memref<128x128xf32, #tpu.memory_space<vmem>>[vector<16xi32>, vector<16xi32>], vector<16xf32>,
          %gather3A_399 = tpu.vector_load_idx %arg10[%add3A_20, %and3A_393] : memref<128x128xf32, #tpu.memory_space<vmem>>[vector<16xi32>, vector<16xi32>], vector<16xf32>,
          %gather3A_400 = tpu.vector_load_idx %arg10[%add3A_23, %and3A_393] : memref<128x128xf32, #tpu.memory_space<vmem>>[vector<16xi32>, vector<16xi32>], vector<16xf32>,
          %gather3A_401 = tpu.vector_load_idx %arg10[%add3A_26, %and3A_393] : memref<128x128xf32, #tpu.memory_space<vmem>>[vector<16xi32>, vector<16xi32>], vector<16xf32>,
          tpu.vector_store_idx %arg12[%and3A_393, %add3A_5], %gather3A_394 : memref<128x128xf32, #tpu.memory_space<vmem>>[vector<16xi32>, vector<16xi32>], vector<16xf32>,
          tpu.vector_store_idx %arg12[%and3A_393, %add3A_8], %gather3A_395 : memref<128x128xf32, #tpu.memory_space<vmem>>[vector<16xi32>, vector<16xi32>], vector<16xf32>,
          tpu.vector_store_idx %arg12[%and3A_393, %add3A_11], %gather3A_396 : memref<128x128xf32, #tpu.memory_space<vmem>>[vector<16xi32>, vector<16xi32>], vector<16xf32>,
          tpu.vector_store_idx %arg12[%and3A_393, %add3A_14], %gather3A_397 : memref<128x128xf32, #tpu.memory_space<vmem>>[vector<16xi32>, vector<16xi32>], vector<16xf32>,
          tpu.vector_store_idx %arg12[%and3A_393, %add3A_17], %gather3A_398 : memref<128x128xf32, #tpu.memory_space<vmem>>[vector<16xi32>, vector<16xi32>], vector<16xf32>,
          tpu.vector_store_idx %arg12[%and3A_393, %add3A_20], %gather3A_399 : memref<128x128xf32, #tpu.memory_space<vmem>>[vector<16xi32>, vector<16xi32>], vector<16xf32>,
          tpu.vector_store_idx %arg12[%and3A_393, %add3A_23], %gather3A_400 : memref<128x128xf32, #tpu.memory_space<vmem>>[vector<16xi32>, vector<16xi32>], vector<16xf32>,
          tpu.vector_store_idx %arg12[%and3A_393, %add3A_26], %gather3A_401 : memref<128x128xf32, #tpu.memory_space<vmem>>[vector<16xi32>, vector<16xi32>], vector<16xf32>,
          %mul3A_402 = arith.constant 4 : i32
          %mul3A_403 = arith.muli %scan3A_369, %mul3A_402 : i32
          %add3A_404 = arith.constant 2 : i32
          %add3A_405 = arith.addi %mul3A_403, %add3A_404 : i32
          %add3A_406 = vector.broadcast %add3A_405 : i32 to vector<16xi32>
          %add3A_407 = arith.addi %iota3A, %add3A_406 : vector<16xi32>
          %and3A_408 = arith.constant 127 : i32
          %and3A_409 = vector.broadcast %and3A_408 : i32 to vector<16xi32>
          %and3A_410 = arith.andi %add3A_407, %and3A_409 : vector<16xi32>
          %gather3A_411 = tpu.vector_load_idx %arg10[%add3A_5, %and3A_410] : memref<128x128xf32, #tpu.memory_space<vmem>>[vector<16xi32>, vector<16xi32>], vector<16xf32>,
          %gather3A_412 = tpu.vector_load_idx %arg10[%add3A_8, %and3A_410] : memref<128x128xf32, #tpu.memory_space<vmem>>[vector<16xi32>, vector<16xi32>], vector<16xf32>,
          %gather3A_413 = tpu.vector_load_idx %arg10[%add3A_11, %and3A_410] : memref<128x128xf32, #tpu.memory_space<vmem>>[vector<16xi32>, vector<16xi32>], vector<16xf32>,
          %gather3A_414 = tpu.vector_load_idx %arg10[%add3A_14, %and3A_410] : memref<128x128xf32, #tpu.memory_space<vmem>>[vector<16xi32>, vector<16xi32>], vector<16xf32>,
          %gather3A_415 = tpu.vector_load_idx %arg10[%add3A_17, %and3A_410] : memref<128x128xf32, #tpu.memory_space<vmem>>[vector<16xi32>, vector<16xi32>], vector<16xf32>,
          %gather3A_416 = tpu.vector_load_idx %arg10[%add3A_20, %and3A_410] : memref<128x128xf32, #tpu.memory_space<vmem>>[vector<16xi32>, vector<16xi32>], vector<16xf32>,
          %gather3A_417 = tpu.vector_load_idx %arg10[%add3A_23, %and3A_410] : memref<128x128xf32, #tpu.memory_space<vmem>>[vector<16xi32>, vector<16xi32>], vector<16xf32>,
          %gather3A_418 = tpu.vector_load_idx %arg10[%add3A_26, %and3A_410] : memref<128x128xf32, #tpu.memory_space<vmem>>[vector<16xi32>, vector<16xi32>], vector<16xf32>,
          tpu.vector_store_idx %arg12[%and3A_410, %add3A_5], %gather3A_411 : memref<128x128xf32, #tpu.memory_space<vmem>>[vector<16xi32>, vector<16xi32>], vector<16xf32>,
          tpu.vector_store_idx %arg12[%and3A_410, %add3A_8], %gather3A_412 : memref<128x128xf32, #tpu.memory_space<vmem>>[vector<16xi32>, vector<16xi32>], vector<16xf32>,
          tpu.vector_store_idx %arg12[%and3A_410, %add3A_11], %gather3A_413 : memref<128x128xf32, #tpu.memory_space<vmem>>[vector<16xi32>, vector<16xi32>], vector<16xf32>,
          tpu.vector_store_idx %arg12[%and3A_410, %add3A_14], %gather3A_414 : memref<128x128xf32, #tpu.memory_space<vmem>>[vector<16xi32>, vector<16xi32>], vector<16xf32>,
          tpu.vector_store_idx %arg12[%and3A_410, %add3A_17], %gather3A_415 : memref<128x128xf32, #tpu.memory_space<vmem>>[vector<16xi32>, vector<16xi32>], vector<16xf32>,
          tpu.vector_store_idx %arg12[%and3A_410, %add3A_20], %gather3A_416 : memref<128x128xf32, #tpu.memory_space<vmem>>[vector<16xi32>, vector<16xi32>], vector<16xf32>,
          tpu.vector_store_idx %arg12[%and3A_410, %add3A_23], %gather3A_417 : memref<128x128xf32, #tpu.memory_space<vmem>>[vector<16xi32>, vector<16xi32>], vector<16xf32>,
          tpu.vector_store_idx %arg12[%and3A_410, %add3A_26], %gather3A_418 : memref<128x128xf32, #tpu.memory_space<vmem>>[vector<16xi32>, vector<16xi32>], vector<16xf32>,
          %mul3A_419 = arith.constant 4 : i32
          %mul3A_420 = arith.muli %scan3A_369, %mul3A_419 : i32
          %add3A_421 = arith.constant 3 : i32
          %add3A_422 = arith.addi %mul3A_420, %add3A_421 : i32
          %add3A_423 = vector.broadcast %add3A_422 : i32 to vector<16xi32>
          %add3A_424 = arith.addi %iota3A, %add3A_423 : vector<16xi32>
          %and3A_425 = arith.constant 127 : i32
          %and3A_426 = vector.broadcast %and3A_425 : i32 to vector<16xi32>
          %and3A_427 = arith.andi %add3A_424, %and3A_426 : vector<16xi32>
          %gather3A_428 = tpu.vector_load_idx %arg10[%add3A_5, %and3A_427] : memref<128x128xf32, #tpu.memory_space<vmem>>[vector<16xi32>, vector<16xi32>], vector<16xf32>,
          %gather3A_429 = tpu.vector_load_idx %arg10[%add3A_8, %and3A_427] : memref<128x128xf32, #tpu.memory_space<vmem>>[vector<16xi32>, vector<16xi32>], vector<16xf32>,
          %gather3A_430 = tpu.vector_load_idx %arg10[%add3A_11, %and3A_427] : memref<128x128xf32, #tpu.memory_space<vmem>>[vector<16xi32>, vector<16xi32>], vector<16xf32>,
          %gather3A_431 = tpu.vector_load_idx %arg10[%add3A_14, %and3A_427] : memref<128x128xf32, #tpu.memory_space<vmem>>[vector<16xi32>, vector<16xi32>], vector<16xf32>,
          %gather3A_432 = tpu.vector_load_idx %arg10[%add3A_17, %and3A_427] : memref<128x128xf32, #tpu.memory_space<vmem>>[vector<16xi32>, vector<16xi32>], vector<16xf32>,
          %gather3A_433 = tpu.vector_load_idx %arg10[%add3A_20, %and3A_427] : memref<128x128xf32, #tpu.memory_space<vmem>>[vector<16xi32>, vector<16xi32>], vector<16xf32>,
          %gather3A_434 = tpu.vector_load_idx %arg10[%add3A_23, %and3A_427] : memref<128x128xf32, #tpu.memory_space<vmem>>[vector<16xi32>, vector<16xi32>], vector<16xf32>,
          %gather3A_435 = tpu.vector_load_idx %arg10[%add3A_26, %and3A_427] : memref<128x128xf32, #tpu.memory_space<vmem>>[vector<16xi32>, vector<16xi32>], vector<16xf32>,
          tpu.vector_store_idx %arg12[%and3A_427, %add3A_5], %gather3A_428 : memref<128x128xf32, #tpu.memory_space<vmem>>[vector<16xi32>, vector<16xi32>], vector<16xf32>,
          tpu.vector_store_idx %arg12[%and3A_427, %add3A_8], %gather3A_429 : memref<128x128xf32, #tpu.memory_space<vmem>>[vector<16xi32>, vector<16xi32>], vector<16xf32>,
          tpu.vector_store_idx %arg12[%and3A_427, %add3A_11], %gather3A_430 : memref<128x128xf32, #tpu.memory_space<vmem>>[vector<16xi32>, vector<16xi32>], vector<16xf32>,
          tpu.vector_store_idx %arg12[%and3A_427, %add3A_14], %gather3A_431 : memref<128x128xf32, #tpu.memory_space<vmem>>[vector<16xi32>, vector<16xi32>], vector<16xf32>,
          tpu.vector_store_idx %arg12[%and3A_427, %add3A_17], %gather3A_432 : memref<128x128xf32, #tpu.memory_space<vmem>>[vector<16xi32>, vector<16xi32>], vector<16xf32>,
          tpu.vector_store_idx %arg12[%and3A_427, %add3A_20], %gather3A_433 : memref<128x128xf32, #tpu.memory_space<vmem>>[vector<16xi32>, vector<16xi32>], vector<16xf32>,
          tpu.vector_store_idx %arg12[%and3A_427, %add3A_23], %gather3A_434 : memref<128x128xf32, #tpu.memory_space<vmem>>[vector<16xi32>, vector<16xi32>], vector<16xf32>,
          tpu.vector_store_idx %arg12[%and3A_427, %add3A_26], %gather3A_435 : memref<128x128xf32, #tpu.memory_space<vmem>>[vector<16xi32>, vector<16xi32>], vector<16xf32>,
        }
        %scan3A_355 = arith.constant 32 : i32
        %add3A_356 = arith.constant 2 : i32
        %add3A_357 = arith.addi %add3A_338, %add3A_356 : i32
        %le3A_358 = arith.constant 7 : i32
        %le3A_359 = arith.cmpi sle, %add3A_357, %le3A_358 : i32
        %convert_element_type3A_360 = arith.extui %le3A_359 : i1 to i32
        %cond3A_361 = arith.constant 0 : i32
        %cond3A_362 = arith.cmpi ne, %convert_element_type3A_360, %cond3A_361 : i32
        scf.if %cond3A_362 {
          %add3A_369 = arith.constant 2 : i32
          %add3A_370 = arith.addi %add3A_338, %add3A_369 : i32
          %get3A_371 = arith.constant 0 : index
          %get3A_372 = tpu.vector_load %arg6[%get3A_371] {strides = array<i32>} : memref<128xi32, #tpu.memory_space<vmem>>, vector<16xi32>,
          %add3A_373 = vector.broadcast %add3A_370 : i32 to vector<16xi32>
          %add3A_374 = arith.addi %get3A_372, %add3A_373 : vector<16xi32>
          %swap3A_375 = arith.constant 0 : index
          %swap3A_376 = tpu.vector_load %arg8[%swap3A_375] {strides = array<i32>} : memref<128xi32, #tpu.memory_space<vmem>>, vector<16xi32>,
          tpu.vector_store %arg8[%swap3A_375], %add3A_374 {strides = array<i32>} : memref<128xi32, #tpu.memory_space<vmem>>, vector<16xi32>,
          %get3A_377 = arith.constant 16 : index
          %get3A_378 = tpu.vector_load %arg6[%get3A_377] {strides = array<i32>} : memref<128xi32, #tpu.memory_space<vmem>>, vector<16xi32>,
          %add3A_379 = vector.broadcast %add3A_370 : i32 to vector<16xi32>
          %add3A_380 = arith.addi %get3A_378, %add3A_379 : vector<16xi32>
          %swap3A_381 = arith.constant 16 : index
          %swap3A_382 = tpu.vector_load %arg8[%swap3A_381] {strides = array<i32>} : memref<128xi32, #tpu.memory_space<vmem>>, vector<16xi32>,
          tpu.vector_store %arg8[%swap3A_381], %add3A_380 {strides = array<i32>} : memref<128xi32, #tpu.memory_space<vmem>>, vector<16xi32>,
          %get3A_383 = arith.constant 32 : index
          %get3A_384 = tpu.vector_load %arg6[%get3A_383] {strides = array<i32>} : memref<128xi32, #tpu.memory_space<vmem>>, vector<16xi32>,
          %add3A_385 = vector.broadcast %add3A_370 : i32 to vector<16xi32>
          %add3A_386 = arith.addi %get3A_384, %add3A_385 : vector<16xi32>
          %swap3A_387 = arith.constant 32 : index
          %swap3A_388 = tpu.vector_load %arg8[%swap3A_387] {strides = array<i32>} : memref<128xi32, #tpu.memory_space<vmem>>, vector<16xi32>,
          tpu.vector_store %arg8[%swap3A_387], %add3A_386 {strides = array<i32>} : memref<128xi32, #tpu.memory_space<vmem>>, vector<16xi32>,
          %get3A_389 = arith.constant 48 : index
          %get3A_390 = tpu.vector_load %arg6[%get3A_389] {strides = array<i32>} : memref<128xi32, #tpu.memory_space<vmem>>, vector<16xi32>,
          %add3A_391 = vector.broadcast %add3A_370 : i32 to vector<16xi32>
          %add3A_392 = arith.addi %get3A_390, %add3A_391 : vector<16xi32>
          %swap3A_393 = arith.constant 48 : index
          %swap3A_394 = tpu.vector_load %arg8[%swap3A_393] {strides = array<i32>} : memref<128xi32, #tpu.memory_space<vmem>>, vector<16xi32>,
          tpu.vector_store %arg8[%swap3A_393], %add3A_392 {strides = array<i32>} : memref<128xi32, #tpu.memory_space<vmem>>, vector<16xi32>,
          %get3A_395 = arith.constant 64 : index
          %get3A_396 = tpu.vector_load %arg6[%get3A_395] {strides = array<i32>} : memref<128xi32, #tpu.memory_space<vmem>>, vector<16xi32>,
          %add3A_397 = vector.broadcast %add3A_370 : i32 to vector<16xi32>
          %add3A_398 = arith.addi %get3A_396, %add3A_397 : vector<16xi32>
          %swap3A_399 = arith.constant 64 : index
          %swap3A_400 = tpu.vector_load %arg8[%swap3A_399] {strides = array<i32>} : memref<128xi32, #tpu.memory_space<vmem>>, vector<16xi32>,
          tpu.vector_store %arg8[%swap3A_399], %add3A_398 {strides = array<i32>} : memref<128xi32, #tpu.memory_space<vmem>>, vector<16xi32>,
          %get3A_401 = arith.constant 80 : index
          %get3A_402 = tpu.vector_load %arg6[%get3A_401] {strides = array<i32>} : memref<128xi32, #tpu.memory_space<vmem>>, vector<16xi32>,
          %add3A_403 = vector.broadcast %add3A_370 : i32 to vector<16xi32>
          %add3A_404 = arith.addi %get3A_402, %add3A_403 : vector<16xi32>
          %swap3A_405 = arith.constant 80 : index
          %swap3A_406 = tpu.vector_load %arg8[%swap3A_405] {strides = array<i32>} : memref<128xi32, #tpu.memory_space<vmem>>, vector<16xi32>,
          tpu.vector_store %arg8[%swap3A_405], %add3A_404 {strides = array<i32>} : memref<128xi32, #tpu.memory_space<vmem>>, vector<16xi32>,
          %get3A_407 = arith.constant 96 : index
          %get3A_408 = tpu.vector_load %arg6[%get3A_407] {strides = array<i32>} : memref<128xi32, #tpu.memory_space<vmem>>, vector<16xi32>,
          %add3A_409 = vector.broadcast %add3A_370 : i32 to vector<16xi32>
          %add3A_410 = arith.addi %get3A_408, %add3A_409 : vector<16xi32>
          %swap3A_411 = arith.constant 96 : index
          %swap3A_412 = tpu.vector_load %arg8[%swap3A_411] {strides = array<i32>} : memref<128xi32, #tpu.memory_space<vmem>>, vector<16xi32>,
          tpu.vector_store %arg8[%swap3A_411], %add3A_410 {strides = array<i32>} : memref<128xi32, #tpu.memory_space<vmem>>, vector<16xi32>,
          %get3A_413 = arith.constant 112 : index
          %get3A_414 = tpu.vector_load %arg6[%get3A_413] {strides = array<i32>} : memref<128xi32, #tpu.memory_space<vmem>>, vector<16xi32>,
          %add3A_415 = vector.broadcast %add3A_370 : i32 to vector<16xi32>
          %add3A_416 = arith.addi %get3A_414, %add3A_415 : vector<16xi32>
          %swap3A_417 = arith.constant 112 : index
          %swap3A_418 = tpu.vector_load %arg8[%swap3A_417] {strides = array<i32>} : memref<128xi32, #tpu.memory_space<vmem>>, vector<16xi32>,
          tpu.vector_store %arg8[%swap3A_417], %add3A_416 {strides = array<i32>} : memref<128xi32, #tpu.memory_space<vmem>>, vector<16xi32>,
          %dma_start3A_419 = arith.constant 0 : i32
          %dma_start3A_420 = arith.constant 0 : i32
          %dma_start3A_421 = tpu.memref_slice %arg2[%dma_start3A_419, %dma_start3A_420] : memref<8000x128xf32, #tpu.memory_space<hbm>> -> memref<8000x128xf32, #tpu.memory_space<hbm>>
          tpu.enqueue_indirect_dma source(%dma_start3A_421 : memref<8000x128xf32, #tpu.memory_space<hbm>>) target(%arg10 : memref<128x128xf32, #tpu.memory_space<vmem>>) offsets(%arg8 : memref<128xi32, #tpu.memory_space<vmem>>) semaphore(%arg15 : memref<!tpu.dma_semaphore, #tpu.memory_space<semaphore_mem>>)
        } else {
        }
        %mul3A_363 = arith.constant 128 : i32
        %mul3A_364 = arith.muli %add3A_338, %mul3A_363 : i32
        %mul3A_365 = arith.constant 128 : i32
        %mul3A_366 = arith.muli %add3A_68, %mul3A_365 : i32
        %dma_start3A_367 = tpu.memref_slice %arg4[%mul3A_364, %mul3A_366] : memref<1000x51200xf32, #tpu.memory_space<hbm>> -> memref<128x128xf32, #tpu.memory_space<hbm>>
        %dma_start3A_368 = tpu.memref_slice %arg4[%mul3A_364, %mul3A_366] : memref<1000x51200xf32, #tpu.memory_space<hbm>> -> memref<128x128xf32, #tpu.memory_space<hbm>>
        tpu.enqueue_dma source(%arg12 : memref<128x128xf32, #tpu.memory_space<vmem>>) target(%dma_start3A_368 : memref<128x128xf32, #tpu.memory_space<hbm>>) target_semaphore(%arg17 : memref<!tpu.dma_semaphore, #tpu.memory_space<semaphore_mem>>)
      }
      %scan3A_246 = arith.constant 3 : i32
      %dma_wait3A_247 = arith.constant 0 : i32
      %dma_wait3A_248 = arith.constant 0 : i32
      %dma_wait3A_249 = tpu.memref_slice %arg2[%dma_wait3A_247, %dma_wait3A_248] : memref<8000x128xf32, #tpu.memory_space<hbm>> -> memref<8000x128xf32, #tpu.memory_space<hbm>>
      tpu.wait_indirect_dma semaphore(%arg14 : memref<!tpu.dma_semaphore, #tpu.memory_space<semaphore_mem>>) src(%dma_wait3A_249 : memref<8000x128xf32, #tpu.memory_space<hbm>>) dst(%arg9 : memref<128x128xf32, #tpu.memory_space<vmem>>)
      %ge3A = arith.constant 6 : i32
      %ge3A_250 = arith.constant 2 : i32
      %ge3A_251 = arith.cmpi sge, %ge3A, %ge3A_250 : i32
      %gt3A = arith.constant 0 : i32
      %gt3A_252 = arith.cmpi sgt, %while3A_65, %gt3A : i32
      %or3A = arith.ori %ge3A_251, %gt3A_252 : i1
      %convert_element_type3A = arith.extui %or3A : i1 to i32
      %cond3A = arith.constant 6 : i32
      %cond3A_253 = arith.constant 0 : i32
      %cond3A_254 = arith.cmpi ne, %convert_element_type3A, %cond3A_253 : i32
      scf.if %cond3A_254 {
        %mul3A_302 = arith.constant 128 : i32
        %mul3A_303 = arith.muli %cond3A, %mul3A_302 : i32
        %mul3A_304 = arith.constant 128 : i32
        %mul3A_305 = arith.muli %add3A_68, %mul3A_304 : i32
        %dma_wait3A_306 = tpu.memref_slice %arg4[%mul3A_303, %mul3A_305] : memref<1000x51200xf32, #tpu.memory_space<hbm>> -> memref<128x128xf32, #tpu.memory_space<hbm>>
        %dma_wait3A_307 = tpu.memref_slice %arg4[%mul3A_303, %mul3A_305] : memref<1000x51200xf32, #tpu.memory_space<hbm>> -> memref<128x128xf32, #tpu.memory_space<hbm>>
        tpu.wait_dma2 semaphore(%arg16 : memref<!tpu.dma_semaphore, #tpu.memory_space<semaphore_mem>>) src(%arg11 : memref<128x128xf32, #tpu.memory_space<vmem>>) dst(%dma_wait3A_307 : memref<128x128xf32, #tpu.memory_space<hbm>>)
      } else {
      }
      %scan3A_255 = arith.constant 0 : i32
      %scan3A_256 = arith.constant 0 : i32
      %scan3A_257 = arith.constant 32 : i32
      %scan3A_258 = arith.addi %scan3A_256, %scan3A_257 : i32
      %scan3A_259 = arith.constant 1 : i32
      scf.for %scan3A_302 = %scan3A_256 to %scan3A_258 step %scan3A_259  : i32 {
        %mul3A_303 = arith.constant 4 : i32
        %mul3A_304 = arith.muli %scan3A_302, %mul3A_303 : i32
        %add3A_305 = arith.constant 0 : i32
        %add3A_306 = arith.addi %mul3A_304, %add3A_305 : i32
        %add3A_307 = vector.broadcast %add3A_306 : i32 to vector<16xi32>
        %add3A_308 = arith.addi %iota3A, %add3A_307 : vector<16xi32>
        %and3A = arith.constant 127 : i32
        %and3A_309 = vector.broadcast %and3A : i32 to vector<16xi32>
        %and3A_310 = arith.andi %add3A_308, %and3A_309 : vector<16xi32>
        %gather3A = tpu.vector_load_idx %arg9[%add3A_5, %and3A_310] : memref<128x128xf32, #tpu.memory_space<vmem>>[vector<16xi32>, vector<16xi32>], vector<16xf32>,
        %gather3A_311 = tpu.vector_load_idx %arg9[%add3A_8, %and3A_310] : memref<128x128xf32, #tpu.memory_space<vmem>>[vector<16xi32>, vector<16xi32>], vector<16xf32>,
        %gather3A_312 = tpu.vector_load_idx %arg9[%add3A_11, %and3A_310] : memref<128x128xf32, #tpu.memory_space<vmem>>[vector<16xi32>, vector<16xi32>], vector<16xf32>,
        %gather3A_313 = tpu.vector_load_idx %arg9[%add3A_14, %and3A_310] : memref<128x128xf32, #tpu.memory_space<vmem>>[vector<16xi32>, vector<16xi32>], vector<16xf32>,
        %gather3A_314 = tpu.vector_load_idx %arg9[%add3A_17, %and3A_310] : memref<128x128xf32, #tpu.memory_space<vmem>>[vector<16xi32>, vector<16xi32>], vector<16xf32>,
        %gather3A_315 = tpu.vector_load_idx %arg9[%add3A_20, %and3A_310] : memref<128x128xf32, #tpu.memory_space<vmem>>[vector<16xi32>, vector<16xi32>], vector<16xf32>,
        %gather3A_316 = tpu.vector_load_idx %arg9[%add3A_23, %and3A_310] : memref<128x128xf32, #tpu.memory_space<vmem>>[vector<16xi32>, vector<16xi32>], vector<16xf32>,
        %gather3A_317 = tpu.vector_load_idx %arg9[%add3A_26, %and3A_310] : memref<128x128xf32, #tpu.memory_space<vmem>>[vector<16xi32>, vector<16xi32>], vector<16xf32>,
        tpu.vector_store_idx %arg11[%and3A_310, %add3A_5], %gather3A : memref<128x128xf32, #tpu.memory_space<vmem>>[vector<16xi32>, vector<16xi32>], vector<16xf32>,
        tpu.vector_store_idx %arg11[%and3A_310, %add3A_8], %gather3A_311 : memref<128x128xf32, #tpu.memory_space<vmem>>[vector<16xi32>, vector<16xi32>], vector<16xf32>,
        tpu.vector_store_idx %arg11[%and3A_310, %add3A_11], %gather3A_312 : memref<128x128xf32, #tpu.memory_space<vmem>>[vector<16xi32>, vector<16xi32>], vector<16xf32>,
        tpu.vector_store_idx %arg11[%and3A_310, %add3A_14], %gather3A_313 : memref<128x128xf32, #tpu.memory_space<vmem>>[vector<16xi32>, vector<16xi32>], vector<16xf32>,
        tpu.vector_store_idx %arg11[%and3A_310, %add3A_17], %gather3A_314 : memref<128x128xf32, #tpu.memory_space<vmem>>[vector<16xi32>, vector<16xi32>], vector<16xf32>,
        tpu.vector_store_idx %arg11[%and3A_310, %add3A_20], %gather3A_315 : memref<128x128xf32, #tpu.memory_space<vmem>>[vector<16xi32>, vector<16xi32>], vector<16xf32>,
        tpu.vector_store_idx %arg11[%and3A_310, %add3A_23], %gather3A_316 : memref<128x128xf32, #tpu.memory_space<vmem>>[vector<16xi32>, vector<16xi32>], vector<16xf32>,
        tpu.vector_store_idx %arg11[%and3A_310, %add3A_26], %gather3A_317 : memref<128x128xf32, #tpu.memory_space<vmem>>[vector<16xi32>, vector<16xi32>], vector<16xf32>,
        %mul3A_318 = arith.constant 4 : i32
        %mul3A_319 = arith.muli %scan3A_302, %mul3A_318 : i32
        %add3A_320 = arith.constant 1 : i32
        %add3A_321 = arith.addi %mul3A_319, %add3A_320 : i32
        %add3A_322 = vector.broadcast %add3A_321 : i32 to vector<16xi32>
        %add3A_323 = arith.addi %iota3A, %add3A_322 : vector<16xi32>
        %and3A_324 = arith.constant 127 : i32
        %and3A_325 = vector.broadcast %and3A_324 : i32 to vector<16xi32>
        %and3A_326 = arith.andi %add3A_323, %and3A_325 : vector<16xi32>
        %gather3A_327 = tpu.vector_load_idx %arg9[%add3A_5, %and3A_326] : memref<128x128xf32, #tpu.memory_space<vmem>>[vector<16xi32>, vector<16xi32>], vector<16xf32>,
        %gather3A_328 = tpu.vector_load_idx %arg9[%add3A_8, %and3A_326] : memref<128x128xf32, #tpu.memory_space<vmem>>[vector<16xi32>, vector<16xi32>], vector<16xf32>,
        %gather3A_329 = tpu.vector_load_idx %arg9[%add3A_11, %and3A_326] : memref<128x128xf32, #tpu.memory_space<vmem>>[vector<16xi32>, vector<16xi32>], vector<16xf32>,
        %gather3A_330 = tpu.vector_load_idx %arg9[%add3A_14, %and3A_326] : memref<128x128xf32, #tpu.memory_space<vmem>>[vector<16xi32>, vector<16xi32>], vector<16xf32>,
        %gather3A_331 = tpu.vector_load_idx %arg9[%add3A_17, %and3A_326] : memref<128x128xf32, #tpu.memory_space<vmem>>[vector<16xi32>, vector<16xi32>], vector<16xf32>,
        %gather3A_332 = tpu.vector_load_idx %arg9[%add3A_20, %and3A_326] : memref<128x128xf32, #tpu.memory_space<vmem>>[vector<16xi32>, vector<16xi32>], vector<16xf32>,
        %gather3A_333 = tpu.vector_load_idx %arg9[%add3A_23, %and3A_326] : memref<128x128xf32, #tpu.memory_space<vmem>>[vector<16xi32>, vector<16xi32>], vector<16xf32>,
        %gather3A_334 = tpu.vector_load_idx %arg9[%add3A_26, %and3A_326] : memref<128x128xf32, #tpu.memory_space<vmem>>[vector<16xi32>, vector<16xi32>], vector<16xf32>,
        tpu.vector_store_idx %arg11[%and3A_326, %add3A_5], %gather3A_327 : memref<128x128xf32, #tpu.memory_space<vmem>>[vector<16xi32>, vector<16xi32>], vector<16xf32>,
        tpu.vector_store_idx %arg11[%and3A_326, %add3A_8], %gather3A_328 : memref<128x128xf32, #tpu.memory_space<vmem>>[vector<16xi32>, vector<16xi32>], vector<16xf32>,
        tpu.vector_store_idx %arg11[%and3A_326, %add3A_11], %gather3A_329 : memref<128x128xf32, #tpu.memory_space<vmem>>[vector<16xi32>, vector<16xi32>], vector<16xf32>,
        tpu.vector_store_idx %arg11[%and3A_326, %add3A_14], %gather3A_330 : memref<128x128xf32, #tpu.memory_space<vmem>>[vector<16xi32>, vector<16xi32>], vector<16xf32>,
        tpu.vector_store_idx %arg11[%and3A_326, %add3A_17], %gather3A_331 : memref<128x128xf32, #tpu.memory_space<vmem>>[vector<16xi32>, vector<16xi32>], vector<16xf32>,
        tpu.vector_store_idx %arg11[%and3A_326, %add3A_20], %gather3A_332 : memref<128x128xf32, #tpu.memory_space<vmem>>[vector<16xi32>, vector<16xi32>], vector<16xf32>,
        tpu.vector_store_idx %arg11[%and3A_326, %add3A_23], %gather3A_333 : memref<128x128xf32, #tpu.memory_space<vmem>>[vector<16xi32>, vector<16xi32>], vector<16xf32>,
        tpu.vector_store_idx %arg11[%and3A_326, %add3A_26], %gather3A_334 : memref<128x128xf32, #tpu.memory_space<vmem>>[vector<16xi32>, vector<16xi32>], vector<16xf32>,
        %mul3A_335 = arith.constant 4 : i32
        %mul3A_336 = arith.muli %scan3A_302, %mul3A_335 : i32
        %add3A_337 = arith.constant 2 : i32
        %add3A_338 = arith.addi %mul3A_336, %add3A_337 : i32
        %add3A_339 = vector.broadcast %add3A_338 : i32 to vector<16xi32>
        %add3A_340 = arith.addi %iota3A, %add3A_339 : vector<16xi32>
        %and3A_341 = arith.constant 127 : i32
        %and3A_342 = vector.broadcast %and3A_341 : i32 to vector<16xi32>
        %and3A_343 = arith.andi %add3A_340, %and3A_342 : vector<16xi32>
        %gather3A_344 = tpu.vector_load_idx %arg9[%add3A_5, %and3A_343] : memref<128x128xf32, #tpu.memory_space<vmem>>[vector<16xi32>, vector<16xi32>], vector<16xf32>,
        %gather3A_345 = tpu.vector_load_idx %arg9[%add3A_8, %and3A_343] : memref<128x128xf32, #tpu.memory_space<vmem>>[vector<16xi32>, vector<16xi32>], vector<16xf32>,
        %gather3A_346 = tpu.vector_load_idx %arg9[%add3A_11, %and3A_343] : memref<128x128xf32, #tpu.memory_space<vmem>>[vector<16xi32>, vector<16xi32>], vector<16xf32>,
        %gather3A_347 = tpu.vector_load_idx %arg9[%add3A_14, %and3A_343] : memref<128x128xf32, #tpu.memory_space<vmem>>[vector<16xi32>, vector<16xi32>], vector<16xf32>,
        %gather3A_348 = tpu.vector_load_idx %arg9[%add3A_17, %and3A_343] : memref<128x128xf32, #tpu.memory_space<vmem>>[vector<16xi32>, vector<16xi32>], vector<16xf32>,
        %gather3A_349 = tpu.vector_load_idx %arg9[%add3A_20, %and3A_343] : memref<128x128xf32, #tpu.memory_space<vmem>>[vector<16xi32>, vector<16xi32>], vector<16xf32>,
        %gather3A_350 = tpu.vector_load_idx %arg9[%add3A_23, %and3A_343] : memref<128x128xf32, #tpu.memory_space<vmem>>[vector<16xi32>, vector<16xi32>], vector<16xf32>,
        %gather3A_351 = tpu.vector_load_idx %arg9[%add3A_26, %and3A_343] : memref<128x128xf32, #tpu.memory_space<vmem>>[vector<16xi32>, vector<16xi32>], vector<16xf32>,
        tpu.vector_store_idx %arg11[%and3A_343, %add3A_5], %gather3A_344 : memref<128x128xf32, #tpu.memory_space<vmem>>[vector<16xi32>, vector<16xi32>], vector<16xf32>,
        tpu.vector_store_idx %arg11[%and3A_343, %add3A_8], %gather3A_345 : memref<128x128xf32, #tpu.memory_space<vmem>>[vector<16xi32>, vector<16xi32>], vector<16xf32>,
        tpu.vector_store_idx %arg11[%and3A_343, %add3A_11], %gather3A_346 : memref<128x128xf32, #tpu.memory_space<vmem>>[vector<16xi32>, vector<16xi32>], vector<16xf32>,
        tpu.vector_store_idx %arg11[%and3A_343, %add3A_14], %gather3A_347 : memref<128x128xf32, #tpu.memory_space<vmem>>[vector<16xi32>, vector<16xi32>], vector<16xf32>,
        tpu.vector_store_idx %arg11[%and3A_343, %add3A_17], %gather3A_348 : memref<128x128xf32, #tpu.memory_space<vmem>>[vector<16xi32>, vector<16xi32>], vector<16xf32>,
        tpu.vector_store_idx %arg11[%and3A_343, %add3A_20], %gather3A_349 : memref<128x128xf32, #tpu.memory_space<vmem>>[vector<16xi32>, vector<16xi32>], vector<16xf32>,
        tpu.vector_store_idx %arg11[%and3A_343, %add3A_23], %gather3A_350 : memref<128x128xf32, #tpu.memory_space<vmem>>[vector<16xi32>, vector<16xi32>], vector<16xf32>,
        tpu.vector_store_idx %arg11[%and3A_343, %add3A_26], %gather3A_351 : memref<128x128xf32, #tpu.memory_space<vmem>>[vector<16xi32>, vector<16xi32>], vector<16xf32>,
        %mul3A_352 = arith.constant 4 : i32
        %mul3A_353 = arith.muli %scan3A_302, %mul3A_352 : i32
        %add3A_354 = arith.constant 3 : i32
        %add3A_355 = arith.addi %mul3A_353, %add3A_354 : i32
        %add3A_356 = vector.broadcast %add3A_355 : i32 to vector<16xi32>
        %add3A_357 = arith.addi %iota3A, %add3A_356 : vector<16xi32>
        %and3A_358 = arith.constant 127 : i32
        %and3A_359 = vector.broadcast %and3A_358 : i32 to vector<16xi32>
        %and3A_360 = arith.andi %add3A_357, %and3A_359 : vector<16xi32>
        %gather3A_361 = tpu.vector_load_idx %arg9[%add3A_5, %and3A_360] : memref<128x128xf32, #tpu.memory_space<vmem>>[vector<16xi32>, vector<16xi32>], vector<16xf32>,
        %gather3A_362 = tpu.vector_load_idx %arg9[%add3A_8, %and3A_360] : memref<128x128xf32, #tpu.memory_space<vmem>>[vector<16xi32>, vector<16xi32>], vector<16xf32>,
        %gather3A_363 = tpu.vector_load_idx %arg9[%add3A_11, %and3A_360] : memref<128x128xf32, #tpu.memory_space<vmem>>[vector<16xi32>, vector<16xi32>], vector<16xf32>,
        %gather3A_364 = tpu.vector_load_idx %arg9[%add3A_14, %and3A_360] : memref<128x128xf32, #tpu.memory_space<vmem>>[vector<16xi32>, vector<16xi32>], vector<16xf32>,
        %gather3A_365 = tpu.vector_load_idx %arg9[%add3A_17, %and3A_360] : memref<128x128xf32, #tpu.memory_space<vmem>>[vector<16xi32>, vector<16xi32>], vector<16xf32>,
        %gather3A_366 = tpu.vector_load_idx %arg9[%add3A_20, %and3A_360] : memref<128x128xf32, #tpu.memory_space<vmem>>[vector<16xi32>, vector<16xi32>], vector<16xf32>,
        %gather3A_367 = tpu.vector_load_idx %arg9[%add3A_23, %and3A_360] : memref<128x128xf32, #tpu.memory_space<vmem>>[vector<16xi32>, vector<16xi32>], vector<16xf32>,
        %gather3A_368 = tpu.vector_load_idx %arg9[%add3A_26, %and3A_360] : memref<128x128xf32, #tpu.memory_space<vmem>>[vector<16xi32>, vector<16xi32>], vector<16xf32>,
        tpu.vector_store_idx %arg11[%and3A_360, %add3A_5], %gather3A_361 : memref<128x128xf32, #tpu.memory_space<vmem>>[vector<16xi32>, vector<16xi32>], vector<16xf32>,
        tpu.vector_store_idx %arg11[%and3A_360, %add3A_8], %gather3A_362 : memref<128x128xf32, #tpu.memory_space<vmem>>[vector<16xi32>, vector<16xi32>], vector<16xf32>,
        tpu.vector_store_idx %arg11[%and3A_360, %add3A_11], %gather3A_363 : memref<128x128xf32, #tpu.memory_space<vmem>>[vector<16xi32>, vector<16xi32>], vector<16xf32>,
        tpu.vector_store_idx %arg11[%and3A_360, %add3A_14], %gather3A_364 : memref<128x128xf32, #tpu.memory_space<vmem>>[vector<16xi32>, vector<16xi32>], vector<16xf32>,
        tpu.vector_store_idx %arg11[%and3A_360, %add3A_17], %gather3A_365 : memref<128x128xf32, #tpu.memory_space<vmem>>[vector<16xi32>, vector<16xi32>], vector<16xf32>,
        tpu.vector_store_idx %arg11[%and3A_360, %add3A_20], %gather3A_366 : memref<128x128xf32, #tpu.memory_space<vmem>>[vector<16xi32>, vector<16xi32>], vector<16xf32>,
        tpu.vector_store_idx %arg11[%and3A_360, %add3A_23], %gather3A_367 : memref<128x128xf32, #tpu.memory_space<vmem>>[vector<16xi32>, vector<16xi32>], vector<16xf32>,
        tpu.vector_store_idx %arg11[%and3A_360, %add3A_26], %gather3A_368 : memref<128x128xf32, #tpu.memory_space<vmem>>[vector<16xi32>, vector<16xi32>], vector<16xf32>,
      }
      %scan3A_260 = arith.constant 32 : i32
      %add3A_261 = arith.constant 6 : i32
      %add3A_262 = arith.constant 2 : i32
      %add3A_263 = arith.addi %add3A_261, %add3A_262 : i32
      %le3A = arith.constant 7 : i32
      %le3A_264 = arith.cmpi sle, %add3A_263, %le3A : i32
      %convert_element_type3A_265 = arith.extui %le3A_264 : i1 to i32
      %cond3A_266 = arith.constant 6 : i32
      %cond3A_267 = arith.constant 0 : i32
      %cond3A_268 = arith.cmpi ne, %convert_element_type3A_265, %cond3A_267 : i32
      scf.if %cond3A_268 {
        %add3A_302 = arith.constant 2 : i32
        %add3A_303 = arith.addi %cond3A_266, %add3A_302 : i32
        %get3A_304 = arith.constant 0 : index
        %get3A_305 = tpu.vector_load %arg6[%get3A_304] {strides = array<i32>} : memref<128xi32, #tpu.memory_space<vmem>>, vector<16xi32>,
        %add3A_306 = vector.broadcast %add3A_303 : i32 to vector<16xi32>
        %add3A_307 = arith.addi %get3A_305, %add3A_306 : vector<16xi32>
        %swap3A_308 = arith.constant 0 : index
        %swap3A_309 = tpu.vector_load %arg7[%swap3A_308] {strides = array<i32>} : memref<128xi32, #tpu.memory_space<vmem>>, vector<16xi32>,
        tpu.vector_store %arg7[%swap3A_308], %add3A_307 {strides = array<i32>} : memref<128xi32, #tpu.memory_space<vmem>>, vector<16xi32>,
        %get3A_310 = arith.constant 16 : index
        %get3A_311 = tpu.vector_load %arg6[%get3A_310] {strides = array<i32>} : memref<128xi32, #tpu.memory_space<vmem>>, vector<16xi32>,
        %add3A_312 = vector.broadcast %add3A_303 : i32 to vector<16xi32>
        %add3A_313 = arith.addi %get3A_311, %add3A_312 : vector<16xi32>
        %swap3A_314 = arith.constant 16 : index
        %swap3A_315 = tpu.vector_load %arg7[%swap3A_314] {strides = array<i32>} : memref<128xi32, #tpu.memory_space<vmem>>, vector<16xi32>,
        tpu.vector_store %arg7[%swap3A_314], %add3A_313 {strides = array<i32>} : memref<128xi32, #tpu.memory_space<vmem>>, vector<16xi32>,
        %get3A_316 = arith.constant 32 : index
        %get3A_317 = tpu.vector_load %arg6[%get3A_316] {strides = array<i32>} : memref<128xi32, #tpu.memory_space<vmem>>, vector<16xi32>,
        %add3A_318 = vector.broadcast %add3A_303 : i32 to vector<16xi32>
        %add3A_319 = arith.addi %get3A_317, %add3A_318 : vector<16xi32>
        %swap3A_320 = arith.constant 32 : index
        %swap3A_321 = tpu.vector_load %arg7[%swap3A_320] {strides = array<i32>} : memref<128xi32, #tpu.memory_space<vmem>>, vector<16xi32>,
        tpu.vector_store %arg7[%swap3A_320], %add3A_319 {strides = array<i32>} : memref<128xi32, #tpu.memory_space<vmem>>, vector<16xi32>,
        %get3A_322 = arith.constant 48 : index
        %get3A_323 = tpu.vector_load %arg6[%get3A_322] {strides = array<i32>} : memref<128xi32, #tpu.memory_space<vmem>>, vector<16xi32>,
        %add3A_324 = vector.broadcast %add3A_303 : i32 to vector<16xi32>
        %add3A_325 = arith.addi %get3A_323, %add3A_324 : vector<16xi32>
        %swap3A_326 = arith.constant 48 : index
        %swap3A_327 = tpu.vector_load %arg7[%swap3A_326] {strides = array<i32>} : memref<128xi32, #tpu.memory_space<vmem>>, vector<16xi32>,
        tpu.vector_store %arg7[%swap3A_326], %add3A_325 {strides = array<i32>} : memref<128xi32, #tpu.memory_space<vmem>>, vector<16xi32>,
        %get3A_328 = arith.constant 64 : index
        %get3A_329 = tpu.vector_load %arg6[%get3A_328] {strides = array<i32>} : memref<128xi32, #tpu.memory_space<vmem>>, vector<16xi32>,
        %add3A_330 = vector.broadcast %add3A_303 : i32 to vector<16xi32>
        %add3A_331 = arith.addi %get3A_329, %add3A_330 : vector<16xi32>
        %swap3A_332 = arith.constant 64 : index
        %swap3A_333 = tpu.vector_load %arg7[%swap3A_332] {strides = array<i32>} : memref<128xi32, #tpu.memory_space<vmem>>, vector<16xi32>,
        tpu.vector_store %arg7[%swap3A_332], %add3A_331 {strides = array<i32>} : memref<128xi32, #tpu.memory_space<vmem>>, vector<16xi32>,
        %get3A_334 = arith.constant 80 : index
        %get3A_335 = tpu.vector_load %arg6[%get3A_334] {strides = array<i32>} : memref<128xi32, #tpu.memory_space<vmem>>, vector<16xi32>,
        %add3A_336 = vector.broadcast %add3A_303 : i32 to vector<16xi32>
        %add3A_337 = arith.addi %get3A_335, %add3A_336 : vector<16xi32>
        %swap3A_338 = arith.constant 80 : index
        %swap3A_339 = tpu.vector_load %arg7[%swap3A_338] {strides = array<i32>} : memref<128xi32, #tpu.memory_space<vmem>>, vector<16xi32>,
        tpu.vector_store %arg7[%swap3A_338], %add3A_337 {strides = array<i32>} : memref<128xi32, #tpu.memory_space<vmem>>, vector<16xi32>,
        %get3A_340 = arith.constant 96 : index
        %get3A_341 = tpu.vector_load %arg6[%get3A_340] {strides = array<i32>} : memref<128xi32, #tpu.memory_space<vmem>>, vector<16xi32>,
        %add3A_342 = vector.broadcast %add3A_303 : i32 to vector<16xi32>
        %add3A_343 = arith.addi %get3A_341, %add3A_342 : vector<16xi32>
        %swap3A_344 = arith.constant 96 : index
        %swap3A_345 = tpu.vector_load %arg7[%swap3A_344] {strides = array<i32>} : memref<128xi32, #tpu.memory_space<vmem>>, vector<16xi32>,
        tpu.vector_store %arg7[%swap3A_344], %add3A_343 {strides = array<i32>} : memref<128xi32, #tpu.memory_space<vmem>>, vector<16xi32>,
        %get3A_346 = arith.constant 112 : index
        %get3A_347 = tpu.vector_load %arg6[%get3A_346] {strides = array<i32>} : memref<128xi32, #tpu.memory_space<vmem>>, vector<16xi32>,
        %add3A_348 = vector.broadcast %add3A_303 : i32 to vector<16xi32>
        %add3A_349 = arith.addi %get3A_347, %add3A_348 : vector<16xi32>
        %swap3A_350 = arith.constant 112 : index
        %swap3A_351 = tpu.vector_load %arg7[%swap3A_350] {strides = array<i32>} : memref<128xi32, #tpu.memory_space<vmem>>, vector<16xi32>,
        tpu.vector_store %arg7[%swap3A_350], %add3A_349 {strides = array<i32>} : memref<128xi32, #tpu.memory_space<vmem>>, vector<16xi32>,
        %dma_start3A_352 = arith.constant 0 : i32
        %dma_start3A_353 = arith.constant 0 : i32
        %dma_start3A_354 = tpu.memref_slice %arg2[%dma_start3A_352, %dma_start3A_353] : memref<8000x128xf32, #tpu.memory_space<hbm>> -> memref<8000x128xf32, #tpu.memory_space<hbm>>
        tpu.enqueue_indirect_dma source(%dma_start3A_354 : memref<8000x128xf32, #tpu.memory_space<hbm>>) target(%arg9 : memref<128x128xf32, #tpu.memory_space<vmem>>) offsets(%arg7 : memref<128xi32, #tpu.memory_space<vmem>>) semaphore(%arg14 : memref<!tpu.dma_semaphore, #tpu.memory_space<semaphore_mem>>)
      } else {
      }
      %mul3A_269 = arith.constant 6 : i32
      %mul3A_270 = arith.constant 128 : i32
      %mul3A_271 = arith.muli %mul3A_269, %mul3A_270 : i32
      %mul3A_272 = arith.constant 128 : i32
      %mul3A_273 = arith.muli %add3A_68, %mul3A_272 : i32
      %dma_start3A_274 = tpu.memref_slice %arg4[%mul3A_271, %mul3A_273] : memref<1000x51200xf32, #tpu.memory_space<hbm>> -> memref<128x128xf32, #tpu.memory_space<hbm>>
      %dma_start3A_275 = tpu.memref_slice %arg4[%mul3A_271, %mul3A_273] : memref<1000x51200xf32, #tpu.memory_space<hbm>> -> memref<128x128xf32, #tpu.memory_space<hbm>>
      tpu.enqueue_dma source(%arg11 : memref<128x128xf32, #tpu.memory_space<vmem>>) target(%dma_start3A_275 : memref<128x128xf32, #tpu.memory_space<hbm>>) target_semaphore(%arg16 : memref<!tpu.dma_semaphore, #tpu.memory_space<semaphore_mem>>)
      %dma_wait3A_276 = arith.constant 0 : i32
      %dma_wait3A_277 = arith.constant 0 : i32
      %dma_wait3A_278 = tpu.memref_slice %arg2[%dma_wait3A_276, %dma_wait3A_277] : memref<8000x128xf32, #tpu.memory_space<hbm>> -> memref<8000x128xf32, #tpu.memory_space<hbm>>
      tpu.wait_indirect_dma semaphore(%arg15 : memref<!tpu.dma_semaphore, #tpu.memory_space<semaphore_mem>>) src(%dma_wait3A_278 : memref<8000x128xf32, #tpu.memory_space<hbm>>) dst(%arg10 : memref<128x128xf32, #tpu.memory_space<vmem>>)
      %gt3A_279 = arith.constant 0 : i32
      %gt3A_280 = arith.cmpi sgt, %while3A_65, %gt3A_279 : i32
      %convert_element_type3A_281 = arith.extui %gt3A_280 : i1 to i32
      %cond3A_282 = arith.constant 0 : i32
      %cond3A_283 = arith.cmpi ne, %convert_element_type3A_281, %cond3A_282 : i32
      scf.if %cond3A_283 {
        %mul3A_302 = arith.constant 128 : i32
        %mul3A_303 = arith.muli %add3A_68, %mul3A_302 : i32
        %dma_wait3A_304 = arith.constant 0 : i32
        %dma_wait3A_305 = arith.constant 0 : i32
        %dma_wait3A_306 = tpu.memref_slice %arg13[%dma_wait3A_304, %dma_wait3A_305] : memref<128x128xf32, #tpu.memory_space<vmem>> -> memref<104x128xf32, #tpu.memory_space<vmem>>
        %dma_wait3A_307 = arith.constant 896 : i32
        %dma_wait3A_308 = tpu.memref_slice %arg4[%dma_wait3A_307, %mul3A_303] : memref<1000x51200xf32, #tpu.memory_space<hbm>> -> memref<104x128xf32, #tpu.memory_space<hbm>>
        %dma_wait3A_309 = arith.constant 896 : i32
        %dma_wait3A_310 = tpu.memref_slice %arg4[%dma_wait3A_309, %mul3A_303] : memref<1000x51200xf32, #tpu.memory_space<hbm>> -> memref<104x128xf32, #tpu.memory_space<hbm>>
        %dma_wait3A_311 = arith.constant 0 : i32
        %dma_wait3A_312 = arith.constant 0 : i32
        %dma_wait3A_313 = tpu.memref_slice %arg13[%dma_wait3A_311, %dma_wait3A_312] : memref<128x128xf32, #tpu.memory_space<vmem>> -> memref<104x128xf32, #tpu.memory_space<vmem>>
        tpu.wait_dma2 semaphore(%arg18 : memref<!tpu.dma_semaphore, #tpu.memory_space<semaphore_mem>>) src(%dma_wait3A_313 : memref<104x128xf32, #tpu.memory_space<vmem>>) dst(%dma_wait3A_310 : memref<104x128xf32, #tpu.memory_space<hbm>>)
      } else {
      }
      %scan3A_284 = arith.constant 0 : i32
      %scan3A_285 = arith.constant 0 : i32
      %scan3A_286 = arith.constant 32 : i32
      %scan3A_287 = arith.addi %scan3A_285, %scan3A_286 : i32
      %scan3A_288 = arith.constant 1 : i32
      scf.for %scan3A_302 = %scan3A_285 to %scan3A_287 step %scan3A_288  : i32 {
        %mul3A_303 = arith.constant 4 : i32
        %mul3A_304 = arith.muli %scan3A_302, %mul3A_303 : i32
        %add3A_305 = arith.constant 0 : i32
        %add3A_306 = arith.addi %mul3A_304, %add3A_305 : i32
        %add3A_307 = vector.broadcast %add3A_306 : i32 to vector<16xi32>
        %add3A_308 = arith.addi %iota3A, %add3A_307 : vector<16xi32>
        %and3A = arith.constant 127 : i32
        %and3A_309 = vector.broadcast %and3A : i32 to vector<16xi32>
        %and3A_310 = arith.andi %add3A_308, %and3A_309 : vector<16xi32>
        %lt3A_311 = arith.constant 104 : i32
        %lt3A_312 = vector.broadcast %lt3A_311 : i32 to vector<16xi32>
        %lt3A_313 = arith.cmpi slt, %and3A_310, %lt3A_312 : vector<16xi32>
        %gather3A = tpu.vector_load_idx %arg10[%add3A_5, %and3A_310] : memref<128x128xf32, #tpu.memory_space<vmem>>[vector<16xi32>, vector<16xi32>], vector<16xf32>,
        %gather3A_314 = tpu.vector_load_idx %arg10[%add3A_8, %and3A_310] : memref<128x128xf32, #tpu.memory_space<vmem>>[vector<16xi32>, vector<16xi32>], vector<16xf32>,
        %gather3A_315 = tpu.vector_load_idx %arg10[%add3A_11, %and3A_310] : memref<128x128xf32, #tpu.memory_space<vmem>>[vector<16xi32>, vector<16xi32>], vector<16xf32>,
        %gather3A_316 = tpu.vector_load_idx %arg10[%add3A_14, %and3A_310] : memref<128x128xf32, #tpu.memory_space<vmem>>[vector<16xi32>, vector<16xi32>], vector<16xf32>,
        %gather3A_317 = tpu.vector_load_idx %arg10[%add3A_17, %and3A_310] : memref<128x128xf32, #tpu.memory_space<vmem>>[vector<16xi32>, vector<16xi32>], vector<16xf32>,
        %gather3A_318 = tpu.vector_load_idx %arg10[%add3A_20, %and3A_310] : memref<128x128xf32, #tpu.memory_space<vmem>>[vector<16xi32>, vector<16xi32>], vector<16xf32>,
        %gather3A_319 = tpu.vector_load_idx %arg10[%add3A_23, %and3A_310] : memref<128x128xf32, #tpu.memory_space<vmem>>[vector<16xi32>, vector<16xi32>], vector<16xf32>,
        %gather3A_320 = tpu.vector_load_idx %arg10[%add3A_26, %and3A_310] : memref<128x128xf32, #tpu.memory_space<vmem>>[vector<16xi32>, vector<16xi32>], vector<16xf32>,
        tpu.vector_store_idx %arg13[%and3A_310, %add3A_5], %gather3A masked %lt3A_313 : memref<128x128xf32, #tpu.memory_space<vmem>>[vector<16xi32>, vector<16xi32>], vector<16xf32>, vector<16xi1>
        tpu.vector_store_idx %arg13[%and3A_310, %add3A_8], %gather3A_314 masked %lt3A_313 : memref<128x128xf32, #tpu.memory_space<vmem>>[vector<16xi32>, vector<16xi32>], vector<16xf32>, vector<16xi1>
        tpu.vector_store_idx %arg13[%and3A_310, %add3A_11], %gather3A_315 masked %lt3A_313 : memref<128x128xf32, #tpu.memory_space<vmem>>[vector<16xi32>, vector<16xi32>], vector<16xf32>, vector<16xi1>
        tpu.vector_store_idx %arg13[%and3A_310, %add3A_14], %gather3A_316 masked %lt3A_313 : memref<128x128xf32, #tpu.memory_space<vmem>>[vector<16xi32>, vector<16xi32>], vector<16xf32>, vector<16xi1>
        tpu.vector_store_idx %arg13[%and3A_310, %add3A_17], %gather3A_317 masked %lt3A_313 : memref<128x128xf32, #tpu.memory_space<vmem>>[vector<16xi32>, vector<16xi32>], vector<16xf32>, vector<16xi1>
        tpu.vector_store_idx %arg13[%and3A_310, %add3A_20], %gather3A_318 masked %lt3A_313 : memref<128x128xf32, #tpu.memory_space<vmem>>[vector<16xi32>, vector<16xi32>], vector<16xf32>, vector<16xi1>
        tpu.vector_store_idx %arg13[%and3A_310, %add3A_23], %gather3A_319 masked %lt3A_313 : memref<128x128xf32, #tpu.memory_space<vmem>>[vector<16xi32>, vector<16xi32>], vector<16xf32>, vector<16xi1>
        tpu.vector_store_idx %arg13[%and3A_310, %add3A_26], %gather3A_320 masked %lt3A_313 : memref<128x128xf32, #tpu.memory_space<vmem>>[vector<16xi32>, vector<16xi32>], vector<16xf32>, vector<16xi1>
        %mul3A_321 = arith.constant 4 : i32
        %mul3A_322 = arith.muli %scan3A_302, %mul3A_321 : i32
        %add3A_323 = arith.constant 1 : i32
        %add3A_324 = arith.addi %mul3A_322, %add3A_323 : i32
        %add3A_325 = vector.broadcast %add3A_324 : i32 to vector<16xi32>
        %add3A_326 = arith.addi %iota3A, %add3A_325 : vector<16xi32>
        %and3A_327 = arith.constant 127 : i32
        %and3A_328 = vector.broadcast %and3A_327 : i32 to vector<16xi32>
        %and3A_329 = arith.andi %add3A_326, %and3A_328 : vector<16xi32>
        %lt3A_330 = arith.constant 104 : i32
        %lt3A_331 = vector.broadcast %lt3A_330 : i32 to vector<16xi32>
        %lt3A_332 = arith.cmpi slt, %and3A_329, %lt3A_331 : vector<16xi32>
        %gather3A_333 = tpu.vector_load_idx %arg10[%add3A_5, %and3A_329] : memref<128x128xf32, #tpu.memory_space<vmem>>[vector<16xi32>, vector<16xi32>], vector<16xf32>,
        %gather3A_334 = tpu.vector_load_idx %arg10[%add3A_8, %and3A_329] : memref<128x128xf32, #tpu.memory_space<vmem>>[vector<16xi32>, vector<16xi32>], vector<16xf32>,
        %gather3A_335 = tpu.vector_load_idx %arg10[%add3A_11, %and3A_329] : memref<128x128xf32, #tpu.memory_space<vmem>>[vector<16xi32>, vector<16xi32>], vector<16xf32>,
        %gather3A_336 = tpu.vector_load_idx %arg10[%add3A_14, %and3A_329] : memref<128x128xf32, #tpu.memory_space<vmem>>[vector<16xi32>, vector<16xi32>], vector<16xf32>,
        %gather3A_337 = tpu.vector_load_idx %arg10[%add3A_17, %and3A_329] : memref<128x128xf32, #tpu.memory_space<vmem>>[vector<16xi32>, vector<16xi32>], vector<16xf32>,
        %gather3A_338 = tpu.vector_load_idx %arg10[%add3A_20, %and3A_329] : memref<128x128xf32, #tpu.memory_space<vmem>>[vector<16xi32>, vector<16xi32>], vector<16xf32>,
        %gather3A_339 = tpu.vector_load_idx %arg10[%add3A_23, %and3A_329] : memref<128x128xf32, #tpu.memory_space<vmem>>[vector<16xi32>, vector<16xi32>], vector<16xf32>,
        %gather3A_340 = tpu.vector_load_idx %arg10[%add3A_26, %and3A_329] : memref<128x128xf32, #tpu.memory_space<vmem>>[vector<16xi32>, vector<16xi32>], vector<16xf32>,
        tpu.vector_store_idx %arg13[%and3A_329, %add3A_5], %gather3A_333 masked %lt3A_332 : memref<128x128xf32, #tpu.memory_space<vmem>>[vector<16xi32>, vector<16xi32>], vector<16xf32>, vector<16xi1>
        tpu.vector_store_idx %arg13[%and3A_329, %add3A_8], %gather3A_334 masked %lt3A_332 : memref<128x128xf32, #tpu.memory_space<vmem>>[vector<16xi32>, vector<16xi32>], vector<16xf32>, vector<16xi1>
        tpu.vector_store_idx %arg13[%and3A_329, %add3A_11], %gather3A_335 masked %lt3A_332 : memref<128x128xf32, #tpu.memory_space<vmem>>[vector<16xi32>, vector<16xi32>], vector<16xf32>, vector<16xi1>
        tpu.vector_store_idx %arg13[%and3A_329, %add3A_14], %gather3A_336 masked %lt3A_332 : memref<128x128xf32, #tpu.memory_space<vmem>>[vector<16xi32>, vector<16xi32>], vector<16xf32>, vector<16xi1>
        tpu.vector_store_idx %arg13[%and3A_329, %add3A_17], %gather3A_337 masked %lt3A_332 : memref<128x128xf32, #tpu.memory_space<vmem>>[vector<16xi32>, vector<16xi32>], vector<16xf32>, vector<16xi1>
        tpu.vector_store_idx %arg13[%and3A_329, %add3A_20], %gather3A_338 masked %lt3A_332 : memref<128x128xf32, #tpu.memory_space<vmem>>[vector<16xi32>, vector<16xi32>], vector<16xf32>, vector<16xi1>
        tpu.vector_store_idx %arg13[%and3A_329, %add3A_23], %gather3A_339 masked %lt3A_332 : memref<128x128xf32, #tpu.memory_space<vmem>>[vector<16xi32>, vector<16xi32>], vector<16xf32>, vector<16xi1>
        tpu.vector_store_idx %arg13[%and3A_329, %add3A_26], %gather3A_340 masked %lt3A_332 : memref<128x128xf32, #tpu.memory_space<vmem>>[vector<16xi32>, vector<16xi32>], vector<16xf32>, vector<16xi1>
        %mul3A_341 = arith.constant 4 : i32
        %mul3A_342 = arith.muli %scan3A_302, %mul3A_341 : i32
        %add3A_343 = arith.constant 2 : i32
        %add3A_344 = arith.addi %mul3A_342, %add3A_343 : i32
        %add3A_345 = vector.broadcast %add3A_344 : i32 to vector<16xi32>
        %add3A_346 = arith.addi %iota3A, %add3A_345 : vector<16xi32>
        %and3A_347 = arith.constant 127 : i32
        %and3A_348 = vector.broadcast %and3A_347 : i32 to vector<16xi32>
        %and3A_349 = arith.andi %add3A_346, %and3A_348 : vector<16xi32>
        %lt3A_350 = arith.constant 104 : i32
        %lt3A_351 = vector.broadcast %lt3A_350 : i32 to vector<16xi32>
        %lt3A_352 = arith.cmpi slt, %and3A_349, %lt3A_351 : vector<16xi32>
        %gather3A_353 = tpu.vector_load_idx %arg10[%add3A_5, %and3A_349] : memref<128x128xf32, #tpu.memory_space<vmem>>[vector<16xi32>, vector<16xi32>], vector<16xf32>,
        %gather3A_354 = tpu.vector_load_idx %arg10[%add3A_8, %and3A_349] : memref<128x128xf32, #tpu.memory_space<vmem>>[vector<16xi32>, vector<16xi32>], vector<16xf32>,
        %gather3A_355 = tpu.vector_load_idx %arg10[%add3A_11, %and3A_349] : memref<128x128xf32, #tpu.memory_space<vmem>>[vector<16xi32>, vector<16xi32>], vector<16xf32>,
        %gather3A_356 = tpu.vector_load_idx %arg10[%add3A_14, %and3A_349] : memref<128x128xf32, #tpu.memory_space<vmem>>[vector<16xi32>, vector<16xi32>], vector<16xf32>,
        %gather3A_357 = tpu.vector_load_idx %arg10[%add3A_17, %and3A_349] : memref<128x128xf32, #tpu.memory_space<vmem>>[vector<16xi32>, vector<16xi32>], vector<16xf32>,
        %gather3A_358 = tpu.vector_load_idx %arg10[%add3A_20, %and3A_349] : memref<128x128xf32, #tpu.memory_space<vmem>>[vector<16xi32>, vector<16xi32>], vector<16xf32>,
        %gather3A_359 = tpu.vector_load_idx %arg10[%add3A_23, %and3A_349] : memref<128x128xf32, #tpu.memory_space<vmem>>[vector<16xi32>, vector<16xi32>], vector<16xf32>,
        %gather3A_360 = tpu.vector_load_idx %arg10[%add3A_26, %and3A_349] : memref<128x128xf32, #tpu.memory_space<vmem>>[vector<16xi32>, vector<16xi32>], vector<16xf32>,
        tpu.vector_store_idx %arg13[%and3A_349, %add3A_5], %gather3A_353 masked %lt3A_352 : memref<128x128xf32, #tpu.memory_space<vmem>>[vector<16xi32>, vector<16xi32>], vector<16xf32>, vector<16xi1>
        tpu.vector_store_idx %arg13[%and3A_349, %add3A_8], %gather3A_354 masked %lt3A_352 : memref<128x128xf32, #tpu.memory_space<vmem>>[vector<16xi32>, vector<16xi32>], vector<16xf32>, vector<16xi1>
        tpu.vector_store_idx %arg13[%and3A_349, %add3A_11], %gather3A_355 masked %lt3A_352 : memref<128x128xf32, #tpu.memory_space<vmem>>[vector<16xi32>, vector<16xi32>], vector<16xf32>, vector<16xi1>
        tpu.vector_store_idx %arg13[%and3A_349, %add3A_14], %gather3A_356 masked %lt3A_352 : memref<128x128xf32, #tpu.memory_space<vmem>>[vector<16xi32>, vector<16xi32>], vector<16xf32>, vector<16xi1>
        tpu.vector_store_idx %arg13[%and3A_349, %add3A_17], %gather3A_357 masked %lt3A_352 : memref<128x128xf32, #tpu.memory_space<vmem>>[vector<16xi32>, vector<16xi32>], vector<16xf32>, vector<16xi1>
        tpu.vector_store_idx %arg13[%and3A_349, %add3A_20], %gather3A_358 masked %lt3A_352 : memref<128x128xf32, #tpu.memory_space<vmem>>[vector<16xi32>, vector<16xi32>], vector<16xf32>, vector<16xi1>
        tpu.vector_store_idx %arg13[%and3A_349, %add3A_23], %gather3A_359 masked %lt3A_352 : memref<128x128xf32, #tpu.memory_space<vmem>>[vector<16xi32>, vector<16xi32>], vector<16xf32>, vector<16xi1>
        tpu.vector_store_idx %arg13[%and3A_349, %add3A_26], %gather3A_360 masked %lt3A_352 : memref<128x128xf32, #tpu.memory_space<vmem>>[vector<16xi32>, vector<16xi32>], vector<16xf32>, vector<16xi1>
        %mul3A_361 = arith.constant 4 : i32
        %mul3A_362 = arith.muli %scan3A_302, %mul3A_361 : i32
        %add3A_363 = arith.constant 3 : i32
        %add3A_364 = arith.addi %mul3A_362, %add3A_363 : i32
        %add3A_365 = vector.broadcast %add3A_364 : i32 to vector<16xi32>
        %add3A_366 = arith.addi %iota3A, %add3A_365 : vector<16xi32>
        %and3A_367 = arith.constant 127 : i32
        %and3A_368 = vector.broadcast %and3A_367 : i32 to vector<16xi32>
        %and3A_369 = arith.andi %add3A_366, %and3A_368 : vector<16xi32>
        %lt3A_370 = arith.constant 104 : i32
        %lt3A_371 = vector.broadcast %lt3A_370 : i32 to vector<16xi32>
        %lt3A_372 = arith.cmpi slt, %and3A_369, %lt3A_371 : vector<16xi32>
        %gather3A_373 = tpu.vector_load_idx %arg10[%add3A_5, %and3A_369] : memref<128x128xf32, #tpu.memory_space<vmem>>[vector<16xi32>, vector<16xi32>], vector<16xf32>,
        %gather3A_374 = tpu.vector_load_idx %arg10[%add3A_8, %and3A_369] : memref<128x128xf32, #tpu.memory_space<vmem>>[vector<16xi32>, vector<16xi32>], vector<16xf32>,
        %gather3A_375 = tpu.vector_load_idx %arg10[%add3A_11, %and3A_369] : memref<128x128xf32, #tpu.memory_space<vmem>>[vector<16xi32>, vector<16xi32>], vector<16xf32>,
        %gather3A_376 = tpu.vector_load_idx %arg10[%add3A_14, %and3A_369] : memref<128x128xf32, #tpu.memory_space<vmem>>[vector<16xi32>, vector<16xi32>], vector<16xf32>,
        %gather3A_377 = tpu.vector_load_idx %arg10[%add3A_17, %and3A_369] : memref<128x128xf32, #tpu.memory_space<vmem>>[vector<16xi32>, vector<16xi32>], vector<16xf32>,
        %gather3A_378 = tpu.vector_load_idx %arg10[%add3A_20, %and3A_369] : memref<128x128xf32, #tpu.memory_space<vmem>>[vector<16xi32>, vector<16xi32>], vector<16xf32>,
        %gather3A_379 = tpu.vector_load_idx %arg10[%add3A_23, %and3A_369] : memref<128x128xf32, #tpu.memory_space<vmem>>[vector<16xi32>, vector<16xi32>], vector<16xf32>,
        %gather3A_380 = tpu.vector_load_idx %arg10[%add3A_26, %and3A_369] : memref<128x128xf32, #tpu.memory_space<vmem>>[vector<16xi32>, vector<16xi32>], vector<16xf32>,
        tpu.vector_store_idx %arg13[%and3A_369, %add3A_5], %gather3A_373 masked %lt3A_372 : memref<128x128xf32, #tpu.memory_space<vmem>>[vector<16xi32>, vector<16xi32>], vector<16xf32>, vector<16xi1>
        tpu.vector_store_idx %arg13[%and3A_369, %add3A_8], %gather3A_374 masked %lt3A_372 : memref<128x128xf32, #tpu.memory_space<vmem>>[vector<16xi32>, vector<16xi32>], vector<16xf32>, vector<16xi1>
        tpu.vector_store_idx %arg13[%and3A_369, %add3A_11], %gather3A_375 masked %lt3A_372 : memref<128x128xf32, #tpu.memory_space<vmem>>[vector<16xi32>, vector<16xi32>], vector<16xf32>, vector<16xi1>
        tpu.vector_store_idx %arg13[%and3A_369, %add3A_14], %gather3A_376 masked %lt3A_372 : memref<128x128xf32, #tpu.memory_space<vmem>>[vector<16xi32>, vector<16xi32>], vector<16xf32>, vector<16xi1>
        tpu.vector_store_idx %arg13[%and3A_369, %add3A_17], %gather3A_377 masked %lt3A_372 : memref<128x128xf32, #tpu.memory_space<vmem>>[vector<16xi32>, vector<16xi32>], vector<16xf32>, vector<16xi1>
        tpu.vector_store_idx %arg13[%and3A_369, %add3A_20], %gather3A_378 masked %lt3A_372 : memref<128x128xf32, #tpu.memory_space<vmem>>[vector<16xi32>, vector<16xi32>], vector<16xf32>, vector<16xi1>
        tpu.vector_store_idx %arg13[%and3A_369, %add3A_23], %gather3A_379 masked %lt3A_372 : memref<128x128xf32, #tpu.memory_space<vmem>>[vector<16xi32>, vector<16xi32>], vector<16xf32>, vector<16xi1>
        tpu.vector_store_idx %arg13[%and3A_369, %add3A_26], %gather3A_380 masked %lt3A_372 : memref<128x128xf32, #tpu.memory_space<vmem>>[vector<16xi32>, vector<16xi32>], vector<16xf32>, vector<16xi1>
      }
      %scan3A_289 = arith.constant 32 : i32
      %mul3A_290 = arith.constant 128 : i32
      %mul3A_291 = arith.muli %add3A_68, %mul3A_290 : i32
      %dma_start3A_292 = arith.constant 0 : i32
      %dma_start3A_293 = arith.constant 0 : i32
      %dma_start3A_294 = tpu.memref_slice %arg13[%dma_start3A_292, %dma_start3A_293] : memref<128x128xf32, #tpu.memory_space<vmem>> -> memref<104x128xf32, #tpu.memory_space<vmem>>
      %dma_start3A_295 = arith.constant 896 : i32
      %dma_start3A_296 = tpu.memref_slice %arg4[%dma_start3A_295, %mul3A_291] : memref<1000x51200xf32, #tpu.memory_space<hbm>> -> memref<104x128xf32, #tpu.memory_space<hbm>>
      %dma_start3A_297 = arith.constant 896 : i32
      %dma_start3A_298 = tpu.memref_slice %arg4[%dma_start3A_297, %mul3A_291] : memref<1000x51200xf32, #tpu.memory_space<hbm>> -> memref<104x128xf32, #tpu.memory_space<hbm>>
      %dma_start3A_299 = arith.constant 0 : i32
      %dma_start3A_300 = arith.constant 0 : i32
      %dma_start3A_301 = tpu.memref_slice %arg13[%dma_start3A_299, %dma_start3A_300] : memref<128x128xf32, #tpu.memory_space<vmem>> -> memref<104x128xf32, #tpu.memory_space<vmem>>
      tpu.enqueue_dma source(%dma_start3A_301 : memref<104x128xf32, #tpu.memory_space<vmem>>) target(%dma_start3A_298 : memref<104x128xf32, #tpu.memory_space<hbm>>) target_semaphore(%arg18 : memref<!tpu.dma_semaphore, #tpu.memory_space<semaphore_mem>>)
    }
    %while3A_35 = arith.constant 1 : i32
    scf.for %while3A_65 = %while3A_33 to %while3A_29 step %while3A_35  : i32 {
      %mul3A_66 = arith.constant 32 : i32
      %mul3A_67 = arith.muli %while3A_65, %mul3A_66 : i32
      %add3A_68 = arith.addi %add3A, %mul3A_67 : i32
      %mul3A_69 = arith.constant 128 : i32
      %mul3A_70 = arith.muli %add3A_68, %mul3A_69 : i32
      "tpu.region"() ({
        %run_scoped3A = tpu.sem_alloc : memref<!tpu.dma_semaphore, #tpu.memory_space<semaphore_mem>>
        %dma_start3A_302 = tpu.memref_slice %arg3[%mul3A_70] : memref<51200xi32, #tpu.memory_space<hbm>> -> memref<128xi32, #tpu.memory_space<hbm>>
        %dma_start3A_303 = tpu.memref_slice %arg3[%mul3A_70] : memref<51200xi32, #tpu.memory_space<hbm>> -> memref<128xi32, #tpu.memory_space<hbm>>
        tpu.enqueue_dma source(%dma_start3A_303 : memref<128xi32, #tpu.memory_space<hbm>>) target(%arg5 : memref<128xi32, #tpu.memory_space<vmem>>) target_semaphore(%run_scoped3A : memref<!tpu.dma_semaphore, #tpu.memory_space<semaphore_mem>>)
        %dma_wait3A_304 = tpu.memref_slice %arg3[%mul3A_70] : memref<51200xi32, #tpu.memory_space<hbm>> -> memref<128xi32, #tpu.memory_space<hbm>>
        %dma_wait3A_305 = tpu.memref_slice %arg3[%mul3A_70] : memref<51200xi32, #tpu.memory_space<hbm>> -> memref<128xi32, #tpu.memory_space<hbm>>
        tpu.wait_dma2 semaphore(%run_scoped3A : memref<!tpu.dma_semaphore, #tpu.memory_space<semaphore_mem>>) src(%dma_wait3A_305 : memref<128xi32, #tpu.memory_space<hbm>>) dst(%arg5 : memref<128xi32, #tpu.memory_space<vmem>>)
        tpu.yield
      }) : () -> ()
      %get3A = arith.constant 0 : index
      %get3A_71 = tpu.vector_load %arg5[%get3A] {strides = array<i32>} : memref<128xi32, #tpu.memory_space<vmem>>, vector<16xi32>,
      %mul3A_72 = arith.constant 8 : i32
      %mul3A_73 = vector.broadcast %mul3A_72 : i32 to vector<16xi32>
      %mul3A_74 = arith.muli %get3A_71, %mul3A_73 : vector<16xi32>
      %swap3A = arith.constant 0 : index
      %swap3A_75 = tpu.vector_load %arg6[%swap3A] {strides = array<i32>} : memref<128xi32, #tpu.memory_space<vmem>>, vector<16xi32>,
      tpu.vector_store %arg6[%swap3A], %mul3A_74 {strides = array<i32>} : memref<128xi32, #tpu.memory_space<vmem>>, vector<16xi32>,
      %get3A_76 = arith.constant 16 : index
      %get3A_77 = tpu.vector_load %arg5[%get3A_76] {strides = array<i32>} : memref<128xi32, #tpu.memory_space<vmem>>, vector<16xi32>,
      %mul3A_78 = arith.constant 8 : i32
      %mul3A_79 = vector.broadcast %mul3A_78 : i32 to vector<16xi32>
      %mul3A_80 = arith.muli %get3A_77, %mul3A_79 : vector<16xi32>
      %swap3A_81 = arith.constant 16 : index
      %swap3A_82 = tpu.vector_load %arg6[%swap3A_81] {strides = array<i32>} : memref<128xi32, #tpu.memory_space<vmem>>, vector<16xi32>,
      tpu.vector_store %arg6[%swap3A_81], %mul3A_80 {strides = array<i32>} : memref<128xi32, #tpu.memory_space<vmem>>, vector<16xi32>,
      %get3A_83 = arith.constant 32 : index
      %get3A_84 = tpu.vector_load %arg5[%get3A_83] {strides = array<i32>} : memref<128xi32, #tpu.memory_space<vmem>>, vector<16xi32>,
      %mul3A_85 = arith.constant 8 : i32
      %mul3A_86 = vector.broadcast %mul3A_85 : i32 to vector<16xi32>
      %mul3A_87 = arith.muli %get3A_84, %mul3A_86 : vector<16xi32>
      %swap3A_88 = arith.constant 32 : index
      %swap3A_89 = tpu.vector_load %arg6[%swap3A_88] {strides = array<i32>} : memref<128xi32, #tpu.memory_space<vmem>>, vector<16xi32>,
      tpu.vector_store %arg6[%swap3A_88], %mul3A_87 {strides = array<i32>} : memref<128xi32, #tpu.memory_space<vmem>>, vector<16xi32>,
      %get3A_90 = arith.constant 48 : index
      %get3A_91 = tpu.vector_load %arg5[%get3A_90] {strides = array<i32>} : memref<128xi32, #tpu.memory_space<vmem>>, vector<16xi32>,
      %mul3A_92 = arith.constant 8 : i32
      %mul3A_93 = vector.broadcast %mul3A_92 : i32 to vector<16xi32>
      %mul3A_94 = arith.muli %get3A_91, %mul3A_93 : vector<16xi32>
      %swap3A_95 = arith.constant 48 : index
      %swap3A_96 = tpu.vector_load %arg6[%swap3A_95] {strides = array<i32>} : memref<128xi32, #tpu.memory_space<vmem>>, vector<16xi32>,
      tpu.vector_store %arg6[%swap3A_95], %mul3A_94 {strides = array<i32>} : memref<128xi32, #tpu.memory_space<vmem>>, vector<16xi32>,
      %get3A_97 = arith.constant 64 : index
      %get3A_98 = tpu.vector_load %arg5[%get3A_97] {strides = array<i32>} : memref<128xi32, #tpu.memory_space<vmem>>, vector<16xi32>,
      %mul3A_99 = arith.constant 8 : i32
      %mul3A_100 = vector.broadcast %mul3A_99 : i32 to vector<16xi32>
      %mul3A_101 = arith.muli %get3A_98, %mul3A_100 : vector<16xi32>
      %swap3A_102 = arith.constant 64 : index
      %swap3A_103 = tpu.vector_load %arg6[%swap3A_102] {strides = array<i32>} : memref<128xi32, #tpu.memory_space<vmem>>, vector<16xi32>,
      tpu.vector_store %arg6[%swap3A_102], %mul3A_101 {strides = array<i32>} : memref<128xi32, #tpu.memory_space<vmem>>, vector<16xi32>,
      %get3A_104 = arith.constant 80 : index
      %get3A_105 = tpu.vector_load %arg5[%get3A_104] {strides = array<i32>} : memref<128xi32, #tpu.memory_space<vmem>>, vector<16xi32>,
      %mul3A_106 = arith.constant 8 : i32
      %mul3A_107 = vector.broadcast %mul3A_106 : i32 to vector<16xi32>
      %mul3A_108 = arith.muli %get3A_105, %mul3A_107 : vector<16xi32>
      %swap3A_109 = arith.constant 80 : index
      %swap3A_110 = tpu.vector_load %arg6[%swap3A_109] {strides = array<i32>} : memref<128xi32, #tpu.memory_space<vmem>>, vector<16xi32>,
      tpu.vector_store %arg6[%swap3A_109], %mul3A_108 {strides = array<i32>} : memref<128xi32, #tpu.memory_space<vmem>>, vector<16xi32>,
      %get3A_111 = arith.constant 96 : index
      %get3A_112 = tpu.vector_load %arg5[%get3A_111] {strides = array<i32>} : memref<128xi32, #tpu.memory_space<vmem>>, vector<16xi32>,
      %mul3A_113 = arith.constant 8 : i32
      %mul3A_114 = vector.broadcast %mul3A_113 : i32 to vector<16xi32>
      %mul3A_115 = arith.muli %get3A_112, %mul3A_114 : vector<16xi32>
      %swap3A_116 = arith.constant 96 : index
      %swap3A_117 = tpu.vector_load %arg6[%swap3A_116] {strides = array<i32>} : memref<128xi32, #tpu.memory_space<vmem>>, vector<16xi32>,
      tpu.vector_store %arg6[%swap3A_116], %mul3A_115 {strides = array<i32>} : memref<128xi32, #tpu.memory_space<vmem>>, vector<16xi32>,
      %get3A_118 = arith.constant 112 : index
      %get3A_119 = tpu.vector_load %arg5[%get3A_118] {strides = array<i32>} : memref<128xi32, #tpu.memory_space<vmem>>, vector<16xi32>,
      %mul3A_120 = arith.constant 8 : i32
      %mul3A_121 = vector.broadcast %mul3A_120 : i32 to vector<16xi32>
      %mul3A_122 = arith.muli %get3A_119, %mul3A_121 : vector<16xi32>
      %swap3A_123 = arith.constant 112 : index
      %swap3A_124 = tpu.vector_load %arg6[%swap3A_123] {strides = array<i32>} : memref<128xi32, #tpu.memory_space<vmem>>, vector<16xi32>,
      tpu.vector_store %arg6[%swap3A_123], %mul3A_122 {strides = array<i32>} : memref<128xi32, #tpu.memory_space<vmem>>, vector<16xi32>,
      %get3A_125 = arith.constant 0 : index
      %get3A_126 = tpu.vector_load %arg6[%get3A_125] {strides = array<i32>} : memref<128xi32, #tpu.memory_space<vmem>>, vector<16xi32>,
      %add3A_127 = arith.constant 0 : i32
      %add3A_128 = vector.broadcast %add3A_127 : i32 to vector<16xi32>
      %add3A_129 = arith.addi %get3A_126, %add3A_128 : vector<16xi32>
      %swap3A_130 = arith.constant 0 : index
      %swap3A_131 = tpu.vector_load %arg7[%swap3A_130] {strides = array<i32>} : memref<128xi32, #tpu.memory_space<vmem>>, vector<16xi32>,
      tpu.vector_store %arg7[%swap3A_130], %add3A_129 {strides = array<i32>} : memref<128xi32, #tpu.memory_space<vmem>>, vector<16xi32>,
      %get3A_132 = arith.constant 16 : index
      %get3A_133 = tpu.vector_load %arg6[%get3A_132] {strides = array<i32>} : memref<128xi32, #tpu.memory_space<vmem>>, vector<16xi32>,
      %add3A_134 = arith.constant 0 : i32
      %add3A_135 = vector.broadcast %add3A_134 : i32 to vector<16xi32>
      %add3A_136 = arith.addi %get3A_133, %add3A_135 : vector<16xi32>
      %swap3A_137 = arith.constant 16 : index
      %swap3A_138 = tpu.vector_load %arg7[%swap3A_137] {strides = array<i32>} : memref<128xi32, #tpu.memory_space<vmem>>, vector<16xi32>,
      tpu.vector_store %arg7[%swap3A_137], %add3A_136 {strides = array<i32>} : memref<128xi32, #tpu.memory_space<vmem>>, vector<16xi32>,
      %get3A_139 = arith.constant 32 : index
      %get3A_140 = tpu.vector_load %arg6[%get3A_139] {strides = array<i32>} : memref<128xi32, #tpu.memory_space<vmem>>, vector<16xi32>,
      %add3A_141 = arith.constant 0 : i32
      %add3A_142 = vector.broadcast %add3A_141 : i32 to vector<16xi32>
      %add3A_143 = arith.addi %get3A_140, %add3A_142 : vector<16xi32>
      %swap3A_144 = arith.constant 32 : index
      %swap3A_145 = tpu.vector_load %arg7[%swap3A_144] {strides = array<i32>} : memref<128xi32, #tpu.memory_space<vmem>>, vector<16xi32>,
      tpu.vector_store %arg7[%swap3A_144], %add3A_143 {strides = array<i32>} : memref<128xi32, #tpu.memory_space<vmem>>, vector<16xi32>,
      %get3A_146 = arith.constant 48 : index
      %get3A_147 = tpu.vector_load %arg6[%get3A_146] {strides = array<i32>} : memref<128xi32, #tpu.memory_space<vmem>>, vector<16xi32>,
      %add3A_148 = arith.constant 0 : i32
      %add3A_149 = vector.broadcast %add3A_148 : i32 to vector<16xi32>
      %add3A_150 = arith.addi %get3A_147, %add3A_149 : vector<16xi32>
      %swap3A_151 = arith.constant 48 : index
      %swap3A_152 = tpu.vector_load %arg7[%swap3A_151] {strides = array<i32>} : memref<128xi32, #tpu.memory_space<vmem>>, vector<16xi32>,
      tpu.vector_store %arg7[%swap3A_151], %add3A_150 {strides = array<i32>} : memref<128xi32, #tpu.memory_space<vmem>>, vector<16xi32>,
      %get3A_153 = arith.constant 64 : index
      %get3A_154 = tpu.vector_load %arg6[%get3A_153] {strides = array<i32>} : memref<128xi32, #tpu.memory_space<vmem>>, vector<16xi32>,
      %add3A_155 = arith.constant 0 : i32
      %add3A_156 = vector.broadcast %add3A_155 : i32 to vector<16xi32>
      %add3A_157 = arith.addi %get3A_154, %add3A_156 : vector<16xi32>
      %swap3A_158 = arith.constant 64 : index
      %swap3A_159 = tpu.vector_load %arg7[%swap3A_158] {strides = array<i32>} : memref<128xi32, #tpu.memory_space<vmem>>, vector<16xi32>,
      tpu.vector_store %arg7[%swap3A_158], %add3A_157 {strides = array<i32>} : memref<128xi32, #tpu.memory_space<vmem>>, vector<16xi32>,
      %get3A_160 = arith.constant 80 : index
      %get3A_161 = tpu.vector_load %arg6[%get3A_160] {strides = array<i32>} : memref<128xi32, #tpu.memory_space<vmem>>, vector<16xi32>,
      %add3A_162 = arith.constant 0 : i32
      %add3A_163 = vector.broadcast %add3A_162 : i32 to vector<16xi32>
      %add3A_164 = arith.addi %get3A_161, %add3A_163 : vector<16xi32>
      %swap3A_165 = arith.constant 80 : index
      %swap3A_166 = tpu.vector_load %arg7[%swap3A_165] {strides = array<i32>} : memref<128xi32, #tpu.memory_space<vmem>>, vector<16xi32>,
      tpu.vector_store %arg7[%swap3A_165], %add3A_164 {strides = array<i32>} : memref<128xi32, #tpu.memory_space<vmem>>, vector<16xi32>,
      %get3A_167 = arith.constant 96 : index
      %get3A_168 = tpu.vector_load %arg6[%get3A_167] {strides = array<i32>} : memref<128xi32, #tpu.memory_space<vmem>>, vector<16xi32>,
      %add3A_169 = arith.constant 0 : i32
      %add3A_170 = vector.broadcast %add3A_169 : i32 to vector<16xi32>
      %add3A_171 = arith.addi %get3A_168, %add3A_170 : vector<16xi32>
      %swap3A_172 = arith.constant 96 : index
      %swap3A_173 = tpu.vector_load %arg7[%swap3A_172] {strides = array<i32>} : memref<128xi32, #tpu.memory_space<vmem>>, vector<16xi32>,
      tpu.vector_store %arg7[%swap3A_172], %add3A_171 {strides = array<i32>} : memref<128xi32, #tpu.memory_space<vmem>>, vector<16xi32>,
      %get3A_174 = arith.constant 112 : index
      %get3A_175 = tpu.vector_load %arg6[%get3A_174] {strides = array<i32>} : memref<128xi32, #tpu.memory_space<vmem>>, vector<16xi32>,
      %add3A_176 = arith.constant 0 : i32
      %add3A_177 = vector.broadcast %add3A_176 : i32 to vector<16xi32>
      %add3A_178 = arith.addi %get3A_175, %add3A_177 : vector<16xi32>
      %swap3A_179 = arith.constant 112 : index
      %swap3A_180 = tpu.vector_load %arg7[%swap3A_179] {strides = array<i32>} : memref<128xi32, #tpu.memory_space<vmem>>, vector<16xi32>,
      tpu.vector_store %arg7[%swap3A_179], %add3A_178 {strides = array<i32>} : memref<128xi32, #tpu.memory_space<vmem>>, vector<16xi32>,
      %dma_start3A = arith.constant 0 : i32
      %dma_start3A_181 = arith.constant 0 : i32
      %dma_start3A_182 = tpu.memref_slice %arg2[%dma_start3A, %dma_start3A_181] : memref<8000x128xf32, #tpu.memory_space<hbm>> -> memref<8000x128xf32, #tpu.memory_space<hbm>>
      tpu.enqueue_indirect_dma source(%dma_start3A_182 : memref<8000x128xf32, #tpu.memory_space<hbm>>) target(%arg9 : memref<128x128xf32, #tpu.memory_space<vmem>>) offsets(%arg7 : memref<128xi32, #tpu.memory_space<vmem>>) semaphore(%arg14 : memref<!tpu.dma_semaphore, #tpu.memory_space<semaphore_mem>>)
      %get3A_183 = arith.constant 0 : index
      %get3A_184 = tpu.vector_load %arg6[%get3A_183] {strides = array<i32>} : memref<128xi32, #tpu.memory_space<vmem>>, vector<16xi32>,
      %add3A_185 = arith.constant 1 : i32
      %add3A_186 = vector.broadcast %add3A_185 : i32 to vector<16xi32>
      %add3A_187 = arith.addi %get3A_184, %add3A_186 : vector<16xi32>
      %swap3A_188 = arith.constant 0 : index
      %swap3A_189 = tpu.vector_load %arg8[%swap3A_188] {strides = array<i32>} : memref<128xi32, #tpu.memory_space<vmem>>, vector<16xi32>,
      tpu.vector_store %arg8[%swap3A_188], %add3A_187 {strides = array<i32>} : memref<128xi32, #tpu.memory_space<vmem>>, vector<16xi32>,
      %get3A_190 = arith.constant 16 : index
      %get3A_191 = tpu.vector_load %arg6[%get3A_190] {strides = array<i32>} : memref<128xi32, #tpu.memory_space<vmem>>, vector<16xi32>,
      %add3A_192 = arith.constant 1 : i32
      %add3A_193 = vector.broadcast %add3A_192 : i32 to vector<16xi32>
      %add3A_194 = arith.addi %get3A_191, %add3A_193 : vector<16xi32>
      %swap3A_195 = arith.constant 16 : index
      %swap3A_196 = tpu.vector_load %arg8[%swap3A_195] {strides = array<i32>} : memref<128xi32, #tpu.memory_space<vmem>>, vector<16xi32>,
      tpu.vector_store %arg8[%swap3A_195], %add3A_194 {strides = array<i32>} : memref<128xi32, #tpu.memory_space<vmem>>, vector<16xi32>,
      %get3A_197 = arith.constant 32 : index
      %get3A_198 = tpu.vector_load %arg6[%get3A_197] {strides = array<i32>} : memref<128xi32, #tpu.memory_space<vmem>>, vector<16xi32>,
      %add3A_199 = arith.constant 1 : i32
      %add3A_200 = vector.broadcast %add3A_199 : i32 to vector<16xi32>
      %add3A_201 = arith.addi %get3A_198, %add3A_200 : vector<16xi32>
      %swap3A_202 = arith.constant 32 : index
      %swap3A_203 = tpu.vector_load %arg8[%swap3A_202] {strides = array<i32>} : memref<128xi32, #tpu.memory_space<vmem>>, vector<16xi32>,
      tpu.vector_store %arg8[%swap3A_202], %add3A_201 {strides = array<i32>} : memref<128xi32, #tpu.memory_space<vmem>>, vector<16xi32>,
      %get3A_204 = arith.constant 48 : index
      %get3A_205 = tpu.vector_load %arg6[%get3A_204] {strides = array<i32>} : memref<128xi32, #tpu.memory_space<vmem>>, vector<16xi32>,
      %add3A_206 = arith.constant 1 : i32
      %add3A_207 = vector.broadcast %add3A_206 : i32 to vector<16xi32>
      %add3A_208 = arith.addi %get3A_205, %add3A_207 : vector<16xi32>
      %swap3A_209 = arith.constant 48 : index
      %swap3A_210 = tpu.vector_load %arg8[%swap3A_209] {strides = array<i32>} : memref<128xi32, #tpu.memory_space<vmem>>, vector<16xi32>,
      tpu.vector_store %arg8[%swap3A_209], %add3A_208 {strides = array<i32>} : memref<128xi32, #tpu.memory_space<vmem>>, vector<16xi32>,
      %get3A_211 = arith.constant 64 : index
      %get3A_212 = tpu.vector_load %arg6[%get3A_211] {strides = array<i32>} : memref<128xi32, #tpu.memory_space<vmem>>, vector<16xi32>,
      %add3A_213 = arith.constant 1 : i32
      %add3A_214 = vector.broadcast %add3A_213 : i32 to vector<16xi32>
      %add3A_215 = arith.addi %get3A_212, %add3A_214 : vector<16xi32>
      %swap3A_216 = arith.constant 64 : index
      %swap3A_217 = tpu.vector_load %arg8[%swap3A_216] {strides = array<i32>} : memref<128xi32, #tpu.memory_space<vmem>>, vector<16xi32>,
      tpu.vector_store %arg8[%swap3A_216], %add3A_215 {strides = array<i32>} : memref<128xi32, #tpu.memory_space<vmem>>, vector<16xi32>,
      %get3A_218 = arith.constant 80 : index
      %get3A_219 = tpu.vector_load %arg6[%get3A_218] {strides = array<i32>} : memref<128xi32, #tpu.memory_space<vmem>>, vector<16xi32>,
      %add3A_220 = arith.constant 1 : i32
      %add3A_221 = vector.broadcast %add3A_220 : i32 to vector<16xi32>
      %add3A_222 = arith.addi %get3A_219, %add3A_221 : vector<16xi32>
      %swap3A_223 = arith.constant 80 : index
      %swap3A_224 = tpu.vector_load %arg8[%swap3A_223] {strides = array<i32>} : memref<128xi32, #tpu.memory_space<vmem>>, vector<16xi32>,
      tpu.vector_store %arg8[%swap3A_223], %add3A_222 {strides = array<i32>} : memref<128xi32, #tpu.memory_space<vmem>>, vector<16xi32>,
      %get3A_225 = arith.constant 96 : index
      %get3A_226 = tpu.vector_load %arg6[%get3A_225] {strides = array<i32>} : memref<128xi32, #tpu.memory_space<vmem>>, vector<16xi32>,
      %add3A_227 = arith.constant 1 : i32
      %add3A_228 = vector.broadcast %add3A_227 : i32 to vector<16xi32>
      %add3A_229 = arith.addi %get3A_226, %add3A_228 : vector<16xi32>
      %swap3A_230 = arith.constant 96 : index
      %swap3A_231 = tpu.vector_load %arg8[%swap3A_230] {strides = array<i32>} : memref<128xi32, #tpu.memory_space<vmem>>, vector<16xi32>,
      tpu.vector_store %arg8[%swap3A_230], %add3A_229 {strides = array<i32>} : memref<128xi32, #tpu.memory_space<vmem>>, vector<16xi32>,
      %get3A_232 = arith.constant 112 : index
      %get3A_233 = tpu.vector_load %arg6[%get3A_232] {strides = array<i32>} : memref<128xi32, #tpu.memory_space<vmem>>, vector<16xi32>,
      %add3A_234 = arith.constant 1 : i32
      %add3A_235 = vector.broadcast %add3A_234 : i32 to vector<16xi32>
      %add3A_236 = arith.addi %get3A_233, %add3A_235 : vector<16xi32>
      %swap3A_237 = arith.constant 112 : index
      %swap3A_238 = tpu.vector_load %arg8[%swap3A_237] {strides = array<i32>} : memref<128xi32, #tpu.memory_space<vmem>>, vector<16xi32>,
      tpu.vector_store %arg8[%swap3A_237], %add3A_236 {strides = array<i32>} : memref<128xi32, #tpu.memory_space<vmem>>, vector<16xi32>,
      %dma_start3A_239 = arith.constant 0 : i32
      %dma_start3A_240 = arith.constant 0 : i32
      %dma_start3A_241 = tpu.memref_slice %arg2[%dma_start3A_239, %dma_start3A_240] : memref<8000x128xf32, #tpu.memory_space<hbm>> -> memref<8000x128xf32, #tpu.memory_space<hbm>>
      tpu.enqueue_indirect_dma source(%dma_start3A_241 : memref<8000x128xf32, #tpu.memory_space<hbm>>) target(%arg10 : memref<128x128xf32, #tpu.memory_space<vmem>>) offsets(%arg8 : memref<128xi32, #tpu.memory_space<vmem>>) semaphore(%arg15 : memref<!tpu.dma_semaphore, #tpu.memory_space<semaphore_mem>>)
      %scan3A = arith.constant 0 : i32
      %scan3A_242 = arith.constant 0 : i32
      %scan3A_243 = arith.constant 3 : i32
      %scan3A_244 = arith.addi %scan3A_242, %scan3A_243 : i32
      %scan3A_245 = arith.constant 1 : i32
      scf.for %scan3A_302 = %scan3A_242 to %scan3A_244 step %scan3A_245  : i32 {
        %mul3A_303 = arith.constant 2 : i32
        %mul3A_304 = arith.muli %mul3A_303, %scan3A_302 : i32
        %dma_wait3A_305 = arith.constant 0 : i32
        %dma_wait3A_306 = arith.constant 0 : i32
        %dma_wait3A_307 = tpu.memref_slice %arg2[%dma_wait3A_305, %dma_wait3A_306] : memref<8000x128xf32, #tpu.memory_space<hbm>> -> memref<8000x128xf32, #tpu.memory_space<hbm>>
        tpu.wait_indirect_dma semaphore(%arg14 : memref<!tpu.dma_semaphore, #tpu.memory_space<semaphore_mem>>) src(%dma_wait3A_307 : memref<8000x128xf32, #tpu.memory_space<hbm>>) dst(%arg9 : memref<128x128xf32, #tpu.memory_space<vmem>>)
        %ge3A_308 = arith.constant 2 : i32
        %ge3A_309 = arith.cmpi sge, %mul3A_304, %ge3A_308 : i32
        %gt3A_310 = arith.constant 0 : i32
        %gt3A_311 = arith.cmpi sgt, %while3A_65, %gt3A_310 : i32
        %or3A_312 = arith.ori %ge3A_309, %gt3A_311 : i1
        %convert_element_type3A_313 = arith.extui %or3A_312 : i1 to i32
        %cond3A_314 = arith.constant 0 : i32
        %cond3A_315 = arith.cmpi ne, %convert_element_type3A_313, %cond3A_314 : i32
        scf.if %cond3A_315 {
          %mul3A_369 = arith.constant 128 : i32
          %mul3A_370 = arith.muli %mul3A_304, %mul3A_369 : i32
          %mul3A_371 = arith.constant 128 : i32
          %mul3A_372 = arith.muli %add3A_68, %mul3A_371 : i32
          %dma_wait3A_373 = tpu.memref_slice %arg4[%mul3A_370, %mul3A_372] : memref<1000x51200xf32, #tpu.memory_space<hbm>> -> memref<128x128xf32, #tpu.memory_space<hbm>>
          %dma_wait3A_374 = tpu.memref_slice %arg4[%mul3A_370, %mul3A_372] : memref<1000x51200xf32, #tpu.memory_space<hbm>> -> memref<128x128xf32, #tpu.memory_space<hbm>>
          tpu.wait_dma2 semaphore(%arg16 : memref<!tpu.dma_semaphore, #tpu.memory_space<semaphore_mem>>) src(%arg11 : memref<128x128xf32, #tpu.memory_space<vmem>>) dst(%dma_wait3A_374 : memref<128x128xf32, #tpu.memory_space<hbm>>)
        } else {
        }
        %scan3A_316 = arith.constant 0 : i32
        %scan3A_317 = arith.constant 0 : i32
        %scan3A_318 = arith.constant 32 : i32
        %scan3A_319 = arith.addi %scan3A_317, %scan3A_318 : i32
        %scan3A_320 = arith.constant 1 : i32
        scf.for %scan3A_369 = %scan3A_317 to %scan3A_319 step %scan3A_320  : i32 {
          %mul3A_370 = arith.constant 4 : i32
          %mul3A_371 = arith.muli %scan3A_369, %mul3A_370 : i32
          %add3A_372 = arith.constant 0 : i32
          %add3A_373 = arith.addi %mul3A_371, %add3A_372 : i32
          %add3A_374 = vector.broadcast %add3A_373 : i32 to vector<16xi32>
          %add3A_375 = arith.addi %iota3A, %add3A_374 : vector<16xi32>
          %and3A = arith.constant 127 : i32
          %and3A_376 = vector.broadcast %and3A : i32 to vector<16xi32>
          %and3A_377 = arith.andi %add3A_375, %and3A_376 : vector<16xi32>
          %gather3A = tpu.vector_load_idx %arg9[%add3A_5, %and3A_377] : memref<128x128xf32, #tpu.memory_space<vmem>>[vector<16xi32>, vector<16xi32>], vector<16xf32>,
          %gather3A_378 = tpu.vector_load_idx %arg9[%add3A_8, %and3A_377] : memref<128x128xf32, #tpu.memory_space<vmem>>[vector<16xi32>, vector<16xi32>], vector<16xf32>,
          %gather3A_379 = tpu.vector_load_idx %arg9[%add3A_11, %and3A_377] : memref<128x128xf32, #tpu.memory_space<vmem>>[vector<16xi32>, vector<16xi32>], vector<16xf32>,
          %gather3A_380 = tpu.vector_load_idx %arg9[%add3A_14, %and3A_377] : memref<128x128xf32, #tpu.memory_space<vmem>>[vector<16xi32>, vector<16xi32>], vector<16xf32>,
          %gather3A_381 = tpu.vector_load_idx %arg9[%add3A_17, %and3A_377] : memref<128x128xf32, #tpu.memory_space<vmem>>[vector<16xi32>, vector<16xi32>], vector<16xf32>,
          %gather3A_382 = tpu.vector_load_idx %arg9[%add3A_20, %and3A_377] : memref<128x128xf32, #tpu.memory_space<vmem>>[vector<16xi32>, vector<16xi32>], vector<16xf32>,
          %gather3A_383 = tpu.vector_load_idx %arg9[%add3A_23, %and3A_377] : memref<128x128xf32, #tpu.memory_space<vmem>>[vector<16xi32>, vector<16xi32>], vector<16xf32>,
          %gather3A_384 = tpu.vector_load_idx %arg9[%add3A_26, %and3A_377] : memref<128x128xf32, #tpu.memory_space<vmem>>[vector<16xi32>, vector<16xi32>], vector<16xf32>,
          tpu.vector_store_idx %arg11[%and3A_377, %add3A_5], %gather3A : memref<128x128xf32, #tpu.memory_space<vmem>>[vector<16xi32>, vector<16xi32>], vector<16xf32>,
          tpu.vector_store_idx %arg11[%and3A_377, %add3A_8], %gather3A_378 : memref<128x128xf32, #tpu.memory_space<vmem>>[vector<16xi32>, vector<16xi32>], vector<16xf32>,
          tpu.vector_store_idx %arg11[%and3A_377, %add3A_11], %gather3A_379 : memref<128x128xf32, #tpu.memory_space<vmem>>[vector<16xi32>, vector<16xi32>], vector<16xf32>,
          tpu.vector_store_idx %arg11[%and3A_377, %add3A_14], %gather3A_380 : memref<128x128xf32, #tpu.memory_space<vmem>>[vector<16xi32>, vector<16xi32>], vector<16xf32>,
          tpu.vector_store_idx %arg11[%and3A_377, %add3A_17], %gather3A_381 : memref<128x128xf32, #tpu.memory_space<vmem>>[vector<16xi32>, vector<16xi32>], vector<16xf32>,
          tpu.vector_store_idx %arg11[%and3A_377, %add3A_20], %gather3A_382 : memref<128x128xf32, #tpu.memory_space<vmem>>[vector<16xi32>, vector<16xi32>], vector<16xf32>,
          tpu.vector_store_idx %arg11[%and3A_377, %add3A_23], %gather3A_383 : memref<128x128xf32, #tpu.memory_space<vmem>>[vector<16xi32>, vector<16xi32>], vector<16xf32>,
          tpu.vector_store_idx %arg11[%and3A_377, %add3A_26], %gather3A_384 : memref<128x128xf32, #tpu.memory_space<vmem>>[vector<16xi32>, vector<16xi32>], vector<16xf32>,
          %mul3A_385 = arith.constant 4 : i32
          %mul3A_386 = arith.muli %scan3A_369, %mul3A_385 : i32
          %add3A_387 = arith.constant 1 : i32
          %add3A_388 = arith.addi %mul3A_386, %add3A_387 : i32
          %add3A_389 = vector.broadcast %add3A_388 : i32 to vector<16xi32>
          %add3A_390 = arith.addi %iota3A, %add3A_389 : vector<16xi32>
          %and3A_391 = arith.constant 127 : i32
          %and3A_392 = vector.broadcast %and3A_391 : i32 to vector<16xi32>
          %and3A_393 = arith.andi %add3A_390, %and3A_392 : vector<16xi32>
          %gather3A_394 = tpu.vector_load_idx %arg9[%add3A_5, %and3A_393] : memref<128x128xf32, #tpu.memory_space<vmem>>[vector<16xi32>, vector<16xi32>], vector<16xf32>,
          %gather3A_395 = tpu.vector_load_idx %arg9[%add3A_8, %and3A_393] : memref<128x128xf32, #tpu.memory_space<vmem>>[vector<16xi32>, vector<16xi32>], vector<16xf32>,
          %gather3A_396 = tpu.vector_load_idx %arg9[%add3A_11, %and3A_393] : memref<128x128xf32, #tpu.memory_space<vmem>>[vector<16xi32>, vector<16xi32>], vector<16xf32>,
          %gather3A_397 = tpu.vector_load_idx %arg9[%add3A_14, %and3A_393] : memref<128x128xf32, #tpu.memory_space<vmem>>[vector<16xi32>, vector<16xi32>], vector<16xf32>,
          %gather3A_398 = tpu.vector_load_idx %arg9[%add3A_17, %and3A_393] : memref<128x128xf32, #tpu.memory_space<vmem>>[vector<16xi32>, vector<16xi32>], vector<16xf32>,
          %gather3A_399 = tpu.vector_load_idx %arg9[%add3A_20, %and3A_393] : memref<128x128xf32, #tpu.memory_space<vmem>>[vector<16xi32>, vector<16xi32>], vector<16xf32>,
          %gather3A_400 = tpu.vector_load_idx %arg9[%add3A_23, %and3A_393] : memref<128x128xf32, #tpu.memory_space<vmem>>[vector<16xi32>, vector<16xi32>], vector<16xf32>,
          %gather3A_401 = tpu.vector_load_idx %arg9[%add3A_26, %and3A_393] : memref<128x128xf32, #tpu.memory_space<vmem>>[vector<16xi32>, vector<16xi32>], vector<16xf32>,
          tpu.vector_store_idx %arg11[%and3A_393, %add3A_5], %gather3A_394 : memref<128x128xf32, #tpu.memory_space<vmem>>[vector<16xi32>, vector<16xi32>], vector<16xf32>,
          tpu.vector_store_idx %arg11[%and3A_393, %add3A_8], %gather3A_395 : memref<128x128xf32, #tpu.memory_space<vmem>>[vector<16xi32>, vector<16xi32>], vector<16xf32>,
          tpu.vector_store_idx %arg11[%and3A_393, %add3A_11], %gather3A_396 : memref<128x128xf32, #tpu.memory_space<vmem>>[vector<16xi32>, vector<16xi32>], vector<16xf32>,
          tpu.vector_store_idx %arg11[%and3A_393, %add3A_14], %gather3A_397 : memref<128x128xf32, #tpu.memory_space<vmem>>[vector<16xi32>, vector<16xi32>], vector<16xf32>,
          tpu.vector_store_idx %arg11[%and3A_393, %add3A_17], %gather3A_398 : memref<128x128xf32, #tpu.memory_space<vmem>>[vector<16xi32>, vector<16xi32>], vector<16xf32>,
          tpu.vector_store_idx %arg11[%and3A_393, %add3A_20], %gather3A_399 : memref<128x128xf32, #tpu.memory_space<vmem>>[vector<16xi32>, vector<16xi32>], vector<16xf32>,
          tpu.vector_store_idx %arg11[%and3A_393, %add3A_23], %gather3A_400 : memref<128x128xf32, #tpu.memory_space<vmem>>[vector<16xi32>, vector<16xi32>], vector<16xf32>,
          tpu.vector_store_idx %arg11[%and3A_393, %add3A_26], %gather3A_401 : memref<128x128xf32, #tpu.memory_space<vmem>>[vector<16xi32>, vector<16xi32>], vector<16xf32>,
          %mul3A_402 = arith.constant 4 : i32
          %mul3A_403 = arith.muli %scan3A_369, %mul3A_402 : i32
          %add3A_404 = arith.constant 2 : i32
          %add3A_405 = arith.addi %mul3A_403, %add3A_404 : i32
          %add3A_406 = vector.broadcast %add3A_405 : i32 to vector<16xi32>
          %add3A_407 = arith.addi %iota3A, %add3A_406 : vector<16xi32>
          %and3A_408 = arith.constant 127 : i32
          %and3A_409 = vector.broadcast %and3A_408 : i32 to vector<16xi32>
          %and3A_410 = arith.andi %add3A_407, %and3A_409 : vector<16xi32>
          %gather3A_411 = tpu.vector_load_idx %arg9[%add3A_5, %and3A_410] : memref<128x128xf32, #tpu.memory_space<vmem>>[vector<16xi32>, vector<16xi32>], vector<16xf32>,
          %gather3A_412 = tpu.vector_load_idx %arg9[%add3A_8, %and3A_410] : memref<128x128xf32, #tpu.memory_space<vmem>>[vector<16xi32>, vector<16xi32>], vector<16xf32>,
          %gather3A_413 = tpu.vector_load_idx %arg9[%add3A_11, %and3A_410] : memref<128x128xf32, #tpu.memory_space<vmem>>[vector<16xi32>, vector<16xi32>], vector<16xf32>,
          %gather3A_414 = tpu.vector_load_idx %arg9[%add3A_14, %and3A_410] : memref<128x128xf32, #tpu.memory_space<vmem>>[vector<16xi32>, vector<16xi32>], vector<16xf32>,
          %gather3A_415 = tpu.vector_load_idx %arg9[%add3A_17, %and3A_410] : memref<128x128xf32, #tpu.memory_space<vmem>>[vector<16xi32>, vector<16xi32>], vector<16xf32>,
          %gather3A_416 = tpu.vector_load_idx %arg9[%add3A_20, %and3A_410] : memref<128x128xf32, #tpu.memory_space<vmem>>[vector<16xi32>, vector<16xi32>], vector<16xf32>,
          %gather3A_417 = tpu.vector_load_idx %arg9[%add3A_23, %and3A_410] : memref<128x128xf32, #tpu.memory_space<vmem>>[vector<16xi32>, vector<16xi32>], vector<16xf32>,
          %gather3A_418 = tpu.vector_load_idx %arg9[%add3A_26, %and3A_410] : memref<128x128xf32, #tpu.memory_space<vmem>>[vector<16xi32>, vector<16xi32>], vector<16xf32>,
          tpu.vector_store_idx %arg11[%and3A_410, %add3A_5], %gather3A_411 : memref<128x128xf32, #tpu.memory_space<vmem>>[vector<16xi32>, vector<16xi32>], vector<16xf32>,
          tpu.vector_store_idx %arg11[%and3A_410, %add3A_8], %gather3A_412 : memref<128x128xf32, #tpu.memory_space<vmem>>[vector<16xi32>, vector<16xi32>], vector<16xf32>,
          tpu.vector_store_idx %arg11[%and3A_410, %add3A_11], %gather3A_413 : memref<128x128xf32, #tpu.memory_space<vmem>>[vector<16xi32>, vector<16xi32>], vector<16xf32>,
          tpu.vector_store_idx %arg11[%and3A_410, %add3A_14], %gather3A_414 : memref<128x128xf32, #tpu.memory_space<vmem>>[vector<16xi32>, vector<16xi32>], vector<16xf32>,
          tpu.vector_store_idx %arg11[%and3A_410, %add3A_17], %gather3A_415 : memref<128x128xf32, #tpu.memory_space<vmem>>[vector<16xi32>, vector<16xi32>], vector<16xf32>,
          tpu.vector_store_idx %arg11[%and3A_410, %add3A_20], %gather3A_416 : memref<128x128xf32, #tpu.memory_space<vmem>>[vector<16xi32>, vector<16xi32>], vector<16xf32>,
          tpu.vector_store_idx %arg11[%and3A_410, %add3A_23], %gather3A_417 : memref<128x128xf32, #tpu.memory_space<vmem>>[vector<16xi32>, vector<16xi32>], vector<16xf32>,
          tpu.vector_store_idx %arg11[%and3A_410, %add3A_26], %gather3A_418 : memref<128x128xf32, #tpu.memory_space<vmem>>[vector<16xi32>, vector<16xi32>], vector<16xf32>,
          %mul3A_419 = arith.constant 4 : i32
          %mul3A_420 = arith.muli %scan3A_369, %mul3A_419 : i32
          %add3A_421 = arith.constant 3 : i32
          %add3A_422 = arith.addi %mul3A_420, %add3A_421 : i32
          %add3A_423 = vector.broadcast %add3A_422 : i32 to vector<16xi32>
          %add3A_424 = arith.addi %iota3A, %add3A_423 : vector<16xi32>
          %and3A_425 = arith.constant 127 : i32
          %and3A_426 = vector.broadcast %and3A_425 : i32 to vector<16xi32>
          %and3A_427 = arith.andi %add3A_424, %and3A_426 : vector<16xi32>
          %gather3A_428 = tpu.vector_load_idx %arg9[%add3A_5, %and3A_427] : memref<128x128xf32, #tpu.memory_space<vmem>>[vector<16xi32>, vector<16xi32>], vector<16xf32>,
          %gather3A_429 = tpu.vector_load_idx %arg9[%add3A_8, %and3A_427] : memref<128x128xf32, #tpu.memory_space<vmem>>[vector<16xi32>, vector<16xi32>], vector<16xf32>,
          %gather3A_430 = tpu.vector_load_idx %arg9[%add3A_11, %and3A_427] : memref<128x128xf32, #tpu.memory_space<vmem>>[vector<16xi32>, vector<16xi32>], vector<16xf32>,
          %gather3A_431 = tpu.vector_load_idx %arg9[%add3A_14, %and3A_427] : memref<128x128xf32, #tpu.memory_space<vmem>>[vector<16xi32>, vector<16xi32>], vector<16xf32>,
          %gather3A_432 = tpu.vector_load_idx %arg9[%add3A_17, %and3A_427] : memref<128x128xf32, #tpu.memory_space<vmem>>[vector<16xi32>, vector<16xi32>], vector<16xf32>,
          %gather3A_433 = tpu.vector_load_idx %arg9[%add3A_20, %and3A_427] : memref<128x128xf32, #tpu.memory_space<vmem>>[vector<16xi32>, vector<16xi32>], vector<16xf32>,
          %gather3A_434 = tpu.vector_load_idx %arg9[%add3A_23, %and3A_427] : memref<128x128xf32, #tpu.memory_space<vmem>>[vector<16xi32>, vector<16xi32>], vector<16xf32>,
          %gather3A_435 = tpu.vector_load_idx %arg9[%add3A_26, %and3A_427] : memref<128x128xf32, #tpu.memory_space<vmem>>[vector<16xi32>, vector<16xi32>], vector<16xf32>,
          tpu.vector_store_idx %arg11[%and3A_427, %add3A_5], %gather3A_428 : memref<128x128xf32, #tpu.memory_space<vmem>>[vector<16xi32>, vector<16xi32>], vector<16xf32>,
          tpu.vector_store_idx %arg11[%and3A_427, %add3A_8], %gather3A_429 : memref<128x128xf32, #tpu.memory_space<vmem>>[vector<16xi32>, vector<16xi32>], vector<16xf32>,
          tpu.vector_store_idx %arg11[%and3A_427, %add3A_11], %gather3A_430 : memref<128x128xf32, #tpu.memory_space<vmem>>[vector<16xi32>, vector<16xi32>], vector<16xf32>,
          tpu.vector_store_idx %arg11[%and3A_427, %add3A_14], %gather3A_431 : memref<128x128xf32, #tpu.memory_space<vmem>>[vector<16xi32>, vector<16xi32>], vector<16xf32>,
          tpu.vector_store_idx %arg11[%and3A_427, %add3A_17], %gather3A_432 : memref<128x128xf32, #tpu.memory_space<vmem>>[vector<16xi32>, vector<16xi32>], vector<16xf32>,
          tpu.vector_store_idx %arg11[%and3A_427, %add3A_20], %gather3A_433 : memref<128x128xf32, #tpu.memory_space<vmem>>[vector<16xi32>, vector<16xi32>], vector<16xf32>,
          tpu.vector_store_idx %arg11[%and3A_427, %add3A_23], %gather3A_434 : memref<128x128xf32, #tpu.memory_space<vmem>>[vector<16xi32>, vector<16xi32>], vector<16xf32>,
          tpu.vector_store_idx %arg11[%and3A_427, %add3A_26], %gather3A_435 : memref<128x128xf32, #tpu.memory_space<vmem>>[vector<16xi32>, vector<16xi32>], vector<16xf32>,
        }
        %scan3A_321 = arith.constant 32 : i32
        %add3A_322 = arith.constant 2 : i32
        %add3A_323 = arith.addi %mul3A_304, %add3A_322 : i32
        %le3A_324 = arith.constant 7 : i32
        %le3A_325 = arith.cmpi sle, %add3A_323, %le3A_324 : i32
        %convert_element_type3A_326 = arith.extui %le3A_325 : i1 to i32
        %cond3A_327 = arith.constant 0 : i32
        %cond3A_328 = arith.cmpi ne, %convert_element_type3A_326, %cond3A_327 : i32
        scf.if %cond3A_328 {
          %add3A_369 = arith.constant 2 : i32
          %add3A_370 = arith.addi %mul3A_304, %add3A_369 : i32
          %get3A_371 = arith.constant 0 : index
          %get3A_372 = tpu.vector_load %arg6[%get3A_371] {strides = array<i32>} : memref<128xi32, #tpu.memory_space<vmem>>, vector<16xi32>,
          %add3A_373 = vector.broadcast %add3A_370 : i32 to vector<16xi32>
          %add3A_374 = arith.addi %get3A_372, %add3A_373 : vector<16xi32>
          %swap3A_375 = arith.constant 0 : index
          %swap3A_376 = tpu.vector_load %arg7[%swap3A_375] {strides = array<i32>} : memref<128xi32, #tpu.memory_space<vmem>>, vector<16xi32>,
          tpu.vector_store %arg7[%swap3A_375], %add3A_374 {strides = array<i32>} : memref<128xi32, #tpu.memory_space<vmem>>, vector<16xi32>,
          %get3A_377 = arith.constant 16 : index
          %get3A_378 = tpu.vector_load %arg6[%get3A_377] {strides = array<i32>} : memref<128xi32, #tpu.memory_space<vmem>>, vector<16xi32>,
          %add3A_379 = vector.broadcast %add3A_370 : i32 to vector<16xi32>
          %add3A_380 = arith.addi %get3A_378, %add3A_379 : vector<16xi32>
          %swap3A_381 = arith.constant 16 : index
          %swap3A_382 = tpu.vector_load %arg7[%swap3A_381] {strides = array<i32>} : memref<128xi32, #tpu.memory_space<vmem>>, vector<16xi32>,
          tpu.vector_store %arg7[%swap3A_381], %add3A_380 {strides = array<i32>} : memref<128xi32, #tpu.memory_space<vmem>>, vector<16xi32>,
          %get3A_383 = arith.constant 32 : index
          %get3A_384 = tpu.vector_load %arg6[%get3A_383] {strides = array<i32>} : memref<128xi32, #tpu.memory_space<vmem>>, vector<16xi32>,
          %add3A_385 = vector.broadcast %add3A_370 : i32 to vector<16xi32>
          %add3A_386 = arith.addi %get3A_384, %add3A_385 : vector<16xi32>
          %swap3A_387 = arith.constant 32 : index
          %swap3A_388 = tpu.vector_load %arg7[%swap3A_387] {strides = array<i32>} : memref<128xi32, #tpu.memory_space<vmem>>, vector<16xi32>,
          tpu.vector_store %arg7[%swap3A_387], %add3A_386 {strides = array<i32>} : memref<128xi32, #tpu.memory_space<vmem>>, vector<16xi32>,
          %get3A_389 = arith.constant 48 : index
          %get3A_390 = tpu.vector_load %arg6[%get3A_389] {strides = array<i32>} : memref<128xi32, #tpu.memory_space<vmem>>, vector<16xi32>,
          %add3A_391 = vector.broadcast %add3A_370 : i32 to vector<16xi32>
          %add3A_392 = arith.addi %get3A_390, %add3A_391 : vector<16xi32>
          %swap3A_393 = arith.constant 48 : index
          %swap3A_394 = tpu.vector_load %arg7[%swap3A_393] {strides = array<i32>} : memref<128xi32, #tpu.memory_space<vmem>>, vector<16xi32>,
          tpu.vector_store %arg7[%swap3A_393], %add3A_392 {strides = array<i32>} : memref<128xi32, #tpu.memory_space<vmem>>, vector<16xi32>,
          %get3A_395 = arith.constant 64 : index
          %get3A_396 = tpu.vector_load %arg6[%get3A_395] {strides = array<i32>} : memref<128xi32, #tpu.memory_space<vmem>>, vector<16xi32>,
          %add3A_397 = vector.broadcast %add3A_370 : i32 to vector<16xi32>
          %add3A_398 = arith.addi %get3A_396, %add3A_397 : vector<16xi32>
          %swap3A_399 = arith.constant 64 : index
          %swap3A_400 = tpu.vector_load %arg7[%swap3A_399] {strides = array<i32>} : memref<128xi32, #tpu.memory_space<vmem>>, vector<16xi32>,
          tpu.vector_store %arg7[%swap3A_399], %add3A_398 {strides = array<i32>} : memref<128xi32, #tpu.memory_space<vmem>>, vector<16xi32>,
          %get3A_401 = arith.constant 80 : index
          %get3A_402 = tpu.vector_load %arg6[%get3A_401] {strides = array<i32>} : memref<128xi32, #tpu.memory_space<vmem>>, vector<16xi32>,
          %add3A_403 = vector.broadcast %add3A_370 : i32 to vector<16xi32>
          %add3A_404 = arith.addi %get3A_402, %add3A_403 : vector<16xi32>
          %swap3A_405 = arith.constant 80 : index
          %swap3A_406 = tpu.vector_load %arg7[%swap3A_405] {strides = array<i32>} : memref<128xi32, #tpu.memory_space<vmem>>, vector<16xi32>,
          tpu.vector_store %arg7[%swap3A_405], %add3A_404 {strides = array<i32>} : memref<128xi32, #tpu.memory_space<vmem>>, vector<16xi32>,
          %get3A_407 = arith.constant 96 : index
          %get3A_408 = tpu.vector_load %arg6[%get3A_407] {strides = array<i32>} : memref<128xi32, #tpu.memory_space<vmem>>, vector<16xi32>,
          %add3A_409 = vector.broadcast %add3A_370 : i32 to vector<16xi32>
          %add3A_410 = arith.addi %get3A_408, %add3A_409 : vector<16xi32>
          %swap3A_411 = arith.constant 96 : index
          %swap3A_412 = tpu.vector_load %arg7[%swap3A_411] {strides = array<i32>} : memref<128xi32, #tpu.memory_space<vmem>>, vector<16xi32>,
          tpu.vector_store %arg7[%swap3A_411], %add3A_410 {strides = array<i32>} : memref<128xi32, #tpu.memory_space<vmem>>, vector<16xi32>,
          %get3A_413 = arith.constant 112 : index
          %get3A_414 = tpu.vector_load %arg6[%get3A_413] {strides = array<i32>} : memref<128xi32, #tpu.memory_space<vmem>>, vector<16xi32>,
          %add3A_415 = vector.broadcast %add3A_370 : i32 to vector<16xi32>
          %add3A_416 = arith.addi %get3A_414, %add3A_415 : vector<16xi32>
          %swap3A_417 = arith.constant 112 : index
          %swap3A_418 = tpu.vector_load %arg7[%swap3A_417] {strides = array<i32>} : memref<128xi32, #tpu.memory_space<vmem>>, vector<16xi32>,
          tpu.vector_store %arg7[%swap3A_417], %add3A_416 {strides = array<i32>} : memref<128xi32, #tpu.memory_space<vmem>>, vector<16xi32>,
          %dma_start3A_419 = arith.constant 0 : i32
          %dma_start3A_420 = arith.constant 0 : i32
          %dma_start3A_421 = tpu.memref_slice %arg2[%dma_start3A_419, %dma_start3A_420] : memref<8000x128xf32, #tpu.memory_space<hbm>> -> memref<8000x128xf32, #tpu.memory_space<hbm>>
          tpu.enqueue_indirect_dma source(%dma_start3A_421 : memref<8000x128xf32, #tpu.memory_space<hbm>>) target(%arg9 : memref<128x128xf32, #tpu.memory_space<vmem>>) offsets(%arg7 : memref<128xi32, #tpu.memory_space<vmem>>) semaphore(%arg14 : memref<!tpu.dma_semaphore, #tpu.memory_space<semaphore_mem>>)
        } else {
        }
        %mul3A_329 = arith.constant 128 : i32
        %mul3A_330 = arith.muli %mul3A_304, %mul3A_329 : i32
        %mul3A_331 = arith.constant 128 : i32
        %mul3A_332 = arith.muli %add3A_68, %mul3A_331 : i32
        %dma_start3A_333 = tpu.memref_slice %arg4[%mul3A_330, %mul3A_332] : memref<1000x51200xf32, #tpu.memory_space<hbm>> -> memref<128x128xf32, #tpu.memory_space<hbm>>
        %dma_start3A_334 = tpu.memref_slice %arg4[%mul3A_330, %mul3A_332] : memref<1000x51200xf32, #tpu.memory_space<hbm>> -> memref<128x128xf32, #tpu.memory_space<hbm>>
        tpu.enqueue_dma source(%arg11 : memref<128x128xf32, #tpu.memory_space<vmem>>) target(%dma_start3A_334 : memref<128x128xf32, #tpu.memory_space<hbm>>) target_semaphore(%arg16 : memref<!tpu.dma_semaphore, #tpu.memory_space<semaphore_mem>>)
        %mul3A_335 = arith.constant 2 : i32
        %mul3A_336 = arith.muli %mul3A_335, %scan3A_302 : i32
        %add3A_337 = arith.constant 1 : i32
        %add3A_338 = arith.addi %mul3A_336, %add3A_337 : i32
        %dma_wait3A_339 = arith.constant 0 : i32
        %dma_wait3A_340 = arith.constant 0 : i32
        %dma_wait3A_341 = tpu.memref_slice %arg2[%dma_wait3A_339, %dma_wait3A_340] : memref<8000x128xf32, #tpu.memory_space<hbm>> -> memref<8000x128xf32, #tpu.memory_space<hbm>>
        tpu.wait_indirect_dma semaphore(%arg15 : memref<!tpu.dma_semaphore, #tpu.memory_space<semaphore_mem>>) src(%dma_wait3A_341 : memref<8000x128xf32, #tpu.memory_space<hbm>>) dst(%arg10 : memref<128x128xf32, #tpu.memory_space<vmem>>)
        %ge3A_342 = arith.constant 2 : i32
        %ge3A_343 = arith.cmpi sge, %add3A_338, %ge3A_342 : i32
        %gt3A_344 = arith.constant 0 : i32
        %gt3A_345 = arith.cmpi sgt, %while3A_65, %gt3A_344 : i32
        %or3A_346 = arith.ori %ge3A_343, %gt3A_345 : i1
        %convert_element_type3A_347 = arith.extui %or3A_346 : i1 to i32
        %cond3A_348 = arith.constant 0 : i32
        %cond3A_349 = arith.cmpi ne, %convert_element_type3A_347, %cond3A_348 : i32
        scf.if %cond3A_349 {
          %mul3A_369 = arith.constant 128 : i32
          %mul3A_370 = arith.muli %add3A_338, %mul3A_369 : i32
          %mul3A_371 = arith.constant 128 : i32
          %mul3A_372 = arith.muli %add3A_68, %mul3A_371 : i32
          %dma_wait3A_373 = tpu.memref_slice %arg4[%mul3A_370, %mul3A_372] : memref<1000x51200xf32, #tpu.memory_space<hbm>> -> memref<128x128xf32, #tpu.memory_space<hbm>>
          %dma_wait3A_374 = tpu.memref_slice %arg4[%mul3A_370, %mul3A_372] : memref<1000x51200xf32, #tpu.memory_space<hbm>> -> memref<128x128xf32, #tpu.memory_space<hbm>>
          tpu.wait_dma2 semaphore(%arg17 : memref<!tpu.dma_semaphore, #tpu.memory_space<semaphore_mem>>) src(%arg12 : memref<128x128xf32, #tpu.memory_space<vmem>>) dst(%dma_wait3A_374 : memref<128x128xf32, #tpu.memory_space<hbm>>)
        } else {
        }
        %scan3A_350 = arith.constant 0 : i32
        %scan3A_351 = arith.constant 0 : i32
        %scan3A_352 = arith.constant 32 : i32
        %scan3A_353 = arith.addi %scan3A_351, %scan3A_352 : i32
        %scan3A_354 = arith.constant 1 : i32
        scf.for %scan3A_369 = %scan3A_351 to %scan3A_353 step %scan3A_354  : i32 {
          %mul3A_370 = arith.constant 4 : i32
          %mul3A_371 = arith.muli %scan3A_369, %mul3A_370 : i32
          %add3A_372 = arith.constant 0 : i32
          %add3A_373 = arith.addi %mul3A_371, %add3A_372 : i32
          %add3A_374 = vector.broadcast %add3A_373 : i32 to vector<16xi32>
          %add3A_375 = arith.addi %iota3A, %add3A_374 : vector<16xi32>
          %and3A = arith.constant 127 : i32
          %and3A_376 = vector.broadcast %and3A : i32 to vector<16xi32>
          %and3A_377 = arith.andi %add3A_375, %and3A_376 : vector<16xi32>
          %gather3A = tpu.vector_load_idx %arg10[%add3A_5, %and3A_377] : memref<128x128xf32, #tpu.memory_space<vmem>>[vector<16xi32>, vector<16xi32>], vector<16xf32>,
          %gather3A_378 = tpu.vector_load_idx %arg10[%add3A_8, %and3A_377] : memref<128x128xf32, #tpu.memory_space<vmem>>[vector<16xi32>, vector<16xi32>], vector<16xf32>,
          %gather3A_379 = tpu.vector_load_idx %arg10[%add3A_11, %and3A_377] : memref<128x128xf32, #tpu.memory_space<vmem>>[vector<16xi32>, vector<16xi32>], vector<16xf32>,
          %gather3A_380 = tpu.vector_load_idx %arg10[%add3A_14, %and3A_377] : memref<128x128xf32, #tpu.memory_space<vmem>>[vector<16xi32>, vector<16xi32>], vector<16xf32>,
          %gather3A_381 = tpu.vector_load_idx %arg10[%add3A_17, %and3A_377] : memref<128x128xf32, #tpu.memory_space<vmem>>[vector<16xi32>, vector<16xi32>], vector<16xf32>,
          %gather3A_382 = tpu.vector_load_idx %arg10[%add3A_20, %and3A_377] : memref<128x128xf32, #tpu.memory_space<vmem>>[vector<16xi32>, vector<16xi32>], vector<16xf32>,
          %gather3A_383 = tpu.vector_load_idx %arg10[%add3A_23, %and3A_377] : memref<128x128xf32, #tpu.memory_space<vmem>>[vector<16xi32>, vector<16xi32>], vector<16xf32>,
          %gather3A_384 = tpu.vector_load_idx %arg10[%add3A_26, %and3A_377] : memref<128x128xf32, #tpu.memory_space<vmem>>[vector<16xi32>, vector<16xi32>], vector<16xf32>,
          tpu.vector_store_idx %arg12[%and3A_377, %add3A_5], %gather3A : memref<128x128xf32, #tpu.memory_space<vmem>>[vector<16xi32>, vector<16xi32>], vector<16xf32>,
          tpu.vector_store_idx %arg12[%and3A_377, %add3A_8], %gather3A_378 : memref<128x128xf32, #tpu.memory_space<vmem>>[vector<16xi32>, vector<16xi32>], vector<16xf32>,
          tpu.vector_store_idx %arg12[%and3A_377, %add3A_11], %gather3A_379 : memref<128x128xf32, #tpu.memory_space<vmem>>[vector<16xi32>, vector<16xi32>], vector<16xf32>,
          tpu.vector_store_idx %arg12[%and3A_377, %add3A_14], %gather3A_380 : memref<128x128xf32, #tpu.memory_space<vmem>>[vector<16xi32>, vector<16xi32>], vector<16xf32>,
          tpu.vector_store_idx %arg12[%and3A_377, %add3A_17], %gather3A_381 : memref<128x128xf32, #tpu.memory_space<vmem>>[vector<16xi32>, vector<16xi32>], vector<16xf32>,
          tpu.vector_store_idx %arg12[%and3A_377, %add3A_20], %gather3A_382 : memref<128x128xf32, #tpu.memory_space<vmem>>[vector<16xi32>, vector<16xi32>], vector<16xf32>,
          tpu.vector_store_idx %arg12[%and3A_377, %add3A_23], %gather3A_383 : memref<128x128xf32, #tpu.memory_space<vmem>>[vector<16xi32>, vector<16xi32>], vector<16xf32>,
          tpu.vector_store_idx %arg12[%and3A_377, %add3A_26], %gather3A_384 : memref<128x128xf32, #tpu.memory_space<vmem>>[vector<16xi32>, vector<16xi32>], vector<16xf32>,
          %mul3A_385 = arith.constant 4 : i32
          %mul3A_386 = arith.muli %scan3A_369, %mul3A_385 : i32
          %add3A_387 = arith.constant 1 : i32
          %add3A_388 = arith.addi %mul3A_386, %add3A_387 : i32
          %add3A_389 = vector.broadcast %add3A_388 : i32 to vector<16xi32>
          %add3A_390 = arith.addi %iota3A, %add3A_389 : vector<16xi32>
          %and3A_391 = arith.constant 127 : i32
          %and3A_392 = vector.broadcast %and3A_391 : i32 to vector<16xi32>
          %and3A_393 = arith.andi %add3A_390, %and3A_392 : vector<16xi32>
          %gather3A_394 = tpu.vector_load_idx %arg10[%add3A_5, %and3A_393] : memref<128x128xf32, #tpu.memory_space<vmem>>[vector<16xi32>, vector<16xi32>], vector<16xf32>,
          %gather3A_395 = tpu.vector_load_idx %arg10[%add3A_8, %and3A_393] : memref<128x128xf32, #tpu.memory_space<vmem>>[vector<16xi32>, vector<16xi32>], vector<16xf32>,
          %gather3A_396 = tpu.vector_load_idx %arg10[%add3A_11, %and3A_393] : memref<128x128xf32, #tpu.memory_space<vmem>>[vector<16xi32>, vector<16xi32>], vector<16xf32>,
          %gather3A_397 = tpu.vector_load_idx %arg10[%add3A_14, %and3A_393] : memref<128x128xf32, #tpu.memory_space<vmem>>[vector<16xi32>, vector<16xi32>], vector<16xf32>,
          %gather3A_398 = tpu.vector_load_idx %arg10[%add3A_17, %and3A_393] : memref<128x128xf32, #tpu.memory_space<vmem>>[vector<16xi32>, vector<16xi32>], vector<16xf32>,
          %gather3A_399 = tpu.vector_load_idx %arg10[%add3A_20, %and3A_393] : memref<128x128xf32, #tpu.memory_space<vmem>>[vector<16xi32>, vector<16xi32>], vector<16xf32>,
          %gather3A_400 = tpu.vector_load_idx %arg10[%add3A_23, %and3A_393] : memref<128x128xf32, #tpu.memory_space<vmem>>[vector<16xi32>, vector<16xi32>], vector<16xf32>,
          %gather3A_401 = tpu.vector_load_idx %arg10[%add3A_26, %and3A_393] : memref<128x128xf32, #tpu.memory_space<vmem>>[vector<16xi32>, vector<16xi32>], vector<16xf32>,
          tpu.vector_store_idx %arg12[%and3A_393, %add3A_5], %gather3A_394 : memref<128x128xf32, #tpu.memory_space<vmem>>[vector<16xi32>, vector<16xi32>], vector<16xf32>,
          tpu.vector_store_idx %arg12[%and3A_393, %add3A_8], %gather3A_395 : memref<128x128xf32, #tpu.memory_space<vmem>>[vector<16xi32>, vector<16xi32>], vector<16xf32>,
          tpu.vector_store_idx %arg12[%and3A_393, %add3A_11], %gather3A_396 : memref<128x128xf32, #tpu.memory_space<vmem>>[vector<16xi32>, vector<16xi32>], vector<16xf32>,
          tpu.vector_store_idx %arg12[%and3A_393, %add3A_14], %gather3A_397 : memref<128x128xf32, #tpu.memory_space<vmem>>[vector<16xi32>, vector<16xi32>], vector<16xf32>,
          tpu.vector_store_idx %arg12[%and3A_393, %add3A_17], %gather3A_398 : memref<128x128xf32, #tpu.memory_space<vmem>>[vector<16xi32>, vector<16xi32>], vector<16xf32>,
          tpu.vector_store_idx %arg12[%and3A_393, %add3A_20], %gather3A_399 : memref<128x128xf32, #tpu.memory_space<vmem>>[vector<16xi32>, vector<16xi32>], vector<16xf32>,
          tpu.vector_store_idx %arg12[%and3A_393, %add3A_23], %gather3A_400 : memref<128x128xf32, #tpu.memory_space<vmem>>[vector<16xi32>, vector<16xi32>], vector<16xf32>,
          tpu.vector_store_idx %arg12[%and3A_393, %add3A_26], %gather3A_401 : memref<128x128xf32, #tpu.memory_space<vmem>>[vector<16xi32>, vector<16xi32>], vector<16xf32>,
          %mul3A_402 = arith.constant 4 : i32
          %mul3A_403 = arith.muli %scan3A_369, %mul3A_402 : i32
          %add3A_404 = arith.constant 2 : i32
          %add3A_405 = arith.addi %mul3A_403, %add3A_404 : i32
          %add3A_406 = vector.broadcast %add3A_405 : i32 to vector<16xi32>
          %add3A_407 = arith.addi %iota3A, %add3A_406 : vector<16xi32>
          %and3A_408 = arith.constant 127 : i32
          %and3A_409 = vector.broadcast %and3A_408 : i32 to vector<16xi32>
          %and3A_410 = arith.andi %add3A_407, %and3A_409 : vector<16xi32>
          %gather3A_411 = tpu.vector_load_idx %arg10[%add3A_5, %and3A_410] : memref<128x128xf32, #tpu.memory_space<vmem>>[vector<16xi32>, vector<16xi32>], vector<16xf32>,
          %gather3A_412 = tpu.vector_load_idx %arg10[%add3A_8, %and3A_410] : memref<128x128xf32, #tpu.memory_space<vmem>>[vector<16xi32>, vector<16xi32>], vector<16xf32>,
          %gather3A_413 = tpu.vector_load_idx %arg10[%add3A_11, %and3A_410] : memref<128x128xf32, #tpu.memory_space<vmem>>[vector<16xi32>, vector<16xi32>], vector<16xf32>,
          %gather3A_414 = tpu.vector_load_idx %arg10[%add3A_14, %and3A_410] : memref<128x128xf32, #tpu.memory_space<vmem>>[vector<16xi32>, vector<16xi32>], vector<16xf32>,
          %gather3A_415 = tpu.vector_load_idx %arg10[%add3A_17, %and3A_410] : memref<128x128xf32, #tpu.memory_space<vmem>>[vector<16xi32>, vector<16xi32>], vector<16xf32>,
          %gather3A_416 = tpu.vector_load_idx %arg10[%add3A_20, %and3A_410] : memref<128x128xf32, #tpu.memory_space<vmem>>[vector<16xi32>, vector<16xi32>], vector<16xf32>,
          %gather3A_417 = tpu.vector_load_idx %arg10[%add3A_23, %and3A_410] : memref<128x128xf32, #tpu.memory_space<vmem>>[vector<16xi32>, vector<16xi32>], vector<16xf32>,
          %gather3A_418 = tpu.vector_load_idx %arg10[%add3A_26, %and3A_410] : memref<128x128xf32, #tpu.memory_space<vmem>>[vector<16xi32>, vector<16xi32>], vector<16xf32>,
          tpu.vector_store_idx %arg12[%and3A_410, %add3A_5], %gather3A_411 : memref<128x128xf32, #tpu.memory_space<vmem>>[vector<16xi32>, vector<16xi32>], vector<16xf32>,
          tpu.vector_store_idx %arg12[%and3A_410, %add3A_8], %gather3A_412 : memref<128x128xf32, #tpu.memory_space<vmem>>[vector<16xi32>, vector<16xi32>], vector<16xf32>,
          tpu.vector_store_idx %arg12[%and3A_410, %add3A_11], %gather3A_413 : memref<128x128xf32, #tpu.memory_space<vmem>>[vector<16xi32>, vector<16xi32>], vector<16xf32>,
          tpu.vector_store_idx %arg12[%and3A_410, %add3A_14], %gather3A_414 : memref<128x128xf32, #tpu.memory_space<vmem>>[vector<16xi32>, vector<16xi32>], vector<16xf32>,
          tpu.vector_store_idx %arg12[%and3A_410, %add3A_17], %gather3A_415 : memref<128x128xf32, #tpu.memory_space<vmem>>[vector<16xi32>, vector<16xi32>], vector<16xf32>,
          tpu.vector_store_idx %arg12[%and3A_410, %add3A_20], %gather3A_416 : memref<128x128xf32, #tpu.memory_space<vmem>>[vector<16xi32>, vector<16xi32>], vector<16xf32>,
          tpu.vector_store_idx %arg12[%and3A_410, %add3A_23], %gather3A_417 : memref<128x128xf32, #tpu.memory_space<vmem>>[vector<16xi32>, vector<16xi32>], vector<16xf32>,
          tpu.vector_store_idx %arg12[%and3A_410, %add3A_26], %gather3A_418 : memref<128x128xf32, #tpu.memory_space<vmem>>[vector<16xi32>, vector<16xi32>], vector<16xf32>,
          %mul3A_419 = arith.constant 4 : i32
          %mul3A_420 = arith.muli %scan3A_369, %mul3A_419 : i32
          %add3A_421 = arith.constant 3 : i32
          %add3A_422 = arith.addi %mul3A_420, %add3A_421 : i32
          %add3A_423 = vector.broadcast %add3A_422 : i32 to vector<16xi32>
          %add3A_424 = arith.addi %iota3A, %add3A_423 : vector<16xi32>
          %and3A_425 = arith.constant 127 : i32
          %and3A_426 = vector.broadcast %and3A_425 : i32 to vector<16xi32>
          %and3A_427 = arith.andi %add3A_424, %and3A_426 : vector<16xi32>
          %gather3A_428 = tpu.vector_load_idx %arg10[%add3A_5, %and3A_427] : memref<128x128xf32, #tpu.memory_space<vmem>>[vector<16xi32>, vector<16xi32>], vector<16xf32>,
          %gather3A_429 = tpu.vector_load_idx %arg10[%add3A_8, %and3A_427] : memref<128x128xf32, #tpu.memory_space<vmem>>[vector<16xi32>, vector<16xi32>], vector<16xf32>,
          %gather3A_430 = tpu.vector_load_idx %arg10[%add3A_11, %and3A_427] : memref<128x128xf32, #tpu.memory_space<vmem>>[vector<16xi32>, vector<16xi32>], vector<16xf32>,
          %gather3A_431 = tpu.vector_load_idx %arg10[%add3A_14, %and3A_427] : memref<128x128xf32, #tpu.memory_space<vmem>>[vector<16xi32>, vector<16xi32>], vector<16xf32>,
          %gather3A_432 = tpu.vector_load_idx %arg10[%add3A_17, %and3A_427] : memref<128x128xf32, #tpu.memory_space<vmem>>[vector<16xi32>, vector<16xi32>], vector<16xf32>,
          %gather3A_433 = tpu.vector_load_idx %arg10[%add3A_20, %and3A_427] : memref<128x128xf32, #tpu.memory_space<vmem>>[vector<16xi32>, vector<16xi32>], vector<16xf32>,
          %gather3A_434 = tpu.vector_load_idx %arg10[%add3A_23, %and3A_427] : memref<128x128xf32, #tpu.memory_space<vmem>>[vector<16xi32>, vector<16xi32>], vector<16xf32>,
          %gather3A_435 = tpu.vector_load_idx %arg10[%add3A_26, %and3A_427] : memref<128x128xf32, #tpu.memory_space<vmem>>[vector<16xi32>, vector<16xi32>], vector<16xf32>,
          tpu.vector_store_idx %arg12[%and3A_427, %add3A_5], %gather3A_428 : memref<128x128xf32, #tpu.memory_space<vmem>>[vector<16xi32>, vector<16xi32>], vector<16xf32>,
          tpu.vector_store_idx %arg12[%and3A_427, %add3A_8], %gather3A_429 : memref<128x128xf32, #tpu.memory_space<vmem>>[vector<16xi32>, vector<16xi32>], vector<16xf32>,
          tpu.vector_store_idx %arg12[%and3A_427, %add3A_11], %gather3A_430 : memref<128x128xf32, #tpu.memory_space<vmem>>[vector<16xi32>, vector<16xi32>], vector<16xf32>,
          tpu.vector_store_idx %arg12[%and3A_427, %add3A_14], %gather3A_431 : memref<128x128xf32, #tpu.memory_space<vmem>>[vector<16xi32>, vector<16xi32>], vector<16xf32>,
          tpu.vector_store_idx %arg12[%and3A_427, %add3A_17], %gather3A_432 : memref<128x128xf32, #tpu.memory_space<vmem>>[vector<16xi32>, vector<16xi32>], vector<16xf32>,
          tpu.vector_store_idx %arg12[%and3A_427, %add3A_20], %gather3A_433 : memref<128x128xf32, #tpu.memory_space<vmem>>[vector<16xi32>, vector<16xi32>], vector<16xf32>,
          tpu.vector_store_idx %arg12[%and3A_427, %add3A_23], %gather3A_434 : memref<128x128xf32, #tpu.memory_space<vmem>>[vector<16xi32>, vector<16xi32>], vector<16xf32>,
          tpu.vector_store_idx %arg12[%and3A_427, %add3A_26], %gather3A_435 : memref<128x128xf32, #tpu.memory_space<vmem>>[vector<16xi32>, vector<16xi32>], vector<16xf32>,
        }
        %scan3A_355 = arith.constant 32 : i32
        %add3A_356 = arith.constant 2 : i32
        %add3A_357 = arith.addi %add3A_338, %add3A_356 : i32
        %le3A_358 = arith.constant 7 : i32
        %le3A_359 = arith.cmpi sle, %add3A_357, %le3A_358 : i32
        %convert_element_type3A_360 = arith.extui %le3A_359 : i1 to i32
        %cond3A_361 = arith.constant 0 : i32
        %cond3A_362 = arith.cmpi ne, %convert_element_type3A_360, %cond3A_361 : i32
        scf.if %cond3A_362 {
          %add3A_369 = arith.constant 2 : i32
          %add3A_370 = arith.addi %add3A_338, %add3A_369 : i32
          %get3A_371 = arith.constant 0 : index
          %get3A_372 = tpu.vector_load %arg6[%get3A_371] {strides = array<i32>} : memref<128xi32, #tpu.memory_space<vmem>>, vector<16xi32>,
          %add3A_373 = vector.broadcast %add3A_370 : i32 to vector<16xi32>
          %add3A_374 = arith.addi %get3A_372, %add3A_373 : vector<16xi32>
          %swap3A_375 = arith.constant 0 : index
          %swap3A_376 = tpu.vector_load %arg8[%swap3A_375] {strides = array<i32>} : memref<128xi32, #tpu.memory_space<vmem>>, vector<16xi32>,
          tpu.vector_store %arg8[%swap3A_375], %add3A_374 {strides = array<i32>} : memref<128xi32, #tpu.memory_space<vmem>>, vector<16xi32>,
          %get3A_377 = arith.constant 16 : index
          %get3A_378 = tpu.vector_load %arg6[%get3A_377] {strides = array<i32>} : memref<128xi32, #tpu.memory_space<vmem>>, vector<16xi32>,
          %add3A_379 = vector.broadcast %add3A_370 : i32 to vector<16xi32>
          %add3A_380 = arith.addi %get3A_378, %add3A_379 : vector<16xi32>
          %swap3A_381 = arith.constant 16 : index
          %swap3A_382 = tpu.vector_load %arg8[%swap3A_381] {strides = array<i32>} : memref<128xi32, #tpu.memory_space<vmem>>, vector<16xi32>,
          tpu.vector_store %arg8[%swap3A_381], %add3A_380 {strides = array<i32>} : memref<128xi32, #tpu.memory_space<vmem>>, vector<16xi32>,
          %get3A_383 = arith.constant 32 : index
          %get3A_384 = tpu.vector_load %arg6[%get3A_383] {strides = array<i32>} : memref<128xi32, #tpu.memory_space<vmem>>, vector<16xi32>,
          %add3A_385 = vector.broadcast %add3A_370 : i32 to vector<16xi32>
          %add3A_386 = arith.addi %get3A_384, %add3A_385 : vector<16xi32>
          %swap3A_387 = arith.constant 32 : index
          %swap3A_388 = tpu.vector_load %arg8[%swap3A_387] {strides = array<i32>} : memref<128xi32, #tpu.memory_space<vmem>>, vector<16xi32>,
          tpu.vector_store %arg8[%swap3A_387], %add3A_386 {strides = array<i32>} : memref<128xi32, #tpu.memory_space<vmem>>, vector<16xi32>,
          %get3A_389 = arith.constant 48 : index
          %get3A_390 = tpu.vector_load %arg6[%get3A_389] {strides = array<i32>} : memref<128xi32, #tpu.memory_space<vmem>>, vector<16xi32>,
          %add3A_391 = vector.broadcast %add3A_370 : i32 to vector<16xi32>
          %add3A_392 = arith.addi %get3A_390, %add3A_391 : vector<16xi32>
          %swap3A_393 = arith.constant 48 : index
          %swap3A_394 = tpu.vector_load %arg8[%swap3A_393] {strides = array<i32>} : memref<128xi32, #tpu.memory_space<vmem>>, vector<16xi32>,
          tpu.vector_store %arg8[%swap3A_393], %add3A_392 {strides = array<i32>} : memref<128xi32, #tpu.memory_space<vmem>>, vector<16xi32>,
          %get3A_395 = arith.constant 64 : index
          %get3A_396 = tpu.vector_load %arg6[%get3A_395] {strides = array<i32>} : memref<128xi32, #tpu.memory_space<vmem>>, vector<16xi32>,
          %add3A_397 = vector.broadcast %add3A_370 : i32 to vector<16xi32>
          %add3A_398 = arith.addi %get3A_396, %add3A_397 : vector<16xi32>
          %swap3A_399 = arith.constant 64 : index
          %swap3A_400 = tpu.vector_load %arg8[%swap3A_399] {strides = array<i32>} : memref<128xi32, #tpu.memory_space<vmem>>, vector<16xi32>,
          tpu.vector_store %arg8[%swap3A_399], %add3A_398 {strides = array<i32>} : memref<128xi32, #tpu.memory_space<vmem>>, vector<16xi32>,
          %get3A_401 = arith.constant 80 : index
          %get3A_402 = tpu.vector_load %arg6[%get3A_401] {strides = array<i32>} : memref<128xi32, #tpu.memory_space<vmem>>, vector<16xi32>,
          %add3A_403 = vector.broadcast %add3A_370 : i32 to vector<16xi32>
          %add3A_404 = arith.addi %get3A_402, %add3A_403 : vector<16xi32>
          %swap3A_405 = arith.constant 80 : index
          %swap3A_406 = tpu.vector_load %arg8[%swap3A_405] {strides = array<i32>} : memref<128xi32, #tpu.memory_space<vmem>>, vector<16xi32>,
          tpu.vector_store %arg8[%swap3A_405], %add3A_404 {strides = array<i32>} : memref<128xi32, #tpu.memory_space<vmem>>, vector<16xi32>,
          %get3A_407 = arith.constant 96 : index
          %get3A_408 = tpu.vector_load %arg6[%get3A_407] {strides = array<i32>} : memref<128xi32, #tpu.memory_space<vmem>>, vector<16xi32>,
          %add3A_409 = vector.broadcast %add3A_370 : i32 to vector<16xi32>
          %add3A_410 = arith.addi %get3A_408, %add3A_409 : vector<16xi32>
          %swap3A_411 = arith.constant 96 : index
          %swap3A_412 = tpu.vector_load %arg8[%swap3A_411] {strides = array<i32>} : memref<128xi32, #tpu.memory_space<vmem>>, vector<16xi32>,
          tpu.vector_store %arg8[%swap3A_411], %add3A_410 {strides = array<i32>} : memref<128xi32, #tpu.memory_space<vmem>>, vector<16xi32>,
          %get3A_413 = arith.constant 112 : index
          %get3A_414 = tpu.vector_load %arg6[%get3A_413] {strides = array<i32>} : memref<128xi32, #tpu.memory_space<vmem>>, vector<16xi32>,
          %add3A_415 = vector.broadcast %add3A_370 : i32 to vector<16xi32>
          %add3A_416 = arith.addi %get3A_414, %add3A_415 : vector<16xi32>
          %swap3A_417 = arith.constant 112 : index
          %swap3A_418 = tpu.vector_load %arg8[%swap3A_417] {strides = array<i32>} : memref<128xi32, #tpu.memory_space<vmem>>, vector<16xi32>,
          tpu.vector_store %arg8[%swap3A_417], %add3A_416 {strides = array<i32>} : memref<128xi32, #tpu.memory_space<vmem>>, vector<16xi32>,
          %dma_start3A_419 = arith.constant 0 : i32
          %dma_start3A_420 = arith.constant 0 : i32
          %dma_start3A_421 = tpu.memref_slice %arg2[%dma_start3A_419, %dma_start3A_420] : memref<8000x128xf32, #tpu.memory_space<hbm>> -> memref<8000x128xf32, #tpu.memory_space<hbm>>
          tpu.enqueue_indirect_dma source(%dma_start3A_421 : memref<8000x128xf32, #tpu.memory_space<hbm>>) target(%arg10 : memref<128x128xf32, #tpu.memory_space<vmem>>) offsets(%arg8 : memref<128xi32, #tpu.memory_space<vmem>>) semaphore(%arg15 : memref<!tpu.dma_semaphore, #tpu.memory_space<semaphore_mem>>)
        } else {
        }
        %mul3A_363 = arith.constant 128 : i32
        %mul3A_364 = arith.muli %add3A_338, %mul3A_363 : i32
        %mul3A_365 = arith.constant 128 : i32
        %mul3A_366 = arith.muli %add3A_68, %mul3A_365 : i32
        %dma_start3A_367 = tpu.memref_slice %arg4[%mul3A_364, %mul3A_366] : memref<1000x51200xf32, #tpu.memory_space<hbm>> -> memref<128x128xf32, #tpu.memory_space<hbm>>
        %dma_start3A_368 = tpu.memref_slice %arg4[%mul3A_364, %mul3A_366] : memref<1000x51200xf32, #tpu.memory_space<hbm>> -> memref<128x128xf32, #tpu.memory_space<hbm>>
        tpu.enqueue_dma source(%arg12 : memref<128x128xf32, #tpu.memory_space<vmem>>) target(%dma_start3A_368 : memref<128x128xf32, #tpu.memory_space<hbm>>) target_semaphore(%arg17 : memref<!tpu.dma_semaphore, #tpu.memory_space<semaphore_mem>>)
      }
      %scan3A_246 = arith.constant 3 : i32
      %dma_wait3A_247 = arith.constant 0 : i32
      %dma_wait3A_248 = arith.constant 0 : i32
      %dma_wait3A_249 = tpu.memref_slice %arg2[%dma_wait3A_247, %dma_wait3A_248] : memref<8000x128xf32, #tpu.memory_space<hbm>> -> memref<8000x128xf32, #tpu.memory_space<hbm>>
      tpu.wait_indirect_dma semaphore(%arg14 : memref<!tpu.dma_semaphore, #tpu.memory_space<semaphore_mem>>) src(%dma_wait3A_249 : memref<8000x128xf32, #tpu.memory_space<hbm>>) dst(%arg9 : memref<128x128xf32, #tpu.memory_space<vmem>>)
      %ge3A = arith.constant 6 : i32
      %ge3A_250 = arith.constant 2 : i32
      %ge3A_251 = arith.cmpi sge, %ge3A, %ge3A_250 : i32
      %gt3A = arith.constant 0 : i32
      %gt3A_252 = arith.cmpi sgt, %while3A_65, %gt3A : i32
      %or3A = arith.ori %ge3A_251, %gt3A_252 : i1
      %convert_element_type3A = arith.extui %or3A : i1 to i32
      %cond3A = arith.constant 6 : i32
      %cond3A_253 = arith.constant 0 : i32
      %cond3A_254 = arith.cmpi ne, %convert_element_type3A, %cond3A_253 : i32
      scf.if %cond3A_254 {
        %mul3A_302 = arith.constant 128 : i32
        %mul3A_303 = arith.muli %cond3A, %mul3A_302 : i32
        %mul3A_304 = arith.constant 128 : i32
        %mul3A_305 = arith.muli %add3A_68, %mul3A_304 : i32
        %dma_wait3A_306 = tpu.memref_slice %arg4[%mul3A_303, %mul3A_305] : memref<1000x51200xf32, #tpu.memory_space<hbm>> -> memref<128x128xf32, #tpu.memory_space<hbm>>
        %dma_wait3A_307 = tpu.memref_slice %arg4[%mul3A_303, %mul3A_305] : memref<1000x51200xf32, #tpu.memory_space<hbm>> -> memref<128x128xf32, #tpu.memory_space<hbm>>
        tpu.wait_dma2 semaphore(%arg16 : memref<!tpu.dma_semaphore, #tpu.memory_space<semaphore_mem>>) src(%arg11 : memref<128x128xf32, #tpu.memory_space<vmem>>) dst(%dma_wait3A_307 : memref<128x128xf32, #tpu.memory_space<hbm>>)
      } else {
      }
      %scan3A_255 = arith.constant 0 : i32
      %scan3A_256 = arith.constant 0 : i32
      %scan3A_257 = arith.constant 32 : i32
      %scan3A_258 = arith.addi %scan3A_256, %scan3A_257 : i32
      %scan3A_259 = arith.constant 1 : i32
      scf.for %scan3A_302 = %scan3A_256 to %scan3A_258 step %scan3A_259  : i32 {
        %mul3A_303 = arith.constant 4 : i32
        %mul3A_304 = arith.muli %scan3A_302, %mul3A_303 : i32
        %add3A_305 = arith.constant 0 : i32
        %add3A_306 = arith.addi %mul3A_304, %add3A_305 : i32
        %add3A_307 = vector.broadcast %add3A_306 : i32 to vector<16xi32>
        %add3A_308 = arith.addi %iota3A, %add3A_307 : vector<16xi32>
        %and3A = arith.constant 127 : i32
        %and3A_309 = vector.broadcast %and3A : i32 to vector<16xi32>
        %and3A_310 = arith.andi %add3A_308, %and3A_309 : vector<16xi32>
        %gather3A = tpu.vector_load_idx %arg9[%add3A_5, %and3A_310] : memref<128x128xf32, #tpu.memory_space<vmem>>[vector<16xi32>, vector<16xi32>], vector<16xf32>,
        %gather3A_311 = tpu.vector_load_idx %arg9[%add3A_8, %and3A_310] : memref<128x128xf32, #tpu.memory_space<vmem>>[vector<16xi32>, vector<16xi32>], vector<16xf32>,
        %gather3A_312 = tpu.vector_load_idx %arg9[%add3A_11, %and3A_310] : memref<128x128xf32, #tpu.memory_space<vmem>>[vector<16xi32>, vector<16xi32>], vector<16xf32>,
        %gather3A_313 = tpu.vector_load_idx %arg9[%add3A_14, %and3A_310] : memref<128x128xf32, #tpu.memory_space<vmem>>[vector<16xi32>, vector<16xi32>], vector<16xf32>,
        %gather3A_314 = tpu.vector_load_idx %arg9[%add3A_17, %and3A_310] : memref<128x128xf32, #tpu.memory_space<vmem>>[vector<16xi32>, vector<16xi32>], vector<16xf32>,
        %gather3A_315 = tpu.vector_load_idx %arg9[%add3A_20, %and3A_310] : memref<128x128xf32, #tpu.memory_space<vmem>>[vector<16xi32>, vector<16xi32>], vector<16xf32>,
        %gather3A_316 = tpu.vector_load_idx %arg9[%add3A_23, %and3A_310] : memref<128x128xf32, #tpu.memory_space<vmem>>[vector<16xi32>, vector<16xi32>], vector<16xf32>,
        %gather3A_317 = tpu.vector_load_idx %arg9[%add3A_26, %and3A_310] : memref<128x128xf32, #tpu.memory_space<vmem>>[vector<16xi32>, vector<16xi32>], vector<16xf32>,
        tpu.vector_store_idx %arg11[%and3A_310, %add3A_5], %gather3A : memref<128x128xf32, #tpu.memory_space<vmem>>[vector<16xi32>, vector<16xi32>], vector<16xf32>,
        tpu.vector_store_idx %arg11[%and3A_310, %add3A_8], %gather3A_311 : memref<128x128xf32, #tpu.memory_space<vmem>>[vector<16xi32>, vector<16xi32>], vector<16xf32>,
        tpu.vector_store_idx %arg11[%and3A_310, %add3A_11], %gather3A_312 : memref<128x128xf32, #tpu.memory_space<vmem>>[vector<16xi32>, vector<16xi32>], vector<16xf32>,
        tpu.vector_store_idx %arg11[%and3A_310, %add3A_14], %gather3A_313 : memref<128x128xf32, #tpu.memory_space<vmem>>[vector<16xi32>, vector<16xi32>], vector<16xf32>,
        tpu.vector_store_idx %arg11[%and3A_310, %add3A_17], %gather3A_314 : memref<128x128xf32, #tpu.memory_space<vmem>>[vector<16xi32>, vector<16xi32>], vector<16xf32>,
        tpu.vector_store_idx %arg11[%and3A_310, %add3A_20], %gather3A_315 : memref<128x128xf32, #tpu.memory_space<vmem>>[vector<16xi32>, vector<16xi32>], vector<16xf32>,
        tpu.vector_store_idx %arg11[%and3A_310, %add3A_23], %gather3A_316 : memref<128x128xf32, #tpu.memory_space<vmem>>[vector<16xi32>, vector<16xi32>], vector<16xf32>,
        tpu.vector_store_idx %arg11[%and3A_310, %add3A_26], %gather3A_317 : memref<128x128xf32, #tpu.memory_space<vmem>>[vector<16xi32>, vector<16xi32>], vector<16xf32>,
        %mul3A_318 = arith.constant 4 : i32
        %mul3A_319 = arith.muli %scan3A_302, %mul3A_318 : i32
        %add3A_320 = arith.constant 1 : i32
        %add3A_321 = arith.addi %mul3A_319, %add3A_320 : i32
        %add3A_322 = vector.broadcast %add3A_321 : i32 to vector<16xi32>
        %add3A_323 = arith.addi %iota3A, %add3A_322 : vector<16xi32>
        %and3A_324 = arith.constant 127 : i32
        %and3A_325 = vector.broadcast %and3A_324 : i32 to vector<16xi32>
        %and3A_326 = arith.andi %add3A_323, %and3A_325 : vector<16xi32>
        %gather3A_327 = tpu.vector_load_idx %arg9[%add3A_5, %and3A_326] : memref<128x128xf32, #tpu.memory_space<vmem>>[vector<16xi32>, vector<16xi32>], vector<16xf32>,
        %gather3A_328 = tpu.vector_load_idx %arg9[%add3A_8, %and3A_326] : memref<128x128xf32, #tpu.memory_space<vmem>>[vector<16xi32>, vector<16xi32>], vector<16xf32>,
        %gather3A_329 = tpu.vector_load_idx %arg9[%add3A_11, %and3A_326] : memref<128x128xf32, #tpu.memory_space<vmem>>[vector<16xi32>, vector<16xi32>], vector<16xf32>,
        %gather3A_330 = tpu.vector_load_idx %arg9[%add3A_14, %and3A_326] : memref<128x128xf32, #tpu.memory_space<vmem>>[vector<16xi32>, vector<16xi32>], vector<16xf32>,
        %gather3A_331 = tpu.vector_load_idx %arg9[%add3A_17, %and3A_326] : memref<128x128xf32, #tpu.memory_space<vmem>>[vector<16xi32>, vector<16xi32>], vector<16xf32>,
        %gather3A_332 = tpu.vector_load_idx %arg9[%add3A_20, %and3A_326] : memref<128x128xf32, #tpu.memory_space<vmem>>[vector<16xi32>, vector<16xi32>], vector<16xf32>,
        %gather3A_333 = tpu.vector_load_idx %arg9[%add3A_23, %and3A_326] : memref<128x128xf32, #tpu.memory_space<vmem>>[vector<16xi32>, vector<16xi32>], vector<16xf32>,
        %gather3A_334 = tpu.vector_load_idx %arg9[%add3A_26, %and3A_326] : memref<128x128xf32, #tpu.memory_space<vmem>>[vector<16xi32>, vector<16xi32>], vector<16xf32>,
        tpu.vector_store_idx %arg11[%and3A_326, %add3A_5], %gather3A_327 : memref<128x128xf32, #tpu.memory_space<vmem>>[vector<16xi32>, vector<16xi32>], vector<16xf32>,
        tpu.vector_store_idx %arg11[%and3A_326, %add3A_8], %gather3A_328 : memref<128x128xf32, #tpu.memory_space<vmem>>[vector<16xi32>, vector<16xi32>], vector<16xf32>,
        tpu.vector_store_idx %arg11[%and3A_326, %add3A_11], %gather3A_329 : memref<128x128xf32, #tpu.memory_space<vmem>>[vector<16xi32>, vector<16xi32>], vector<16xf32>,
        tpu.vector_store_idx %arg11[%and3A_326, %add3A_14], %gather3A_330 : memref<128x128xf32, #tpu.memory_space<vmem>>[vector<16xi32>, vector<16xi32>], vector<16xf32>,
        tpu.vector_store_idx %arg11[%and3A_326, %add3A_17], %gather3A_331 : memref<128x128xf32, #tpu.memory_space<vmem>>[vector<16xi32>, vector<16xi32>], vector<16xf32>,
        tpu.vector_store_idx %arg11[%and3A_326, %add3A_20], %gather3A_332 : memref<128x128xf32, #tpu.memory_space<vmem>>[vector<16xi32>, vector<16xi32>], vector<16xf32>,
        tpu.vector_store_idx %arg11[%and3A_326, %add3A_23], %gather3A_333 : memref<128x128xf32, #tpu.memory_space<vmem>>[vector<16xi32>, vector<16xi32>], vector<16xf32>,
        tpu.vector_store_idx %arg11[%and3A_326, %add3A_26], %gather3A_334 : memref<128x128xf32, #tpu.memory_space<vmem>>[vector<16xi32>, vector<16xi32>], vector<16xf32>,
        %mul3A_335 = arith.constant 4 : i32
        %mul3A_336 = arith.muli %scan3A_302, %mul3A_335 : i32
        %add3A_337 = arith.constant 2 : i32
        %add3A_338 = arith.addi %mul3A_336, %add3A_337 : i32
        %add3A_339 = vector.broadcast %add3A_338 : i32 to vector<16xi32>
        %add3A_340 = arith.addi %iota3A, %add3A_339 : vector<16xi32>
        %and3A_341 = arith.constant 127 : i32
        %and3A_342 = vector.broadcast %and3A_341 : i32 to vector<16xi32>
        %and3A_343 = arith.andi %add3A_340, %and3A_342 : vector<16xi32>
        %gather3A_344 = tpu.vector_load_idx %arg9[%add3A_5, %and3A_343] : memref<128x128xf32, #tpu.memory_space<vmem>>[vector<16xi32>, vector<16xi32>], vector<16xf32>,
        %gather3A_345 = tpu.vector_load_idx %arg9[%add3A_8, %and3A_343] : memref<128x128xf32, #tpu.memory_space<vmem>>[vector<16xi32>, vector<16xi32>], vector<16xf32>,
        %gather3A_346 = tpu.vector_load_idx %arg9[%add3A_11, %and3A_343] : memref<128x128xf32, #tpu.memory_space<vmem>>[vector<16xi32>, vector<16xi32>], vector<16xf32>,
        %gather3A_347 = tpu.vector_load_idx %arg9[%add3A_14, %and3A_343] : memref<128x128xf32, #tpu.memory_space<vmem>>[vector<16xi32>, vector<16xi32>], vector<16xf32>,
        %gather3A_348 = tpu.vector_load_idx %arg9[%add3A_17, %and3A_343] : memref<128x128xf32, #tpu.memory_space<vmem>>[vector<16xi32>, vector<16xi32>], vector<16xf32>,
        %gather3A_349 = tpu.vector_load_idx %arg9[%add3A_20, %and3A_343] : memref<128x128xf32, #tpu.memory_space<vmem>>[vector<16xi32>, vector<16xi32>], vector<16xf32>,
        %gather3A_350 = tpu.vector_load_idx %arg9[%add3A_23, %and3A_343] : memref<128x128xf32, #tpu.memory_space<vmem>>[vector<16xi32>, vector<16xi32>], vector<16xf32>,
        %gather3A_351 = tpu.vector_load_idx %arg9[%add3A_26, %and3A_343] : memref<128x128xf32, #tpu.memory_space<vmem>>[vector<16xi32>, vector<16xi32>], vector<16xf32>,
        tpu.vector_store_idx %arg11[%and3A_343, %add3A_5], %gather3A_344 : memref<128x128xf32, #tpu.memory_space<vmem>>[vector<16xi32>, vector<16xi32>], vector<16xf32>,
        tpu.vector_store_idx %arg11[%and3A_343, %add3A_8], %gather3A_345 : memref<128x128xf32, #tpu.memory_space<vmem>>[vector<16xi32>, vector<16xi32>], vector<16xf32>,
        tpu.vector_store_idx %arg11[%and3A_343, %add3A_11], %gather3A_346 : memref<128x128xf32, #tpu.memory_space<vmem>>[vector<16xi32>, vector<16xi32>], vector<16xf32>,
        tpu.vector_store_idx %arg11[%and3A_343, %add3A_14], %gather3A_347 : memref<128x128xf32, #tpu.memory_space<vmem>>[vector<16xi32>, vector<16xi32>], vector<16xf32>,
        tpu.vector_store_idx %arg11[%and3A_343, %add3A_17], %gather3A_348 : memref<128x128xf32, #tpu.memory_space<vmem>>[vector<16xi32>, vector<16xi32>], vector<16xf32>,
        tpu.vector_store_idx %arg11[%and3A_343, %add3A_20], %gather3A_349 : memref<128x128xf32, #tpu.memory_space<vmem>>[vector<16xi32>, vector<16xi32>], vector<16xf32>,
        tpu.vector_store_idx %arg11[%and3A_343, %add3A_23], %gather3A_350 : memref<128x128xf32, #tpu.memory_space<vmem>>[vector<16xi32>, vector<16xi32>], vector<16xf32>,
        tpu.vector_store_idx %arg11[%and3A_343, %add3A_26], %gather3A_351 : memref<128x128xf32, #tpu.memory_space<vmem>>[vector<16xi32>, vector<16xi32>], vector<16xf32>,
        %mul3A_352 = arith.constant 4 : i32
        %mul3A_353 = arith.muli %scan3A_302, %mul3A_352 : i32
        %add3A_354 = arith.constant 3 : i32
        %add3A_355 = arith.addi %mul3A_353, %add3A_354 : i32
        %add3A_356 = vector.broadcast %add3A_355 : i32 to vector<16xi32>
        %add3A_357 = arith.addi %iota3A, %add3A_356 : vector<16xi32>
        %and3A_358 = arith.constant 127 : i32
        %and3A_359 = vector.broadcast %and3A_358 : i32 to vector<16xi32>
        %and3A_360 = arith.andi %add3A_357, %and3A_359 : vector<16xi32>
        %gather3A_361 = tpu.vector_load_idx %arg9[%add3A_5, %and3A_360] : memref<128x128xf32, #tpu.memory_space<vmem>>[vector<16xi32>, vector<16xi32>], vector<16xf32>,
        %gather3A_362 = tpu.vector_load_idx %arg9[%add3A_8, %and3A_360] : memref<128x128xf32, #tpu.memory_space<vmem>>[vector<16xi32>, vector<16xi32>], vector<16xf32>,
        %gather3A_363 = tpu.vector_load_idx %arg9[%add3A_11, %and3A_360] : memref<128x128xf32, #tpu.memory_space<vmem>>[vector<16xi32>, vector<16xi32>], vector<16xf32>,
        %gather3A_364 = tpu.vector_load_idx %arg9[%add3A_14, %and3A_360] : memref<128x128xf32, #tpu.memory_space<vmem>>[vector<16xi32>, vector<16xi32>], vector<16xf32>,
        %gather3A_365 = tpu.vector_load_idx %arg9[%add3A_17, %and3A_360] : memref<128x128xf32, #tpu.memory_space<vmem>>[vector<16xi32>, vector<16xi32>], vector<16xf32>,
        %gather3A_366 = tpu.vector_load_idx %arg9[%add3A_20, %and3A_360] : memref<128x128xf32, #tpu.memory_space<vmem>>[vector<16xi32>, vector<16xi32>], vector<16xf32>,
        %gather3A_367 = tpu.vector_load_idx %arg9[%add3A_23, %and3A_360] : memref<128x128xf32, #tpu.memory_space<vmem>>[vector<16xi32>, vector<16xi32>], vector<16xf32>,
        %gather3A_368 = tpu.vector_load_idx %arg9[%add3A_26, %and3A_360] : memref<128x128xf32, #tpu.memory_space<vmem>>[vector<16xi32>, vector<16xi32>], vector<16xf32>,
        tpu.vector_store_idx %arg11[%and3A_360, %add3A_5], %gather3A_361 : memref<128x128xf32, #tpu.memory_space<vmem>>[vector<16xi32>, vector<16xi32>], vector<16xf32>,
        tpu.vector_store_idx %arg11[%and3A_360, %add3A_8], %gather3A_362 : memref<128x128xf32, #tpu.memory_space<vmem>>[vector<16xi32>, vector<16xi32>], vector<16xf32>,
        tpu.vector_store_idx %arg11[%and3A_360, %add3A_11], %gather3A_363 : memref<128x128xf32, #tpu.memory_space<vmem>>[vector<16xi32>, vector<16xi32>], vector<16xf32>,
        tpu.vector_store_idx %arg11[%and3A_360, %add3A_14], %gather3A_364 : memref<128x128xf32, #tpu.memory_space<vmem>>[vector<16xi32>, vector<16xi32>], vector<16xf32>,
        tpu.vector_store_idx %arg11[%and3A_360, %add3A_17], %gather3A_365 : memref<128x128xf32, #tpu.memory_space<vmem>>[vector<16xi32>, vector<16xi32>], vector<16xf32>,
        tpu.vector_store_idx %arg11[%and3A_360, %add3A_20], %gather3A_366 : memref<128x128xf32, #tpu.memory_space<vmem>>[vector<16xi32>, vector<16xi32>], vector<16xf32>,
        tpu.vector_store_idx %arg11[%and3A_360, %add3A_23], %gather3A_367 : memref<128x128xf32, #tpu.memory_space<vmem>>[vector<16xi32>, vector<16xi32>], vector<16xf32>,
        tpu.vector_store_idx %arg11[%and3A_360, %add3A_26], %gather3A_368 : memref<128x128xf32, #tpu.memory_space<vmem>>[vector<16xi32>, vector<16xi32>], vector<16xf32>,
      }
      %scan3A_260 = arith.constant 32 : i32
      %add3A_261 = arith.constant 6 : i32
      %add3A_262 = arith.constant 2 : i32
      %add3A_263 = arith.addi %add3A_261, %add3A_262 : i32
      %le3A = arith.constant 7 : i32
      %le3A_264 = arith.cmpi sle, %add3A_263, %le3A : i32
      %convert_element_type3A_265 = arith.extui %le3A_264 : i1 to i32
      %cond3A_266 = arith.constant 6 : i32
      %cond3A_267 = arith.constant 0 : i32
      %cond3A_268 = arith.cmpi ne, %convert_element_type3A_265, %cond3A_267 : i32
      scf.if %cond3A_268 {
        %add3A_302 = arith.constant 2 : i32
        %add3A_303 = arith.addi %cond3A_266, %add3A_302 : i32
        %get3A_304 = arith.constant 0 : index
        %get3A_305 = tpu.vector_load %arg6[%get3A_304] {strides = array<i32>} : memref<128xi32, #tpu.memory_space<vmem>>, vector<16xi32>,
        %add3A_306 = vector.broadcast %add3A_303 : i32 to vector<16xi32>
        %add3A_307 = arith.addi %get3A_305, %add3A_306 : vector<16xi32>
        %swap3A_308 = arith.constant 0 : index
        %swap3A_309 = tpu.vector_load %arg7[%swap3A_308] {strides = array<i32>} : memref<128xi32, #tpu.memory_space<vmem>>, vector<16xi32>,
        tpu.vector_store %arg7[%swap3A_308], %add3A_307 {strides = array<i32>} : memref<128xi32, #tpu.memory_space<vmem>>, vector<16xi32>,
        %get3A_310 = arith.constant 16 : index
        %get3A_311 = tpu.vector_load %arg6[%get3A_310] {strides = array<i32>} : memref<128xi32, #tpu.memory_space<vmem>>, vector<16xi32>,
        %add3A_312 = vector.broadcast %add3A_303 : i32 to vector<16xi32>
        %add3A_313 = arith.addi %get3A_311, %add3A_312 : vector<16xi32>
        %swap3A_314 = arith.constant 16 : index
        %swap3A_315 = tpu.vector_load %arg7[%swap3A_314] {strides = array<i32>} : memref<128xi32, #tpu.memory_space<vmem>>, vector<16xi32>,
        tpu.vector_store %arg7[%swap3A_314], %add3A_313 {strides = array<i32>} : memref<128xi32, #tpu.memory_space<vmem>>, vector<16xi32>,
        %get3A_316 = arith.constant 32 : index
        %get3A_317 = tpu.vector_load %arg6[%get3A_316] {strides = array<i32>} : memref<128xi32, #tpu.memory_space<vmem>>, vector<16xi32>,
        %add3A_318 = vector.broadcast %add3A_303 : i32 to vector<16xi32>
        %add3A_319 = arith.addi %get3A_317, %add3A_318 : vector<16xi32>
        %swap3A_320 = arith.constant 32 : index
        %swap3A_321 = tpu.vector_load %arg7[%swap3A_320] {strides = array<i32>} : memref<128xi32, #tpu.memory_space<vmem>>, vector<16xi32>,
        tpu.vector_store %arg7[%swap3A_320], %add3A_319 {strides = array<i32>} : memref<128xi32, #tpu.memory_space<vmem>>, vector<16xi32>,
        %get3A_322 = arith.constant 48 : index
        %get3A_323 = tpu.vector_load %arg6[%get3A_322] {strides = array<i32>} : memref<128xi32, #tpu.memory_space<vmem>>, vector<16xi32>,
        %add3A_324 = vector.broadcast %add3A_303 : i32 to vector<16xi32>
        %add3A_325 = arith.addi %get3A_323, %add3A_324 : vector<16xi32>
        %swap3A_326 = arith.constant 48 : index
        %swap3A_327 = tpu.vector_load %arg7[%swap3A_326] {strides = array<i32>} : memref<128xi32, #tpu.memory_space<vmem>>, vector<16xi32>,
        tpu.vector_store %arg7[%swap3A_326], %add3A_325 {strides = array<i32>} : memref<128xi32, #tpu.memory_space<vmem>>, vector<16xi32>,
        %get3A_328 = arith.constant 64 : index
        %get3A_329 = tpu.vector_load %arg6[%get3A_328] {strides = array<i32>} : memref<128xi32, #tpu.memory_space<vmem>>, vector<16xi32>,
        %add3A_330 = vector.broadcast %add3A_303 : i32 to vector<16xi32>
        %add3A_331 = arith.addi %get3A_329, %add3A_330 : vector<16xi32>
        %swap3A_332 = arith.constant 64 : index
        %swap3A_333 = tpu.vector_load %arg7[%swap3A_332] {strides = array<i32>} : memref<128xi32, #tpu.memory_space<vmem>>, vector<16xi32>,
        tpu.vector_store %arg7[%swap3A_332], %add3A_331 {strides = array<i32>} : memref<128xi32, #tpu.memory_space<vmem>>, vector<16xi32>,
        %get3A_334 = arith.constant 80 : index
        %get3A_335 = tpu.vector_load %arg6[%get3A_334] {strides = array<i32>} : memref<128xi32, #tpu.memory_space<vmem>>, vector<16xi32>,
        %add3A_336 = vector.broadcast %add3A_303 : i32 to vector<16xi32>
        %add3A_337 = arith.addi %get3A_335, %add3A_336 : vector<16xi32>
        %swap3A_338 = arith.constant 80 : index
        %swap3A_339 = tpu.vector_load %arg7[%swap3A_338] {strides = array<i32>} : memref<128xi32, #tpu.memory_space<vmem>>, vector<16xi32>,
        tpu.vector_store %arg7[%swap3A_338], %add3A_337 {strides = array<i32>} : memref<128xi32, #tpu.memory_space<vmem>>, vector<16xi32>,
        %get3A_340 = arith.constant 96 : index
        %get3A_341 = tpu.vector_load %arg6[%get3A_340] {strides = array<i32>} : memref<128xi32, #tpu.memory_space<vmem>>, vector<16xi32>,
        %add3A_342 = vector.broadcast %add3A_303 : i32 to vector<16xi32>
        %add3A_343 = arith.addi %get3A_341, %add3A_342 : vector<16xi32>
        %swap3A_344 = arith.constant 96 : index
        %swap3A_345 = tpu.vector_load %arg7[%swap3A_344] {strides = array<i32>} : memref<128xi32, #tpu.memory_space<vmem>>, vector<16xi32>,
        tpu.vector_store %arg7[%swap3A_344], %add3A_343 {strides = array<i32>} : memref<128xi32, #tpu.memory_space<vmem>>, vector<16xi32>,
        %get3A_346 = arith.constant 112 : index
        %get3A_347 = tpu.vector_load %arg6[%get3A_346] {strides = array<i32>} : memref<128xi32, #tpu.memory_space<vmem>>, vector<16xi32>,
        %add3A_348 = vector.broadcast %add3A_303 : i32 to vector<16xi32>
        %add3A_349 = arith.addi %get3A_347, %add3A_348 : vector<16xi32>
        %swap3A_350 = arith.constant 112 : index
        %swap3A_351 = tpu.vector_load %arg7[%swap3A_350] {strides = array<i32>} : memref<128xi32, #tpu.memory_space<vmem>>, vector<16xi32>,
        tpu.vector_store %arg7[%swap3A_350], %add3A_349 {strides = array<i32>} : memref<128xi32, #tpu.memory_space<vmem>>, vector<16xi32>,
        %dma_start3A_352 = arith.constant 0 : i32
        %dma_start3A_353 = arith.constant 0 : i32
        %dma_start3A_354 = tpu.memref_slice %arg2[%dma_start3A_352, %dma_start3A_353] : memref<8000x128xf32, #tpu.memory_space<hbm>> -> memref<8000x128xf32, #tpu.memory_space<hbm>>
        tpu.enqueue_indirect_dma source(%dma_start3A_354 : memref<8000x128xf32, #tpu.memory_space<hbm>>) target(%arg9 : memref<128x128xf32, #tpu.memory_space<vmem>>) offsets(%arg7 : memref<128xi32, #tpu.memory_space<vmem>>) semaphore(%arg14 : memref<!tpu.dma_semaphore, #tpu.memory_space<semaphore_mem>>)
      } else {
      }
      %mul3A_269 = arith.constant 6 : i32
      %mul3A_270 = arith.constant 128 : i32
      %mul3A_271 = arith.muli %mul3A_269, %mul3A_270 : i32
      %mul3A_272 = arith.constant 128 : i32
      %mul3A_273 = arith.muli %add3A_68, %mul3A_272 : i32
      %dma_start3A_274 = tpu.memref_slice %arg4[%mul3A_271, %mul3A_273] : memref<1000x51200xf32, #tpu.memory_space<hbm>> -> memref<128x128xf32, #tpu.memory_space<hbm>>
      %dma_start3A_275 = tpu.memref_slice %arg4[%mul3A_271, %mul3A_273] : memref<1000x51200xf32, #tpu.memory_space<hbm>> -> memref<128x128xf32, #tpu.memory_space<hbm>>
      tpu.enqueue_dma source(%arg11 : memref<128x128xf32, #tpu.memory_space<vmem>>) target(%dma_start3A_275 : memref<128x128xf32, #tpu.memory_space<hbm>>) target_semaphore(%arg16 : memref<!tpu.dma_semaphore, #tpu.memory_space<semaphore_mem>>)
      %dma_wait3A_276 = arith.constant 0 : i32
      %dma_wait3A_277 = arith.constant 0 : i32
      %dma_wait3A_278 = tpu.memref_slice %arg2[%dma_wait3A_276, %dma_wait3A_277] : memref<8000x128xf32, #tpu.memory_space<hbm>> -> memref<8000x128xf32, #tpu.memory_space<hbm>>
      tpu.wait_indirect_dma semaphore(%arg15 : memref<!tpu.dma_semaphore, #tpu.memory_space<semaphore_mem>>) src(%dma_wait3A_278 : memref<8000x128xf32, #tpu.memory_space<hbm>>) dst(%arg10 : memref<128x128xf32, #tpu.memory_space<vmem>>)
      %gt3A_279 = arith.constant 0 : i32
      %gt3A_280 = arith.cmpi sgt, %while3A_65, %gt3A_279 : i32
      %convert_element_type3A_281 = arith.extui %gt3A_280 : i1 to i32
      %cond3A_282 = arith.constant 0 : i32
      %cond3A_283 = arith.cmpi ne, %convert_element_type3A_281, %cond3A_282 : i32
      scf.if %cond3A_283 {
        %mul3A_302 = arith.constant 128 : i32
        %mul3A_303 = arith.muli %add3A_68, %mul3A_302 : i32
        %dma_wait3A_304 = arith.constant 0 : i32
        %dma_wait3A_305 = arith.constant 0 : i32
        %dma_wait3A_306 = tpu.memref_slice %arg13[%dma_wait3A_304, %dma_wait3A_305] : memref<128x128xf32, #tpu.memory_space<vmem>> -> memref<104x128xf32, #tpu.memory_space<vmem>>
        %dma_wait3A_307 = arith.constant 896 : i32
        %dma_wait3A_308 = tpu.memref_slice %arg4[%dma_wait3A_307, %mul3A_303] : memref<1000x51200xf32, #tpu.memory_space<hbm>> -> memref<104x128xf32, #tpu.memory_space<hbm>>
        %dma_wait3A_309 = arith.constant 896 : i32
        %dma_wait3A_310 = tpu.memref_slice %arg4[%dma_wait3A_309, %mul3A_303] : memref<1000x51200xf32, #tpu.memory_space<hbm>> -> memref<104x128xf32, #tpu.memory_space<hbm>>
        %dma_wait3A_311 = arith.constant 0 : i32
        %dma_wait3A_312 = arith.constant 0 : i32
        %dma_wait3A_313 = tpu.memref_slice %arg13[%dma_wait3A_311, %dma_wait3A_312] : memref<128x128xf32, #tpu.memory_space<vmem>> -> memref<104x128xf32, #tpu.memory_space<vmem>>
        tpu.wait_dma2 semaphore(%arg18 : memref<!tpu.dma_semaphore, #tpu.memory_space<semaphore_mem>>) src(%dma_wait3A_313 : memref<104x128xf32, #tpu.memory_space<vmem>>) dst(%dma_wait3A_310 : memref<104x128xf32, #tpu.memory_space<hbm>>)
      } else {
      }
      %scan3A_284 = arith.constant 0 : i32
      %scan3A_285 = arith.constant 0 : i32
      %scan3A_286 = arith.constant 32 : i32
      %scan3A_287 = arith.addi %scan3A_285, %scan3A_286 : i32
      %scan3A_288 = arith.constant 1 : i32
      scf.for %scan3A_302 = %scan3A_285 to %scan3A_287 step %scan3A_288  : i32 {
        %mul3A_303 = arith.constant 4 : i32
        %mul3A_304 = arith.muli %scan3A_302, %mul3A_303 : i32
        %add3A_305 = arith.constant 0 : i32
        %add3A_306 = arith.addi %mul3A_304, %add3A_305 : i32
        %add3A_307 = vector.broadcast %add3A_306 : i32 to vector<16xi32>
        %add3A_308 = arith.addi %iota3A, %add3A_307 : vector<16xi32>
        %and3A = arith.constant 127 : i32
        %and3A_309 = vector.broadcast %and3A : i32 to vector<16xi32>
        %and3A_310 = arith.andi %add3A_308, %and3A_309 : vector<16xi32>
        %lt3A_311 = arith.constant 104 : i32
        %lt3A_312 = vector.broadcast %lt3A_311 : i32 to vector<16xi32>
        %lt3A_313 = arith.cmpi slt, %and3A_310, %lt3A_312 : vector<16xi32>
        %gather3A = tpu.vector_load_idx %arg10[%add3A_5, %and3A_310] : memref<128x128xf32, #tpu.memory_space<vmem>>[vector<16xi32>, vector<16xi32>], vector<16xf32>,
        %gather3A_314 = tpu.vector_load_idx %arg10[%add3A_8, %and3A_310] : memref<128x128xf32, #tpu.memory_space<vmem>>[vector<16xi32>, vector<16xi32>], vector<16xf32>,
        %gather3A_315 = tpu.vector_load_idx %arg10[%add3A_11, %and3A_310] : memref<128x128xf32, #tpu.memory_space<vmem>>[vector<16xi32>, vector<16xi32>], vector<16xf32>,
        %gather3A_316 = tpu.vector_load_idx %arg10[%add3A_14, %and3A_310] : memref<128x128xf32, #tpu.memory_space<vmem>>[vector<16xi32>, vector<16xi32>], vector<16xf32>,
        %gather3A_317 = tpu.vector_load_idx %arg10[%add3A_17, %and3A_310] : memref<128x128xf32, #tpu.memory_space<vmem>>[vector<16xi32>, vector<16xi32>], vector<16xf32>,
        %gather3A_318 = tpu.vector_load_idx %arg10[%add3A_20, %and3A_310] : memref<128x128xf32, #tpu.memory_space<vmem>>[vector<16xi32>, vector<16xi32>], vector<16xf32>,
        %gather3A_319 = tpu.vector_load_idx %arg10[%add3A_23, %and3A_310] : memref<128x128xf32, #tpu.memory_space<vmem>>[vector<16xi32>, vector<16xi32>], vector<16xf32>,
        %gather3A_320 = tpu.vector_load_idx %arg10[%add3A_26, %and3A_310] : memref<128x128xf32, #tpu.memory_space<vmem>>[vector<16xi32>, vector<16xi32>], vector<16xf32>,
        tpu.vector_store_idx %arg13[%and3A_310, %add3A_5], %gather3A masked %lt3A_313 : memref<128x128xf32, #tpu.memory_space<vmem>>[vector<16xi32>, vector<16xi32>], vector<16xf32>, vector<16xi1>
        tpu.vector_store_idx %arg13[%and3A_310, %add3A_8], %gather3A_314 masked %lt3A_313 : memref<128x128xf32, #tpu.memory_space<vmem>>[vector<16xi32>, vector<16xi32>], vector<16xf32>, vector<16xi1>
        tpu.vector_store_idx %arg13[%and3A_310, %add3A_11], %gather3A_315 masked %lt3A_313 : memref<128x128xf32, #tpu.memory_space<vmem>>[vector<16xi32>, vector<16xi32>], vector<16xf32>, vector<16xi1>
        tpu.vector_store_idx %arg13[%and3A_310, %add3A_14], %gather3A_316 masked %lt3A_313 : memref<128x128xf32, #tpu.memory_space<vmem>>[vector<16xi32>, vector<16xi32>], vector<16xf32>, vector<16xi1>
        tpu.vector_store_idx %arg13[%and3A_310, %add3A_17], %gather3A_317 masked %lt3A_313 : memref<128x128xf32, #tpu.memory_space<vmem>>[vector<16xi32>, vector<16xi32>], vector<16xf32>, vector<16xi1>
        tpu.vector_store_idx %arg13[%and3A_310, %add3A_20], %gather3A_318 masked %lt3A_313 : memref<128x128xf32, #tpu.memory_space<vmem>>[vector<16xi32>, vector<16xi32>], vector<16xf32>, vector<16xi1>
        tpu.vector_store_idx %arg13[%and3A_310, %add3A_23], %gather3A_319 masked %lt3A_313 : memref<128x128xf32, #tpu.memory_space<vmem>>[vector<16xi32>, vector<16xi32>], vector<16xf32>, vector<16xi1>
        tpu.vector_store_idx %arg13[%and3A_310, %add3A_26], %gather3A_320 masked %lt3A_313 : memref<128x128xf32, #tpu.memory_space<vmem>>[vector<16xi32>, vector<16xi32>], vector<16xf32>, vector<16xi1>
        %mul3A_321 = arith.constant 4 : i32
        %mul3A_322 = arith.muli %scan3A_302, %mul3A_321 : i32
        %add3A_323 = arith.constant 1 : i32
        %add3A_324 = arith.addi %mul3A_322, %add3A_323 : i32
        %add3A_325 = vector.broadcast %add3A_324 : i32 to vector<16xi32>
        %add3A_326 = arith.addi %iota3A, %add3A_325 : vector<16xi32>
        %and3A_327 = arith.constant 127 : i32
        %and3A_328 = vector.broadcast %and3A_327 : i32 to vector<16xi32>
        %and3A_329 = arith.andi %add3A_326, %and3A_328 : vector<16xi32>
        %lt3A_330 = arith.constant 104 : i32
        %lt3A_331 = vector.broadcast %lt3A_330 : i32 to vector<16xi32>
        %lt3A_332 = arith.cmpi slt, %and3A_329, %lt3A_331 : vector<16xi32>
        %gather3A_333 = tpu.vector_load_idx %arg10[%add3A_5, %and3A_329] : memref<128x128xf32, #tpu.memory_space<vmem>>[vector<16xi32>, vector<16xi32>], vector<16xf32>,
        %gather3A_334 = tpu.vector_load_idx %arg10[%add3A_8, %and3A_329] : memref<128x128xf32, #tpu.memory_space<vmem>>[vector<16xi32>, vector<16xi32>], vector<16xf32>,
        %gather3A_335 = tpu.vector_load_idx %arg10[%add3A_11, %and3A_329] : memref<128x128xf32, #tpu.memory_space<vmem>>[vector<16xi32>, vector<16xi32>], vector<16xf32>,
        %gather3A_336 = tpu.vector_load_idx %arg10[%add3A_14, %and3A_329] : memref<128x128xf32, #tpu.memory_space<vmem>>[vector<16xi32>, vector<16xi32>], vector<16xf32>,
        %gather3A_337 = tpu.vector_load_idx %arg10[%add3A_17, %and3A_329] : memref<128x128xf32, #tpu.memory_space<vmem>>[vector<16xi32>, vector<16xi32>], vector<16xf32>,
        %gather3A_338 = tpu.vector_load_idx %arg10[%add3A_20, %and3A_329] : memref<128x128xf32, #tpu.memory_space<vmem>>[vector<16xi32>, vector<16xi32>], vector<16xf32>,
        %gather3A_339 = tpu.vector_load_idx %arg10[%add3A_23, %and3A_329] : memref<128x128xf32, #tpu.memory_space<vmem>>[vector<16xi32>, vector<16xi32>], vector<16xf32>,
        %gather3A_340 = tpu.vector_load_idx %arg10[%add3A_26, %and3A_329] : memref<128x128xf32, #tpu.memory_space<vmem>>[vector<16xi32>, vector<16xi32>], vector<16xf32>,
        tpu.vector_store_idx %arg13[%and3A_329, %add3A_5], %gather3A_333 masked %lt3A_332 : memref<128x128xf32, #tpu.memory_space<vmem>>[vector<16xi32>, vector<16xi32>], vector<16xf32>, vector<16xi1>
        tpu.vector_store_idx %arg13[%and3A_329, %add3A_8], %gather3A_334 masked %lt3A_332 : memref<128x128xf32, #tpu.memory_space<vmem>>[vector<16xi32>, vector<16xi32>], vector<16xf32>, vector<16xi1>
        tpu.vector_store_idx %arg13[%and3A_329, %add3A_11], %gather3A_335 masked %lt3A_332 : memref<128x128xf32, #tpu.memory_space<vmem>>[vector<16xi32>, vector<16xi32>], vector<16xf32>, vector<16xi1>
        tpu.vector_store_idx %arg13[%and3A_329, %add3A_14], %gather3A_336 masked %lt3A_332 : memref<128x128xf32, #tpu.memory_space<vmem>>[vector<16xi32>, vector<16xi32>], vector<16xf32>, vector<16xi1>
        tpu.vector_store_idx %arg13[%and3A_329, %add3A_17], %gather3A_337 masked %lt3A_332 : memref<128x128xf32, #tpu.memory_space<vmem>>[vector<16xi32>, vector<16xi32>], vector<16xf32>, vector<16xi1>
        tpu.vector_store_idx %arg13[%and3A_329, %add3A_20], %gather3A_338 masked %lt3A_332 : memref<128x128xf32, #tpu.memory_space<vmem>>[vector<16xi32>, vector<16xi32>], vector<16xf32>, vector<16xi1>
        tpu.vector_store_idx %arg13[%and3A_329, %add3A_23], %gather3A_339 masked %lt3A_332 : memref<128x128xf32, #tpu.memory_space<vmem>>[vector<16xi32>, vector<16xi32>], vector<16xf32>, vector<16xi1>
        tpu.vector_store_idx %arg13[%and3A_329, %add3A_26], %gather3A_340 masked %lt3A_332 : memref<128x128xf32, #tpu.memory_space<vmem>>[vector<16xi32>, vector<16xi32>], vector<16xf32>, vector<16xi1>
        %mul3A_341 = arith.constant 4 : i32
        %mul3A_342 = arith.muli %scan3A_302, %mul3A_341 : i32
        %add3A_343 = arith.constant 2 : i32
        %add3A_344 = arith.addi %mul3A_342, %add3A_343 : i32
        %add3A_345 = vector.broadcast %add3A_344 : i32 to vector<16xi32>
        %add3A_346 = arith.addi %iota3A, %add3A_345 : vector<16xi32>
        %and3A_347 = arith.constant 127 : i32
        %and3A_348 = vector.broadcast %and3A_347 : i32 to vector<16xi32>
        %and3A_349 = arith.andi %add3A_346, %and3A_348 : vector<16xi32>
        %lt3A_350 = arith.constant 104 : i32
        %lt3A_351 = vector.broadcast %lt3A_350 : i32 to vector<16xi32>
        %lt3A_352 = arith.cmpi slt, %and3A_349, %lt3A_351 : vector<16xi32>
        %gather3A_353 = tpu.vector_load_idx %arg10[%add3A_5, %and3A_349] : memref<128x128xf32, #tpu.memory_space<vmem>>[vector<16xi32>, vector<16xi32>], vector<16xf32>,
        %gather3A_354 = tpu.vector_load_idx %arg10[%add3A_8, %and3A_349] : memref<128x128xf32, #tpu.memory_space<vmem>>[vector<16xi32>, vector<16xi32>], vector<16xf32>,
        %gather3A_355 = tpu.vector_load_idx %arg10[%add3A_11, %and3A_349] : memref<128x128xf32, #tpu.memory_space<vmem>>[vector<16xi32>, vector<16xi32>], vector<16xf32>,
        %gather3A_356 = tpu.vector_load_idx %arg10[%add3A_14, %and3A_349] : memref<128x128xf32, #tpu.memory_space<vmem>>[vector<16xi32>, vector<16xi32>], vector<16xf32>,
        %gather3A_357 = tpu.vector_load_idx %arg10[%add3A_17, %and3A_349] : memref<128x128xf32, #tpu.memory_space<vmem>>[vector<16xi32>, vector<16xi32>], vector<16xf32>,
        %gather3A_358 = tpu.vector_load_idx %arg10[%add3A_20, %and3A_349] : memref<128x128xf32, #tpu.memory_space<vmem>>[vector<16xi32>, vector<16xi32>], vector<16xf32>,
        %gather3A_359 = tpu.vector_load_idx %arg10[%add3A_23, %and3A_349] : memref<128x128xf32, #tpu.memory_space<vmem>>[vector<16xi32>, vector<16xi32>], vector<16xf32>,
        %gather3A_360 = tpu.vector_load_idx %arg10[%add3A_26, %and3A_349] : memref<128x128xf32, #tpu.memory_space<vmem>>[vector<16xi32>, vector<16xi32>], vector<16xf32>,
        tpu.vector_store_idx %arg13[%and3A_349, %add3A_5], %gather3A_353 masked %lt3A_352 : memref<128x128xf32, #tpu.memory_space<vmem>>[vector<16xi32>, vector<16xi32>], vector<16xf32>, vector<16xi1>
        tpu.vector_store_idx %arg13[%and3A_349, %add3A_8], %gather3A_354 masked %lt3A_352 : memref<128x128xf32, #tpu.memory_space<vmem>>[vector<16xi32>, vector<16xi32>], vector<16xf32>, vector<16xi1>
        tpu.vector_store_idx %arg13[%and3A_349, %add3A_11], %gather3A_355 masked %lt3A_352 : memref<128x128xf32, #tpu.memory_space<vmem>>[vector<16xi32>, vector<16xi32>], vector<16xf32>, vector<16xi1>
        tpu.vector_store_idx %arg13[%and3A_349, %add3A_14], %gather3A_356 masked %lt3A_352 : memref<128x128xf32, #tpu.memory_space<vmem>>[vector<16xi32>, vector<16xi32>], vector<16xf32>, vector<16xi1>
        tpu.vector_store_idx %arg13[%and3A_349, %add3A_17], %gather3A_357 masked %lt3A_352 : memref<128x128xf32, #tpu.memory_space<vmem>>[vector<16xi32>, vector<16xi32>], vector<16xf32>, vector<16xi1>
        tpu.vector_store_idx %arg13[%and3A_349, %add3A_20], %gather3A_358 masked %lt3A_352 : memref<128x128xf32, #tpu.memory_space<vmem>>[vector<16xi32>, vector<16xi32>], vector<16xf32>, vector<16xi1>
        tpu.vector_store_idx %arg13[%and3A_349, %add3A_23], %gather3A_359 masked %lt3A_352 : memref<128x128xf32, #tpu.memory_space<vmem>>[vector<16xi32>, vector<16xi32>], vector<16xf32>, vector<16xi1>
        tpu.vector_store_idx %arg13[%and3A_349, %add3A_26], %gather3A_360 masked %lt3A_352 : memref<128x128xf32, #tpu.memory_space<vmem>>[vector<16xi32>, vector<16xi32>], vector<16xf32>, vector<16xi1>
        %mul3A_361 = arith.constant 4 : i32
        %mul3A_362 = arith.muli %scan3A_302, %mul3A_361 : i32
        %add3A_363 = arith.constant 3 : i32
        %add3A_364 = arith.addi %mul3A_362, %add3A_363 : i32
        %add3A_365 = vector.broadcast %add3A_364 : i32 to vector<16xi32>
        %add3A_366 = arith.addi %iota3A, %add3A_365 : vector<16xi32>
        %and3A_367 = arith.constant 127 : i32
        %and3A_368 = vector.broadcast %and3A_367 : i32 to vector<16xi32>
        %and3A_369 = arith.andi %add3A_366, %and3A_368 : vector<16xi32>
        %lt3A_370 = arith.constant 104 : i32
        %lt3A_371 = vector.broadcast %lt3A_370 : i32 to vector<16xi32>
        %lt3A_372 = arith.cmpi slt, %and3A_369, %lt3A_371 : vector<16xi32>
        %gather3A_373 = tpu.vector_load_idx %arg10[%add3A_5, %and3A_369] : memref<128x128xf32, #tpu.memory_space<vmem>>[vector<16xi32>, vector<16xi32>], vector<16xf32>,
        %gather3A_374 = tpu.vector_load_idx %arg10[%add3A_8, %and3A_369] : memref<128x128xf32, #tpu.memory_space<vmem>>[vector<16xi32>, vector<16xi32>], vector<16xf32>,
        %gather3A_375 = tpu.vector_load_idx %arg10[%add3A_11, %and3A_369] : memref<128x128xf32, #tpu.memory_space<vmem>>[vector<16xi32>, vector<16xi32>], vector<16xf32>,
        %gather3A_376 = tpu.vector_load_idx %arg10[%add3A_14, %and3A_369] : memref<128x128xf32, #tpu.memory_space<vmem>>[vector<16xi32>, vector<16xi32>], vector<16xf32>,
        %gather3A_377 = tpu.vector_load_idx %arg10[%add3A_17, %and3A_369] : memref<128x128xf32, #tpu.memory_space<vmem>>[vector<16xi32>, vector<16xi32>], vector<16xf32>,
        %gather3A_378 = tpu.vector_load_idx %arg10[%add3A_20, %and3A_369] : memref<128x128xf32, #tpu.memory_space<vmem>>[vector<16xi32>, vector<16xi32>], vector<16xf32>,
        %gather3A_379 = tpu.vector_load_idx %arg10[%add3A_23, %and3A_369] : memref<128x128xf32, #tpu.memory_space<vmem>>[vector<16xi32>, vector<16xi32>], vector<16xf32>,
        %gather3A_380 = tpu.vector_load_idx %arg10[%add3A_26, %and3A_369] : memref<128x128xf32, #tpu.memory_space<vmem>>[vector<16xi32>, vector<16xi32>], vector<16xf32>,
        tpu.vector_store_idx %arg13[%and3A_369, %add3A_5], %gather3A_373 masked %lt3A_372 : memref<128x128xf32, #tpu.memory_space<vmem>>[vector<16xi32>, vector<16xi32>], vector<16xf32>, vector<16xi1>
        tpu.vector_store_idx %arg13[%and3A_369, %add3A_8], %gather3A_374 masked %lt3A_372 : memref<128x128xf32, #tpu.memory_space<vmem>>[vector<16xi32>, vector<16xi32>], vector<16xf32>, vector<16xi1>
        tpu.vector_store_idx %arg13[%and3A_369, %add3A_11], %gather3A_375 masked %lt3A_372 : memref<128x128xf32, #tpu.memory_space<vmem>>[vector<16xi32>, vector<16xi32>], vector<16xf32>, vector<16xi1>
        tpu.vector_store_idx %arg13[%and3A_369, %add3A_14], %gather3A_376 masked %lt3A_372 : memref<128x128xf32, #tpu.memory_space<vmem>>[vector<16xi32>, vector<16xi32>], vector<16xf32>, vector<16xi1>
        tpu.vector_store_idx %arg13[%and3A_369, %add3A_17], %gather3A_377 masked %lt3A_372 : memref<128x128xf32, #tpu.memory_space<vmem>>[vector<16xi32>, vector<16xi32>], vector<16xf32>, vector<16xi1>
        tpu.vector_store_idx %arg13[%and3A_369, %add3A_20], %gather3A_378 masked %lt3A_372 : memref<128x128xf32, #tpu.memory_space<vmem>>[vector<16xi32>, vector<16xi32>], vector<16xf32>, vector<16xi1>
        tpu.vector_store_idx %arg13[%and3A_369, %add3A_23], %gather3A_379 masked %lt3A_372 : memref<128x128xf32, #tpu.memory_space<vmem>>[vector<16xi32>, vector<16xi32>], vector<16xf32>, vector<16xi1>
        tpu.vector_store_idx %arg13[%and3A_369, %add3A_26], %gather3A_380 masked %lt3A_372 : memref<128x128xf32, #tpu.memory_space<vmem>>[vector<16xi32>, vector<16xi32>], vector<16xf32>, vector<16xi1>
      }
      %scan3A_289 = arith.constant 32 : i32
      %mul3A_290 = arith.constant 128 : i32
      %mul3A_291 = arith.muli %add3A_68, %mul3A_290 : i32
      %dma_start3A_292 = arith.constant 0 : i32
      %dma_start3A_293 = arith.constant 0 : i32
      %dma_start3A_294 = tpu.memref_slice %arg13[%dma_start3A_292, %dma_start3A_293] : memref<128x128xf32, #tpu.memory_space<vmem>> -> memref<104x128xf32, #tpu.memory_space<vmem>>
      %dma_start3A_295 = arith.constant 896 : i32
      %dma_start3A_296 = tpu.memref_slice %arg4[%dma_start3A_295, %mul3A_291] : memref<1000x51200xf32, #tpu.memory_space<hbm>> -> memref<104x128xf32, #tpu.memory_space<hbm>>
      %dma_start3A_297 = arith.constant 896 : i32
      %dma_start3A_298 = tpu.memref_slice %arg4[%dma_start3A_297, %mul3A_291] : memref<1000x51200xf32, #tpu.memory_space<hbm>> -> memref<104x128xf32, #tpu.memory_space<hbm>>
      %dma_start3A_299 = arith.constant 0 : i32
      %dma_start3A_300 = arith.constant 0 : i32
      %dma_start3A_301 = tpu.memref_slice %arg13[%dma_start3A_299, %dma_start3A_300] : memref<128x128xf32, #tpu.memory_space<vmem>> -> memref<104x128xf32, #tpu.memory_space<vmem>>
      tpu.enqueue_dma source(%dma_start3A_301 : memref<104x128xf32, #tpu.memory_space<vmem>>) target(%dma_start3A_298 : memref<104x128xf32, #tpu.memory_space<hbm>>) target_semaphore(%arg18 : memref<!tpu.dma_semaphore, #tpu.memory_space<semaphore_mem>>)
    }
    %sub3A = arith.constant 1 : i32
    %sub3A_36 = arith.subi %select_n3A, %sub3A : i32
    %mul3A_37 = arith.constant 32 : i32
    %mul3A_38 = arith.muli %sub3A_36, %mul3A_37 : i32
    %add3A_39 = arith.addi %add3A, %mul3A_38 : i32
    %mul3A_40 = arith.constant 6 : i32
    %mul3A_41 = arith.constant 128 : i32
    %mul3A_42 = arith.muli %mul3A_40, %mul3A_41 : i32
    %mul3A_43 = arith.constant 128 : i32
    %mul3A_44 = arith.muli %add3A_39, %mul3A_43 : i32
    %dma_wait3A = tpu.memref_slice %arg4[%mul3A_42, %mul3A_44] : memref<1000x51200xf32, #tpu.memory_space<hbm>> -> memref<128x128xf32, #tpu.memory_space<hbm>>
    %dma_wait3A_45 = tpu.memref_slice %arg4[%mul3A_42, %mul3A_44] : memref<1000x51200xf32, #tpu.memory_space<hbm>> -> memref<128x128xf32, #tpu.memory_space<hbm>>
    tpu.wait_dma2 semaphore(%arg16 : memref<!tpu.dma_semaphore, #tpu.memory_space<semaphore_mem>>) src(%arg11 : memref<128x128xf32, #tpu.memory_space<vmem>>) dst(%dma_wait3A_45 : memref<128x128xf32, #tpu.memory_space<hbm>>)
    %mul3A_46 = arith.constant 5 : i32
    %mul3A_47 = arith.constant 128 : i32
    %mul3A_48 = arith.muli %mul3A_46, %mul3A_47 : i32
    %mul3A_49 = arith.constant 128 : i32
    %mul3A_50 = arith.muli %add3A_39, %mul3A_49 : i32
    %dma_wait3A_51 = tpu.memref_slice %arg4[%mul3A_48, %mul3A_50] : memref<1000x51200xf32, #tpu.memory_space<hbm>> -> memref<128x128xf32, #tpu.memory_space<hbm>>
    %dma_wait3A_52 = tpu.memref_slice %arg4[%mul3A_48, %mul3A_50] : memref<1000x51200xf32, #tpu.memory_space<hbm>> -> memref<128x128xf32, #tpu.memory_space<hbm>>
    tpu.wait_dma2 semaphore(%arg17 : memref<!tpu.dma_semaphore, #tpu.memory_space<semaphore_mem>>) src(%arg12 : memref<128x128xf32, #tpu.memory_space<vmem>>) dst(%dma_wait3A_52 : memref<128x128xf32, #tpu.memory_space<hbm>>)
    %mul3A_53 = arith.constant 128 : i32
    %mul3A_54 = arith.muli %add3A_39, %mul3A_53 : i32
    %dma_wait3A_55 = arith.constant 0 : i32
    %dma_wait3A_56 = arith.constant 0 : i32
    %dma_wait3A_57 = tpu.memref_slice %arg13[%dma_wait3A_55, %dma_wait3A_56] : memref<128x128xf32, #tpu.memory_space<vmem>> -> memref<104x128xf32, #tpu.memory_space<vmem>>
    %dma_wait3A_58 = arith.constant 896 : i32
    %dma_wait3A_59 = tpu.memref_slice %arg4[%dma_wait3A_58, %mul3A_54] : memref<1000x51200xf32, #tpu.memory_space<hbm>> -> memref<104x128xf32, #tpu.memory_space<hbm>>
    %dma_wait3A_60 = arith.constant 896 : i32
    %dma_wait3A_61 = tpu.memref_slice %arg4[%dma_wait3A_60, %mul3A_54] : memref<1000x51200xf32, #tpu.memory_space<hbm>> -> memref<104x128xf32, #tpu.memory_space<hbm>>
    %dma_wait3A_62 = arith.constant 0 : i32
    %dma_wait3A_63 = arith.constant 0 : i32
    %dma_wait3A_64 = tpu.memref_slice %arg13[%dma_wait3A_62, %dma_wait3A_63] : memref<128x128xf32, #tpu.memory_space<vmem>> -> memref<104x128xf32, #tpu.memory_space<vmem>>
    tpu.wait_dma2 semaphore(%arg18 : memref<!tpu.dma_semaphore, #tpu.memory_space<semaphore_mem>>) src(%dma_wait3A_64 : memref<104x128xf32, #tpu.memory_space<vmem>>) dst(%dma_wait3A_61 : memref<104x128xf32, #tpu.memory_space<hbm>>)
    return
  }
}

</mosaic_0001>

<sc_bundles>
// kernel: kernel.3.cloned.1.call-start
scs
__scs_entry_jumppad:
0x0: {  	(pc) =	sbr.rel $0x88, $3  }
0x1: {  	(tag) =	ssettag $0x0;
	lr =	simm.s32 $0x1  }
0x2: {  	[smem:$0x3F9F] =	sst lr;
	_ =	strace $0xD0000000  }
0x3: {  	_ = 	snop  }
0x4: {  	_ = 	snop  }
0x5: {  	_ = 	snop  }
0x6: {  	_ = 	snop  }
0x7: {  	_ = 	snop  }
__scs_overlays_trampoline_lowered:
0x8: {  	[smem:$0x3FAE] =	sst s0  }
0x9: {  	[smem:$0x3FAF] =	sst s1  }
0xa: {  	[smem:$0x3FB0] =	sst s2  }
0xb: {  	[smem:$0x3FB1] =	sst s3  }
0xc: {  	[smem:$0x3FB2] =	sst s4  }
0xd: {  	[smem:$0x3FB3] =	sst s5  }
0xe: {  	[smem:$0x3FB4] =	sst s6  }
0xf: {  	[smem:$0x3FB5] =	sst s7  }
0x10: {  	[smem:$0x3FB6] =	sst s8  }
0x11: {  	[smem:$0x3FB7] =	sst s9;
	s0 =	simm.s32 @!p0 $0x0  }
0x12: {  	s1 =	sld [smem:$0x3F9D];
	s0 =	simm.s32 @p0 $0x1  }
0x13: {  	[smem:$0x3FB8] =	sst s0;
	s0 =	simm.s32 @!p1 $0x0  }
0x14: {  	s2 =	sld [smem:$0x3F9C];
	s0 =	simm.s32 @p1 $0x1  }
0x15: {  	[smem:$0x3FB9] =	sst s0;
	s0 =	simm.s32 @!p2 $0x0  }
0x16: {  	s3 =	sld [smem:$0x3FDB];
	s0 =	simm.s32 @p2 $0x1  }
0x17: {  	s4 =	simm.s32 $0x1BF5;
	[smem:$0x3FBB] =	sst s0  }
0x18: {  	s0 =	sld [smem:$0x3F9E];
	_ =	swait.ge [sflag:s4], $0x0  }
0x19: {  	s7 =	sld [smem:$0x3F9F]  }
0x1a: {  	s8 =	sadd.s32 $0xFFFFE003, lr  }
0x1b: {  	s9 =	sadd.s32 $0xFFFFFEF7, lr;
	s5 =	simm.s32 $0xFFFFFFFF;
	p2 =	slt.u32 s8, $0xFFFFF086  }
0x1c: {  	p1 =	slt.u32 s9, $0xF7A;
	s5 =	simm.s32 @!p2 $0x0  }
0x1d: {  	s5 =	simm.s32 @p1 $0x1;
	p0 =	seq.s32 s7, s2  }
0x1e: {  	s7 =	smul.u32 @!p0 $0xF7A, s2;
	p2 =	seq.s32 @!p0 s5, $0x0  }
0x1f: {  	s9 =	smul.u32 $0xF7A, s1;
	s8 =	simm.s32 @!p0 $0x1BF5;
	p2 =	por !p2, p0  }
0x20: {  	[sflag:s8] =	ssyncset.s32 @!p0 $0xFFFFF086;
	s6 =	sadd.s32 @!p0 s3, s7;
	s7 =	simm.s32 @!p0 $0x108  }
0x21: {  	s3 =	sadd.s32 s3, s9;
	s6 =	sadd.s32 @!p0 $0x88, s6;
	s7 =	simm.s32 @p2 $0x1082  }
0x22: {  	[simem:s7], [sflag:s8] =	dma.local @!p0 [hbm:s6], $0xF7A  }
0x23: {  	s9 =	sor.u32 $0xD0000000, s2;
	s6 =	simm.s32 $0x108;
	_ =	swait.ge @!p0 [sflag:s8], $0x0  }
0x24: {  	s3 =	sadd.s32 $0x88, s3;
	s6 =	simm.s32 @!p1 $0x1082;
	[sflag:s4] =	ssyncset.s32 $0xFFFFF086  }
0x25: {  	[simem:s6], [sflag:s4] =	dma.local [hbm:s3], $0xF7A  }
0x26: {  	[smem:$0x3F9F] =	sst s1;
	(tag) =	ssettag s2;
	_ =	strace s9  }
0x27: {  	s1 =	sld [smem:$0x3FAF]  }
0x28: {  	s2 =	sld [smem:$0x3FB0]  }
0x29: {  	s4 =	sld [smem:$0x3FB2]  }
0x2a: {  	p0 =	seq.s32 s5, $0x0;
	s5 =	sld [smem:$0x3FB3]  }
0x2b: {  	s6 =	sld [smem:$0x3FB4]  }
0x2c: {  	s7 =	sld [smem:$0x3FB5]  }
0x2d: {  	s3 =	simm.s32 $0x108;
	s8 =	sld [smem:$0x3FB6]  }
0x2e: {  	s3 =	simm.s32 @!p0 $0x1082;
	s9 =	sld [smem:$0x3FB7]  }
0x2f: {  	lr =	sadd.s32 s0, s3;
	s0 =	sld [smem:$0x3FAE]  }
0x30: {  	s3 =	sld [smem:$0x3FB1]  }
0x31: {  	[smem:$0x3FBA] =	sst s10  }
0x32: {  	s10 =	sld [smem:$0x3FB8];
	_ =	sdelay $0x3  }
0x33: {  	p0 =	seq.s32 s10, $0x1;
	s10 =	sld [smem:$0x3FBA];
	_ =	sdelay $0x3  }
0x34: {  	[smem:$0x3FBA] =	sst s10  }
0x35: {  	s10 =	sld [smem:$0x3FB9];
	_ =	sdelay $0x3  }
0x36: {  	p1 =	seq.s32 s10, $0x1;
	s10 =	sld [smem:$0x3FBA];
	_ =	sdelay $0x3  }
0x37: {  	[smem:$0x3FBA] =	sst s10  }
0x38: {  	s10 =	sld [smem:$0x3FBB]  }
0x39: {  	_ = 	snop;
	(pc) =	sbr.ind lr, $3  }
0x3a: {  	_ = 	snop  }
0x3b: {  	_ = 	snop  }
0x3c: {  	p2 =	seq.s32 s10, $0x1;
	s10 =	sld [smem:$0x3FBA]  }
0x3d: {  	_ =	shalt  }
0x3e: {  	_ =	shalt  }
0x3f: {  	_ =	shalt  }
0x40: {  	_ =	shalt  }
0x41: {  	_ =	shalt  }
0x42: {  	_ =	shalt  }
0x43: {  	_ =	shalt  }
0x44: {  	_ =	shalt  }
0x45: {  	_ =	shalt  }
0x46: {  	_ =	shalt  }
0x47: {  	_ =	shalt  }
0x48: {  	_ =	shalt  }
0x49: {  	_ =	shalt  }
0x4a: {  	_ =	shalt  }
0x4b: {  	_ =	shalt  }
0x4c: {  	_ =	shalt  }
0x4d: {  	_ =	shalt  }
0x4e: {  	_ =	shalt  }
0x4f: {  	_ =	shalt  }
0x50: {  	_ =	shalt  }
0x51: {  	_ =	shalt  }
0x52: {  	_ =	shalt  }
0x53: {  	_ =	shalt  }
0x54: {  	_ =	shalt  }
0x55: {  	_ =	shalt  }
0x56: {  	_ =	shalt  }
0x57: {  	_ =	shalt  }
0x58: {  	_ =	shalt  }
0x59: {  	_ =	shalt  }
0x5a: {  	_ =	shalt  }
0x5b: {  	_ =	shalt  }
0x5c: {  	_ =	shalt  }
0x5d: {  	_ =	shalt  }
0x5e: {  	_ =	shalt  }
0x5f: {  	_ =	shalt  }
0x60: {  	_ =	shalt  }
0x61: {  	_ =	shalt  }
0x62: {  	_ =	shalt  }
0x63: {  	_ =	shalt  }
0x64: {  	_ =	shalt  }
0x65: {  	_ =	shalt  }
0x66: {  	_ =	shalt  }
0x67: {  	_ =	shalt  }
0x68: {  	_ =	shalt  }
0x69: {  	_ =	shalt  }
0x6a: {  	_ =	shalt  }
0x6b: {  	_ =	shalt  }
0x6c: {  	_ =	shalt  }
0x6d: {  	_ =	shalt  }
0x6e: {  	_ =	shalt  }
0x6f: {  	_ =	shalt  }
0x70: {  	_ =	shalt  }
0x71: {  	_ =	shalt  }
0x72: {  	_ =	shalt  }
0x73: {  	_ =	shalt  }
0x74: {  	_ =	shalt  }
0x75: {  	_ =	shalt  }
0x76: {  	_ =	shalt  }
0x77: {  	_ =	shalt  }
0x78: {  	_ =	shalt  }
0x79: {  	_ =	shalt  }
0x7a: {  	_ =	shalt  }
0x7b: {  	_ =	shalt  }
0x7c: {  	_ =	shalt  }
0x7d: {  	_ =	shalt  }
0x7e: {  	_ =	shalt  }
0x7f: {  	_ =	shalt  }
0x80: {  	_ =	shalt  }
0x81: {  	_ =	shalt  }
0x82: {  	_ =	shalt  }
0x83: {  	_ =	shalt  }
0x84: {  	_ =	shalt  }
0x85: {  	_ =	shalt  }
0x86: {  	_ =	shalt  }
0x87: {  	_ =	shalt  }
.Lfunc_end0:
.L_simem_size_0:
called_computation_lowered:
.L_overlay_start_0:
0x88: {  	s2 =	sld [smem:$0x3FD9]  }
0x89: {  	s3 =	sld [smem:$0x3FFE];
	_ =	sdelay $0x1  }
0x8a: {  	s1 =	srdreg.scid  }
0x8b: {  	s0 =	sand.u32 $0x1, s1  }
0x8c: {  	s17 =	sshll.u32 s0, $0xA;
	s2 =	sadd.s32 s3, s2  }
0x8d: {  	s2 =	sadd.s32 s2, s17  }
0x8e: {  	[smem:$0x3FC6] =	sst s2  }
0x8f: {  	_ = 	snop  }
0x90: {  	s2 =	sld [smem:$0x3FD0];
	(tm) =	ssettm $0x1  }
0x91: {  	s18 =	sld [smem:$0x3FFB];
	_ =	sdelay $0x3  }
0x92: {  	_ =	strace s18  }
0x93: {  	s3 =	sld [smem:$0x3FFC];
	_ =	sdelay $0x3  }
0x94: {  	_ =	strace s3  }
0x95: {  	s3 =	sld [smem:$0x3FFD];
	_ =	sdelay $0x3  }
0x96: {  	_ =	strace s3  }
0x97: {  	_ =	strace $0x8FFFFFFF  }
0x98: {  	s19 =	sld [smem:$0x3FDB];
	_ =	sdelay $0x1  }
0x99: {  	s4 =	simm.s32 $_scs_section_size  }
0x9a: {  	s5 =	simm.s32 $_size__tile_overlayer_lowered;
	s6 =	simm.s32 $_tile_overlayer_lowered  }
0x9b: {  	s22 =	simm.s32 $0x1BFF;
	s21 =	sshll.u32 s6, $0x1;
	s3 =	sadd.s32 s4, s19  }
0x9c: {  	s7 =	simm.s32 $0x0;
	s20 =	sshll.u32 s5, $0x1;
	s5 =	sadd.s32 s21, s3  }
0x9d: {  	[timem:s7], [sflag:s22] =	dma.local [hbm:s5], s20  }
0x9e: {  	_ =	swait.ge [sflag:s22], s20  }
0x9f: {  	s4 =	ssub.s32 $0x0, s20;
	[sflag:s22] =	ssyncset.done $0x0  }
0xa0: {  	[sflag:s22] =	ssyncadd.s32 s4;
	_ =	sdelay $0x1  }
0xa1: {  	s23 =	simm.s32 $0x1B8B  }
0xa2: {  	_ =	swait.ge [sflag:s23], $0x1  }
0xa3: {  	[sflag:s23] =	ssyncset.done $0x0  }
0xa4: {  	s25 =	simm.s32 $0x1B8E;
	s24 =	sld [smem:$0x3FFE];
	[sflag:s23] =	ssyncadd.s32 $0xFFFFFFFF  }
0xa5: {  	s26 =	simm.s32 $execute0_lowered;
	[smem:$0x3FD2] =	sst s25  }
0xa6: {  	s5 =	sshll.u32 s26, $0x1;
	_ =	strace $0x80000046;
	[dreg:$0x1] =	wrdreg $0xFFFFFFFF  }
0xa7: {  	s28 =	simm.s32 $_size_execute0_lowered;
	s3 =	sadd.s32 s3, s5;
	[dreg:$0x0] =	wrdreg $0x0  }
0xa8: {  	s5 =	sshll.u32 s28, $0x1;
	[dreg:$0x2] =	wrdreg s3  }
0xa9: {  	[dreg:$0x3] =	wrdreg s5  }
0xaa: {  	[dreg:$0x4] =	wrdreg $0xC0  }
0xab: {  	_ =	task [dreg:s7], $0x5FFFF  }
0xac: {  	[dreg:$0x1] =	wrdreg $0xFFFFFFFF  }
0xad: {  	[dreg:$0x0] =	wrdreg $0x60  }
0xae: {  	[dreg:$0x2] =	wrdreg s24  }
0xaf: {  	[dreg:$0x3] =	wrdreg s2  }
0xb0: {  	[dreg:$0x4] =	wrdreg $0x9  }
0xb1: {  	_ =	task.clear_ibuf [dreg:s7], $0x5FFFF;
	_ =	strace $0x90000046  }
0xb2: {  	s29 =	simm.s32 $0x9;
	_ =	strace $0x80000048  }
0xb3: {  	_ =	swait.ge [sflag:s29], $0x1  }
0xb4: {  	[sflag:s29] =	ssyncadd.s32 $0xFFFFFFFF  }
0xb5: {  	_ =	strace $0x90000048  }
0xb6: {  	_ =	sfence  }
0xb7: {  	s30 =	sld [smem:$0x0];
	_ =	sdelay $0x2  }
0xb8: {  	s31 =	sshll.u32 s1, $0xD;
	s1 =	sshrl.u32 s1, $0x2  }
0xb9: {  	s3 =	sand.u32 $0x4000, s31;
	s1 =	sadd.s32 s1, s30  }
0xba: {  	s0 =	sor.u32 s3, s0;
	s1 =	sshll.u32 s1, $0x11  }
0xbb: {  	s0 =	sor.u32 s1, s0  }
0xbc: {  	s0 =	sadd.s32 $0x8F2B, s0  }
0xbd: {  	[sflag:s0] =	ssyncadd.remote.s32 $0x1  }
0xbe: {  	_ =	sfence.sel $0xFFFF  }
0xbf: {  	[dreg:$0x0] =	wrdreg $0xFFFFFFFF;
	(pc) =	sbr.abs _section_cstart, $3  }
0xc0: {  	[dreg:$0x1] =	wrdreg $0xFFFFFFFF  }
0xc1: {  	_ =	task.clear_ibuf [dreg:s7], $0x2FFFF;
	_ =	strace $0x9FFFFFFF  }
0xc2: {  	(tm) =	ssettm $0x7FFFFFFF  }
0xc3: {  	_ =	shalt  }
tec
execute0_lowered:
.L_overlay_start_1:
0x0: {  	(tag) =	ssettag $0x1  }
0x1: {  	s0 =	rddreg [dreg:$0x0]  }
0x2: {  	s1 =	rddreg [dreg:$0x1];
	s3 =	srdreg.scid;
	s2 =	simm.s32 $0x0  }
0x3: {  	s8 =	stileid.u32;
	s10 =	simm.s32 $0x6;
	s11 =	simm.s32 $0x80  }
0x4: {  	s12 =	simm.s32 $0x100;
	s13 =	simm.s32 $0x200;
	s14 =	simm.s32 $0x180  }
0x5: {  	s15 =	simm.s32 $0x4200;
	s16 =	simm.s32 $0x1;
	s17 =	simm.s32 $0x8200  }
0x6: {  	s18 =	simm.s32 $0x400;
	s19 =	simm.s32 $0x64000;
	s20 =	simm.s32 $0x2  }
0x7: {  	v0 =	vlaneseq.u32;
	s21 =	simm.s32 $0xC200;
	s22 =	simm.s32 $0x3;
	s3 =	sand.u32 $0x1, s3  }
0x8: {  	s23 =	simm.s32 $0x10200;
	s29 =	simm.s32 $0x0;
	v1 =	vmul.u32 $0x80, v0;
	v9 =	vor.u32 $0x10, v0;
	v10 =	vor.u32 $0x20, v0;
	s4 =	ssub.s32 $0x2, s3  }
0x9: {  	[smem:$0x7FF] =	sst s2;
	s5 =	sadd.s32 $0x1E00, s0;
	v11 =	vor.u32 $0x30, v0;
	v12 =	vor.u32 $0x40, v0;
	v13 =	vor.u32 $0x50, v0;
	s7 =	sshrl.u32 s4, $0x1  }
0xa: {  	s6 =	sadd.s32 $0x400, s0;
	p0 =	slt.u32 s8, $0x8;
	v14 =	vor.u32 $0x60, v0;
	v15 =	vor.u32 $0x70, v0;
	v2 =	vor.u32 $0x800, v1;
	s31 =	ssub.s32 s4, s7  }
0xb: {  	v3 =	vor.u32 $0x1000, v1;
	v4 =	vor.u32 $0x1800, v1;
	v5 =	vor.u32 $0x2000, v1;
	s7 =	sshll.u32 s8, $0x1;
	s8 =	simm.s32 $0xD;
	s0 =	smax.u32 s31, $0x1  }
0xc: {  	_ =	strace $0x80000047;
	v6 =	vor.u32 $0x2800, v1;
	v7 =	vor.u32 $0x3000, v1;
	v8 =	vor.u32 $0x3800, v1;
	s8 =	simm.s32 @!p0 $0xC;
	[dreg:$0x4] =	wrdreg s0  }
.LBB2_1:
0xd: {  	[dreg:$0x3] =	wrdreg s2;
	s26 =	simm.s32 $0x0  }
.LBB2_2:
0xe: {  	s0 =	sshll.u32 s26, $0x5  }
0xf: {  	s0 =	sor.u32 s0, s7  }
0x10: {  	s0 =	sor.u32 s3, s0  }
0x11: {  	s4 =	sshll.u32 s0, $0x4  }
0x12: {  	s4 =	sadd.s32 s6, s4  }
0x13: {  	[tilespmem:s29], [sflag:$0x6] =	stream.linear.gather [hbm4b:s4+s29], $0x80, $0x38;
	[tilespmem:$0x14200] =	vst v63  }
0x14: {  	_ =	swait.ge [sflag:s10], $0x80  }
0x15: {  	[sflag:s10] =	ssyncset.done $0x0  }
0x16: {  	[sflag:s10] =	ssyncadd.s32 $0xFFFFFF80  }
0x17: {  	v16 =	vld [tilespmem:$0x10]  }
0x18: {  	v18 =	vld [tilespmem:$0x0]  }
0x19: {  	v17 =	vld [tilespmem:$0x20]  }
0x1a: {  	v19 =	vld [tilespmem:$0x30]  }
0x1b: {  	v21 =	vld [tilespmem:$0x50]  }
0x1c: {  	v20 =	vld [tilespmem:$0x40];
	v16 =	vshll.u32 v16, $0x3  }
0x1d: {  	v18 =	vshll.u32 v18, $0x3;
	[tilespmem:$0x90] =	vst v16  }
0x1e: {  	v16 =	vshll.u32 v17, $0x3;
	v17 =	vld [tilespmem:$0x60];
	[tilespmem:$0x80] =	vst v18  }
0x1f: {  	v19 =	vshll.u32 v19, $0x3;
	[tilespmem:$0xA0] =	vst v16;
	v16 =	vld [tilespmem:$0x70]  }
0x20: {  	v53 =	vshll.u32 v21, $0x3;
	[tilespmem:$0xB0] =	vst v19  }
0x21: {  	v52 =	vshll.u32 v20, $0x3;
	[tilespmem:$0xD0] =	vst v53;
	v54 =	vld [tilespmem:$0x90]  }
0x22: {  	[tilespmem:$0xC0] =	vst v52;
	v56 =	vld [tilespmem:$0xD0]  }
0x23: {  	[tilespmem:$0x100] =	vst v18;
	v55 =	vld [tilespmem:$0xA0];
	v17 =	vshll.u32 v17, $0x3  }
0x24: {  	[tilespmem:$0xE0] =	vst v17;
	v16 =	vshll.u32 v16, $0x3;
	v17 =	vld [tilespmem:$0xB0]  }
0x25: {  	[tilespmem:$0xF0] =	vst v16;
	v16 =	vld [tilespmem:$0xC0]  }
0x26: {  	[tilespmem:$0x110] =	vst v54;
	v57 =	vld [tilespmem:$0xE0]  }
0x27: {  	[tilespmem:$0x150] =	vst v56;
	v58 =	vld [tilespmem:$0xF0]  }
0x28: {  	[tilespmem:$0x120] =	vst v55  }
0x29: {  	[tilespmem:$0x130] =	vst v17  }
0x2a: {  	[tilespmem:$0x140] =	vst v16  }
0x2b: {  	[tilespmem:$0x160] =	vst v57  }
0x2c: {  	[tilespmem:$0x170] =	vst v58  }
0x2d: {  	[tilespmem:s13], [sflag:$0x1] =	stream.indirect.gather [hbm4b:s5+s11], $0x80, s12, s11, $0xb8;
	[tilespmem:$0x14200] =	vst v63  }
0x2e: {  	v16 =	vld [tilespmem:$0x80]  }
0x2f: {  	v17 =	vld [tilespmem:$0x90]  }
0x30: {  	v59 =	vld [tilespmem:$0xA0]  }
0x31: {  	v60 =	vld [tilespmem:$0xB0]  }
0x32: {  	v61 =	vld [tilespmem:$0xC0]  }
0x33: {  	v62 =	vld [tilespmem:$0xD0];
	v16 =	vadd.s32 $0x1, v16  }
0x34: {  	[tilespmem:$0x180] =	vst v16;
	v16 =	vadd.s32 $0x1, v17;
	v17 =	vld [tilespmem:$0xE0]  }
0x35: {  	v63 =	vld [tilespmem:$0xF0];
	[tilespmem:$0x190] =	vst v16;
	v16 =	vadd.s32 $0x1, v59  }
0x36: {  	[tilespmem:$0x1A0] =	vst v16;
	v16 =	vadd.s32 $0x1, v60  }
0x37: {  	[tilespmem:$0x1B0] =	vst v16;
	v16 =	vadd.s32 $0x1, v61  }
0x38: {  	[tilespmem:$0x1C0] =	vst v16;
	v16 =	vadd.s32 $0x1, v62  }
0x39: {  	[tilespmem:$0x1D0] =	vst v16;
	v16 =	vadd.s32 $0x1, v17  }
0x3a: {  	s28 =	sshll.u32 s0, $0xA;
	[tilespmem:$0x1E0] =	vst v16;
	v16 =	vadd.s32 $0x1, v63  }
0x3b: {  	s31 =	simm.s32 $0x0;
	s30 =	sadd.s32 $0x640000, s28;
	[tilespmem:$0x1F0] =	vst v16  }
0x3c: {  	[tilespmem:s15], [sflag:$0x2] =	stream.indirect.gather [hbm4b:s5+s11], $0x80, s14, s11, $0xb8;
	[tilespmem:$0x14200] =	vst v63  }
.LBB2_3:
0x3d: {  	v16 =	vadd.s32 s29, v0  }
0x3e: {  	_ =	swait.ge [sflag:s16], $0x4000;
	s0 =	sor.u32 s26, s31;
	v19 =	vand.u32 $0x7F, v16  }
0x3f: {  	[sflag:s16] =	ssyncset.done $0x0;
	p0 =	seq.s32 s0, $0x0;
	v16 =	vor.u32 v2, v19  }
0x40: {  	[sflag:s16] =	ssyncadd.s32 $0xFFFFC000;
	s0 =	simm.s32 @!p0 $0x3;
	v20 =	vor.u32 v8, v19  }
0x41: {  	v24 =	vor.u32 v1, v19;
	_ =	swait.ge @!p0 [sflag:s0], $0x4000  }
0x42: {  	v22 =	vor.u32 v7, v19;
	[sflag:s0] =	ssyncset.done @!p0 $0x0  }
0x43: {  	v23 =	vor.u32 v3, v19;
	[sflag:s0] =	ssyncadd.s32 @!p0 $0xFFFFC000  }
0x44: {  	v18 =	vor.u32 v4, v19;
	v28 =	vld.idx.msk [tilespmem:v16+s13+$0x0], $0xffff  }
0x45: {  	v17 =	vor.u32 v5, v19;
	v16 =	vshll.u32 v19, $0x7;
	v27 =	vld.idx.msk [tilespmem:v20+s13+$0x0], $0xffff  }
0x46: {  	s9 =	simm.s32 $0x4;
	s4 =	simm.s32 $0x0;
	s0 =	sshll.u32 s31, $0x1;
	v20 =	vor.u32 v6, v19;
	v26 =	vld.idx.msk [tilespmem:v24+s13+$0x0], $0xffff;
	v19 =	vor.u32 v0, v16;
	v21 =	vor.u32 v9, v16  }
.LBB2_4:
0x47: {  	p1 =	sne.s32 s9, $0x7C;
	v29 =	vld.idx.msk [tilespmem:v22+s13+$0x0], $0xffff;
	s24 =	smov.u32 s9;
	s9 =	sadd.s32 $0x4, s9  }
0x48: {  	v30 =	vld.idx.msk [tilespmem:v23+s13+$0x0], $0xffff  }
0x49: {  	v32 =	vor.u32 v10, v16;
	v33 =	vor.u32 v14, v16;
	v22 =	vadd.s32 s24, v0;
	v31 =	vld.idx.msk [tilespmem:v18+s13+$0x0], $0xffff  }
0x4a: {  	v36 =	vor.u32 v11, v16;
	v37 =	vor.u32 v13, v16;
	v34 =	vand.u32 $0x7F, v22;
	v35 =	vld.idx.msk [tilespmem:v17+s13+$0x0], $0xffff  }
0x4b: {  	v39 =	vor.u32 v12, v16;
	v24 =	vor.u32 v1, v34;
	v25 =	vor.u32 v2, v34;
	v38 =	vld.idx.msk [tilespmem:v20+s13+$0x0], $0xffff  }
0x4c: {  	s25 =	sadd.s32 $0x1, s4;
	v18 =	vor.u32 v4, v34;
	v17 =	vor.u32 v5, v34;
	[tilespmem:v19+s17+$0x0] =	vst.idx.msk $0xffff, v26  }
0x4d: {  	v22 =	vor.u32 v7, v34;
	v26 =	vor.u32 v8, v34;
	v19 =	vadd.s32 s25, v0;
	[tilespmem:v21+s17+$0x0] =	vst.idx.msk $0xffff, v28  }
0x4e: {  	v23 =	vor.u32 v3, v34;
	v21 =	vor.u32 v15, v16;
	v28 =	vand.u32 $0x7F, v19;
	[tilespmem:v32+s17+$0x0] =	vst.idx.msk $0xffff, v30  }
0x4f: {  	v30 =	vor.u32 v3, v28;
	[tilespmem:v36+s17+$0x0] =	vst.idx.msk $0xffff, v31;
	v31 =	vshll.u32 v28, $0x7  }
0x50: {  	v20 =	vor.u32 v6, v34;
	v16 =	vshll.u32 v34, $0x7;
	v32 =	vor.u32 v2, v28;
	[tilespmem:v39+s17+$0x0] =	vst.idx.msk $0xffff, v35  }
0x51: {  	v19 =	vor.u32 v0, v16;
	v34 =	vor.u32 v1, v28;
	[tilespmem:v37+s17+$0x0] =	vst.idx.msk $0xffff, v38  }
0x52: {  	[tilespmem:v33+s17+$0x0] =	vst.idx.msk $0xffff, v29;
	v29 =	vor.u32 v4, v28  }
0x53: {  	[tilespmem:v21+s17+$0x0] =	vst.idx.msk $0xffff, v27;
	v27 =	vor.u32 v5, v28  }
0x54: {  	v33 =	vor.u32 v6, v28;
	v21 =	vor.u32 v9, v16;
	v30 =	vld.idx.msk [tilespmem:v30+s13+$0x0], $0xffff  }
0x55: {  	v35 =	vor.u32 v7, v28;
	v32 =	vld.idx.msk [tilespmem:v32+s13+$0x0], $0xffff  }
0x56: {  	v28 =	vor.u32 v8, v28;
	v34 =	vld.idx.msk [tilespmem:v34+s13+$0x0], $0xffff  }
0x57: {  	v36 =	vor.u32 v0, v31;
	v29 =	vld.idx.msk [tilespmem:v29+s13+$0x0], $0xffff  }
0x58: {  	v37 =	vor.u32 v9, v31;
	v27 =	vld.idx.msk [tilespmem:v27+s13+$0x0], $0xffff  }
0x59: {  	v38 =	vor.u32 v10, v31;
	v33 =	vld.idx.msk [tilespmem:v33+s13+$0x0], $0xffff  }
0x5a: {  	v39 =	vor.u32 v11, v31;
	v35 =	vld.idx.msk [tilespmem:v35+s13+$0x0], $0xffff  }
0x5b: {  	v40 =	vor.u32 v12, v31;
	v28 =	vld.idx.msk [tilespmem:v28+s13+$0x0], $0xffff  }
0x5c: {  	s25 =	sadd.s32 $0x2, s4;
	[tilespmem:v36+s17+$0x0] =	vst.idx.msk $0xffff, v34;
	v34 =	vor.u32 v13, v31  }
0x5d: {  	v36 =	vadd.s32 s25, v0;
	[tilespmem:v37+s17+$0x0] =	vst.idx.msk $0xffff, v32;
	v32 =	vor.u32 v14, v31  }
0x5e: {  	[tilespmem:v38+s17+$0x0] =	vst.idx.msk $0xffff, v30;
	v30 =	vor.u32 v15, v31;
	v31 =	vand.u32 $0x7F, v36  }
0x5f: {  	[tilespmem:v39+s17+$0x0] =	vst.idx.msk $0xffff, v29;
	v29 =	vor.u32 v3, v31;
	v36 =	vshll.u32 v31, $0x7  }
0x60: {  	[tilespmem:v40+s17+$0x0] =	vst.idx.msk $0xffff, v27;
	v27 =	vor.u32 v2, v31  }
0x61: {  	[tilespmem:v34+s17+$0x0] =	vst.idx.msk $0xffff, v33;
	v33 =	vor.u32 v1, v31  }
0x62: {  	[tilespmem:v32+s17+$0x0] =	vst.idx.msk $0xffff, v35;
	v32 =	vor.u32 v4, v31  }
0x63: {  	[tilespmem:v30+s17+$0x0] =	vst.idx.msk $0xffff, v28;
	v28 =	vor.u32 v5, v31  }
0x64: {  	v30 =	vor.u32 v6, v31;
	v29 =	vld.idx.msk [tilespmem:v29+s13+$0x0], $0xffff  }
0x65: {  	v34 =	vor.u32 v8, v31;
	v27 =	vld.idx.msk [tilespmem:v27+s13+$0x0], $0xffff  }
0x66: {  	v31 =	vor.u32 v7, v31;
	v33 =	vld.idx.msk [tilespmem:v33+s13+$0x0], $0xffff  }
0x67: {  	v35 =	vor.u32 v0, v36;
	v32 =	vld.idx.msk [tilespmem:v32+s13+$0x0], $0xffff  }
0x68: {  	v37 =	vor.u32 v9, v36;
	v28 =	vld.idx.msk [tilespmem:v28+s13+$0x0], $0xffff  }
0x69: {  	v38 =	vor.u32 v10, v36;
	v30 =	vld.idx.msk [tilespmem:v30+s13+$0x0], $0xffff  }
0x6a: {  	v39 =	vor.u32 v11, v36;
	v34 =	vld.idx.msk [tilespmem:v34+s13+$0x0], $0xffff  }
0x6b: {  	v40 =	vor.u32 v12, v36;
	v31 =	vld.idx.msk [tilespmem:v31+s13+$0x0], $0xffff  }
0x6c: {  	s25 =	sadd.s32 $0x3, s4;
	s4 =	smov.u32 s24;
	[tilespmem:v35+s17+$0x0] =	vst.idx.msk $0xffff, v33;
	v33 =	vor.u32 v13, v36  }
0x6d: {  	v35 =	vadd.s32 s25, v0;
	[tilespmem:v37+s17+$0x0] =	vst.idx.msk $0xffff, v27;
	v27 =	vor.u32 v14, v36  }
0x6e: {  	v35 =	vand.u32 $0x7F, v35;
	[tilespmem:v38+s17+$0x0] =	vst.idx.msk $0xffff, v29;
	v29 =	vor.u32 v15, v36  }
0x6f: {  	v36 =	vshll.u32 v35, $0x7;
	[tilespmem:v39+s17+$0x0] =	vst.idx.msk $0xffff, v32;
	v32 =	vor.u32 v3, v35  }
0x70: {  	v37 =	vor.u32 v2, v35;
	[tilespmem:v40+s17+$0x0] =	vst.idx.msk $0xffff, v28;
	v28 =	vor.u32 v1, v35  }
0x71: {  	[tilespmem:v33+s17+$0x0] =	vst.idx.msk $0xffff, v30  }
0x72: {  	[tilespmem:v27+s17+$0x0] =	vst.idx.msk $0xffff, v31;
	v27 =	vor.u32 v4, v35  }
0x73: {  	[tilespmem:v29+s17+$0x0] =	vst.idx.msk $0xffff, v34;
	v29 =	vor.u32 v5, v35  }
0x74: {  	v31 =	vor.u32 v6, v35;
	v30 =	vld.idx.msk [tilespmem:v32+s13+$0x0], $0xffff  }
0x75: {  	v33 =	vor.u32 v8, v35;
	v32 =	vld.idx.msk [tilespmem:v37+s13+$0x0], $0xffff  }
0x76: {  	v34 =	vor.u32 v7, v35;
	v35 =	vor.u32 v0, v36;
	v28 =	vld.idx.msk [tilespmem:v28+s13+$0x0], $0xffff  }
0x77: {  	v37 =	vor.u32 v9, v36;
	v27 =	vld.idx.msk [tilespmem:v27+s13+$0x0], $0xffff  }
0x78: {  	v38 =	vor.u32 v10, v36;
	v29 =	vld.idx.msk [tilespmem:v29+s13+$0x0], $0xffff  }
0x79: {  	v39 =	vor.u32 v11, v36;
	v31 =	vld.idx.msk [tilespmem:v31+s13+$0x0], $0xffff  }
0x7a: {  	v40 =	vor.u32 v12, v36;
	v33 =	vld.idx.msk [tilespmem:v33+s13+$0x0], $0xffff  }
0x7b: {  	v41 =	vor.u32 v13, v36;
	v34 =	vld.idx.msk [tilespmem:v34+s13+$0x0], $0xffff  }
0x7c: {  	[tilespmem:v35+s17+$0x0] =	vst.idx.msk $0xffff, v28;
	v28 =	vor.u32 v14, v36  }
0x7d: {  	[tilespmem:v37+s17+$0x0] =	vst.idx.msk $0xffff, v32;
	v32 =	vor.u32 v15, v36  }
0x7e: {  	[tilespmem:v38+s17+$0x0] =	vst.idx.msk $0xffff, v30  }
0x7f: {  	[tilespmem:v39+s17+$0x0] =	vst.idx.msk $0xffff, v27  }
0x80: {  	[tilespmem:v40+s17+$0x0] =	vst.idx.msk $0xffff, v29  }
0x81: {  	[tilespmem:v41+s17+$0x0] =	vst.idx.msk $0xffff, v31  }
.Ltmp0:
0x82: {  	[tilespmem:v28+s17+$0x0] =	vst.idx.msk $0xffff, v34;
	(pc) =	sbr.rel @p1 .LBB2_4-.Ltmp0, $4  }
0x83: {  	[tilespmem:v32+s17+$0x0] =	vst.idx.msk $0xffff, v33  }
0x84: {  	v28 =	vld.idx.msk [tilespmem:v25+s13+$0x0], $0xffff  }
0x85: {  	v27 =	vld.idx.msk [tilespmem:v26+s13+$0x0], $0xffff  }
0x86: {  	v26 =	vld.idx.msk [tilespmem:v24+s13+$0x0], $0xffff  }
0x87: {  	_ =	sdelay $0x3  }
0x88: {  	v22 =	vld.idx.msk [tilespmem:v22+s13+$0x0], $0xffff  }
0x89: {  	v23 =	vld.idx.msk [tilespmem:v23+s13+$0x0], $0xffff;
	v24 =	vor.u32 v10, v16  }
0x8a: {  	v18 =	vld.idx.msk [tilespmem:v18+s13+$0x0], $0xffff;
	v25 =	vor.u32 v11, v16  }
0x8b: {  	v17 =	vld.idx.msk [tilespmem:v17+s13+$0x0], $0xffff;
	v29 =	vor.u32 v12, v16  }
0x8c: {  	v20 =	vld.idx.msk [tilespmem:v20+s13+$0x0], $0xffff;
	v30 =	vor.u32 v13, v16;
	s9 =	sadd.s32 $0x1, s4;
	[tilespmem:v19+s17+$0x0] =	vst.idx.msk $0xffff, v26  }
0x8d: {  	v19 =	vor.u32 v14, v16;
	[tilespmem:v21+s17+$0x0] =	vst.idx.msk $0xffff, v28;
	v21 =	vadd.s32 s9, v0  }
0x8e: {  	v16 =	vor.u32 v15, v16;
	[tilespmem:v24+s17+$0x0] =	vst.idx.msk $0xffff, v23;
	v21 =	vand.u32 $0x7F, v21  }
0x8f: {  	[tilespmem:v25+s17+$0x0] =	vst.idx.msk $0xffff, v18;
	v18 =	vor.u32 v3, v21  }
0x90: {  	v23 =	vor.u32 v7, v21;
	[tilespmem:v29+s17+$0x0] =	vst.idx.msk $0xffff, v17  }
0x91: {  	[tilespmem:v30+s17+$0x0] =	vst.idx.msk $0xffff, v20;
	v20 =	vor.u32 v1, v21  }
0x92: {  	v17 =	vor.u32 v2, v21;
	[tilespmem:v19+s17+$0x0] =	vst.idx.msk $0xffff, v22  }
0x93: {  	v19 =	vor.u32 v4, v21;
	[tilespmem:v16+s17+$0x0] =	vst.idx.msk $0xffff, v27  }
0x94: {  	v22 =	vor.u32 v6, v21;
	v18 =	vld.idx.msk [tilespmem:v18+s13+$0x0], $0xffff  }
0x95: {  	v24 =	vshll.u32 v21, $0x7;
	v16 =	vor.u32 v5, v21;
	v23 =	vld.idx.msk [tilespmem:v23+s13+$0x0], $0xffff  }
0x96: {  	v25 =	vor.u32 v0, v24;
	v21 =	vor.u32 v8, v21;
	v20 =	vld.idx.msk [tilespmem:v20+s13+$0x0], $0xffff  }
0x97: {  	v26 =	vor.u32 v9, v24;
	v17 =	vld.idx.msk [tilespmem:v17+s13+$0x0], $0xffff  }
0x98: {  	v27 =	vor.u32 v10, v24;
	v19 =	vld.idx.msk [tilespmem:v19+s13+$0x0], $0xffff  }
0x99: {  	v28 =	vor.u32 v11, v24;
	v22 =	vld.idx.msk [tilespmem:v22+s13+$0x0], $0xffff  }
0x9a: {  	v29 =	vor.u32 v12, v24;
	v16 =	vld.idx.msk [tilespmem:v16+s13+$0x0], $0xffff  }
0x9b: {  	s2 =	sadd.s32 $0x2, s4;
	v21 =	vld.idx.msk [tilespmem:v21+s13+$0x0], $0xffff;
	[tilespmem:v25+s17+$0x0] =	vst.idx.msk $0xffff, v20;
	v20 =	vor.u32 v13, v24  }
0x9c: {  	v25 =	vadd.s32 s2, v0;
	[tilespmem:v26+s17+$0x0] =	vst.idx.msk $0xffff, v17;
	v17 =	vor.u32 v14, v24  }
0x9d: {  	[tilespmem:v27+s17+$0x0] =	vst.idx.msk $0xffff, v18;
	v18 =	vor.u32 v15, v24;
	v24 =	vand.u32 $0x7F, v25  }
0x9e: {  	[tilespmem:v28+s17+$0x0] =	vst.idx.msk $0xffff, v19;
	v19 =	vor.u32 v3, v24  }
0x9f: {  	[tilespmem:v29+s17+$0x0] =	vst.idx.msk $0xffff, v16;
	v16 =	vor.u32 v2, v24  }
0xa0: {  	[tilespmem:v20+s17+$0x0] =	vst.idx.msk $0xffff, v22;
	v20 =	vor.u32 v1, v24  }
0xa1: {  	v22 =	vor.u32 v8, v24;
	[tilespmem:v17+s17+$0x0] =	vst.idx.msk $0xffff, v23  }
0xa2: {  	v17 =	vor.u32 v4, v24;
	[tilespmem:v18+s17+$0x0] =	vst.idx.msk $0xffff, v21  }
0xa3: {  	v18 =	vor.u32 v5, v24;
	v19 =	vld.idx.msk [tilespmem:v19+s13+$0x0], $0xffff  }
0xa4: {  	v23 =	vshll.u32 v24, $0x7;
	v21 =	vor.u32 v6, v24;
	v16 =	vld.idx.msk [tilespmem:v16+s13+$0x0], $0xffff  }
0xa5: {  	v24 =	vor.u32 v7, v24;
	v25 =	vor.u32 v0, v23;
	v20 =	vld.idx.msk [tilespmem:v20+s13+$0x0], $0xffff  }
0xa6: {  	v26 =	vor.u32 v9, v23;
	v22 =	vld.idx.msk [tilespmem:v22+s13+$0x0], $0xffff  }
0xa7: {  	v27 =	vor.u32 v10, v23;
	v17 =	vld.idx.msk [tilespmem:v17+s13+$0x0], $0xffff  }
0xa8: {  	v28 =	vor.u32 v11, v23;
	v18 =	vld.idx.msk [tilespmem:v18+s13+$0x0], $0xffff  }
0xa9: {  	v29 =	vor.u32 v12, v23;
	v21 =	vld.idx.msk [tilespmem:v21+s13+$0x0], $0xffff  }
0xaa: {  	s9 =	sadd.s32 $0x3, s4;
	v24 =	vld.idx.msk [tilespmem:v24+s13+$0x0], $0xffff;
	[tilespmem:v25+s17+$0x0] =	vst.idx.msk $0xffff, v20;
	v20 =	vor.u32 v13, v23  }
0xab: {  	v25 =	vadd.s32 s9, v0;
	[tilespmem:v26+s17+$0x0] =	vst.idx.msk $0xffff, v16;
	v16 =	vor.u32 v14, v23  }
0xac: {  	[tilespmem:v27+s17+$0x0] =	vst.idx.msk $0xffff, v19;
	v19 =	vor.u32 v15, v23;
	v23 =	vand.u32 $0x7F, v25  }
0xad: {  	[tilespmem:v28+s17+$0x0] =	vst.idx.msk $0xffff, v17;
	v17 =	vor.u32 v3, v23  }
0xae: {  	v25 =	vor.u32 v1, v23;
	[tilespmem:v29+s17+$0x0] =	vst.idx.msk $0xffff, v18  }
0xaf: {  	v18 =	vor.u32 v2, v23;
	[tilespmem:v20+s17+$0x0] =	vst.idx.msk $0xffff, v21  }
0xb0: {  	v20 =	vor.u32 v6, v23;
	[tilespmem:v16+s17+$0x0] =	vst.idx.msk $0xffff, v24  }
0xb1: {  	v21 =	vor.u32 v8, v23;
	[tilespmem:v19+s17+$0x0] =	vst.idx.msk $0xffff, v22  }
0xb2: {  	v16 =	vor.u32 v4, v23;
	v17 =	vld.idx.msk [tilespmem:v17+s13+$0x0], $0xffff  }
0xb3: {  	v19 =	vor.u32 v5, v23;
	v22 =	vshll.u32 v23, $0x7;
	v24 =	vld.idx.msk [tilespmem:v25+s13+$0x0], $0xffff  }
0xb4: {  	v23 =	vor.u32 v7, v23;
	v25 =	vor.u32 v0, v22;
	v18 =	vld.idx.msk [tilespmem:v18+s13+$0x0], $0xffff  }
0xb5: {  	v26 =	vor.u32 v9, v22;
	v20 =	vld.idx.msk [tilespmem:v20+s13+$0x0], $0xffff  }
0xb6: {  	v27 =	vor.u32 v10, v22;
	v21 =	vld.idx.msk [tilespmem:v21+s13+$0x0], $0xffff  }
0xb7: {  	v28 =	vor.u32 v11, v22;
	v16 =	vld.idx.msk [tilespmem:v16+s13+$0x0], $0xffff  }
0xb8: {  	v29 =	vor.u32 v12, v22;
	v19 =	vld.idx.msk [tilespmem:v19+s13+$0x0], $0xffff  }
0xb9: {  	v30 =	vor.u32 v13, v22;
	v23 =	vld.idx.msk [tilespmem:v23+s13+$0x0], $0xffff;
	[tilespmem:v25+s17+$0x0] =	vst.idx.msk $0xffff, v24  }
0xba: {  	v24 =	vor.u32 v14, v22;
	[tilespmem:v26+s17+$0x0] =	vst.idx.msk $0xffff, v18  }
0xbb: {  	v18 =	vor.u32 v15, v22;
	[tilespmem:v27+s17+$0x0] =	vst.idx.msk $0xffff, v17  }
0xbc: {  	[tilespmem:v28+s17+$0x0] =	vst.idx.msk $0xffff, v16  }
0xbd: {  	[tilespmem:v29+s17+$0x0] =	vst.idx.msk $0xffff, v19  }
0xbe: {  	[tilespmem:v30+s17+$0x0] =	vst.idx.msk $0xffff, v20  }
0xbf: {  	[tilespmem:v24+s17+$0x0] =	vst.idx.msk $0xffff, v23  }
0xc0: {  	[tilespmem:v18+s17+$0x0] =	vst.idx.msk $0xffff, v21  }
0xc1: {  	v16 =	vld [tilespmem:$0x80]  }
0xc2: {  	v17 =	vld [tilespmem:$0x90]  }
0xc3: {  	v18 =	vld [tilespmem:$0xA0]  }
0xc4: {  	v19 =	vld [tilespmem:$0xB0]  }
0xc5: {  	s24 =	sadd.s32 $0x2, s0;
	v20 =	vld [tilespmem:$0xC0]  }
0xc6: {  	v21 =	vld [tilespmem:$0xD0];
	v16 =	vadd.s32 s24, v16  }
0xc7: {  	[tilespmem:$0x100] =	vst v16;
	v16 =	vadd.s32 s24, v17;
	v17 =	vld [tilespmem:$0xE0]  }
0xc8: {  	[tilespmem:$0x110] =	vst v16;
	v16 =	vadd.s32 s24, v18;
	v18 =	vld [tilespmem:$0xF0]  }
0xc9: {  	[tilespmem:$0x120] =	vst v16;
	v16 =	vadd.s32 s24, v19  }
0xca: {  	[tilespmem:$0x130] =	vst v16;
	v16 =	vadd.s32 s24, v20  }
0xcb: {  	s4 =	smul.u32 $0xC80000, s31;
	[tilespmem:$0x140] =	vst v16;
	v16 =	vadd.s32 s24, v21  }
0xcc: {  	[tilespmem:$0x150] =	vst v16;
	v16 =	vadd.s32 s24, v17  }
0xcd: {  	s25 =	sadd.s32 s28, s4;
	[tilespmem:$0x160] =	vst v16;
	v16 =	vadd.s32 s24, v18  }
0xce: {  	s9 =	sshrl.u32 s25, $0x3;
	[tilespmem:$0x170] =	vst v16  }
0xcf: {  	[tilespmem:s13], [sflag:$0x1] =	stream.indirect.gather [hbm4b:s5+s11], $0x80, s12, s11, $0xb8;
	[tilespmem:$0x14200] =	vst v63  }
0xd0: {  	s24 =	sadd.s32 s1, s9;
	s9 =	simm.s32 $0x0  }
0xd1: {  	v16 =	vadd.s32 s9, v0;
	[hbm4b:s24+s18] =	stream.strided.scatter [tilespmem:s17], [sflag:$0x3], $0x4000, s19, s18, $0x38;
	[tilespmem:$0x14200] =	vst v63  }
0xd2: {  	v19 =	vand.u32 $0x7F, v16;
	_ =	swait.ge [sflag:s20], $0x4000  }
0xd3: {  	v16 =	vor.u32 v2, v19;
	[sflag:s20] =	ssyncset.done $0x0  }
0xd4: {  	v20 =	vor.u32 v8, v19;
	s24 =	simm.s32 @!p0 $0x4;
	[sflag:s20] =	ssyncadd.s32 $0xFFFFC000  }
0xd5: {  	v24 =	vor.u32 v1, v19;
	_ =	swait.ge @!p0 [sflag:s24], $0x4000  }
0xd6: {  	v22 =	vor.u32 v7, v19;
	[sflag:s24] =	ssyncset.done @!p0 $0x0  }
0xd7: {  	v23 =	vor.u32 v3, v19;
	[sflag:s24] =	ssyncadd.s32 @!p0 $0xFFFFC000  }
0xd8: {  	v18 =	vor.u32 v4, v19;
	v28 =	vld.idx.msk [tilespmem:v16+s15+$0x0], $0xffff  }
0xd9: {  	v17 =	vor.u32 v5, v19;
	v16 =	vshll.u32 v19, $0x7;
	v27 =	vld.idx.msk [tilespmem:v20+s15+$0x0], $0xffff  }
0xda: {  	s24 =	simm.s32 $0x4;
	v20 =	vor.u32 v6, v19;
	v26 =	vld.idx.msk [tilespmem:v24+s15+$0x0], $0xffff;
	v19 =	vor.u32 v0, v16;
	v21 =	vor.u32 v9, v16  }
.LBB2_6:
0xdb: {  	p0 =	sne.s32 s24, $0x7C;
	v29 =	vld.idx.msk [tilespmem:v22+s15+$0x0], $0xffff;
	s25 =	smov.u32 s24;
	s24 =	sadd.s32 $0x4, s24  }
0xdc: {  	v30 =	vld.idx.msk [tilespmem:v23+s15+$0x0], $0xffff  }
0xdd: {  	v32 =	vor.u32 v10, v16;
	v33 =	vor.u32 v14, v16;
	v22 =	vadd.s32 s25, v0;
	v31 =	vld.idx.msk [tilespmem:v18+s15+$0x0], $0xffff  }
0xde: {  	v36 =	vor.u32 v11, v16;
	v37 =	vor.u32 v13, v16;
	v34 =	vand.u32 $0x7F, v22;
	v35 =	vld.idx.msk [tilespmem:v17+s15+$0x0], $0xffff  }
0xdf: {  	v39 =	vor.u32 v12, v16;
	v24 =	vor.u32 v1, v34;
	v25 =	vor.u32 v2, v34;
	v38 =	vld.idx.msk [tilespmem:v20+s15+$0x0], $0xffff  }
0xe0: {  	s2 =	sadd.s32 $0x1, s9;
	v18 =	vor.u32 v4, v34;
	v17 =	vor.u32 v5, v34;
	[tilespmem:v19+s21+$0x0] =	vst.idx.msk $0xffff, v26  }
0xe1: {  	v22 =	vor.u32 v7, v34;
	v26 =	vor.u32 v8, v34;
	v19 =	vadd.s32 s2, v0;
	[tilespmem:v21+s21+$0x0] =	vst.idx.msk $0xffff, v28  }
0xe2: {  	v23 =	vor.u32 v3, v34;
	v21 =	vor.u32 v15, v16;
	v28 =	vand.u32 $0x7F, v19;
	[tilespmem:v32+s21+$0x0] =	vst.idx.msk $0xffff, v30  }
0xe3: {  	v30 =	vor.u32 v3, v28;
	[tilespmem:v36+s21+$0x0] =	vst.idx.msk $0xffff, v31;
	v31 =	vshll.u32 v28, $0x7  }
0xe4: {  	v20 =	vor.u32 v6, v34;
	v16 =	vshll.u32 v34, $0x7;
	v32 =	vor.u32 v2, v28;
	[tilespmem:v39+s21+$0x0] =	vst.idx.msk $0xffff, v35  }
0xe5: {  	v19 =	vor.u32 v0, v16;
	v34 =	vor.u32 v1, v28;
	[tilespmem:v37+s21+$0x0] =	vst.idx.msk $0xffff, v38  }
0xe6: {  	[tilespmem:v33+s21+$0x0] =	vst.idx.msk $0xffff, v29;
	v29 =	vor.u32 v4, v28  }
0xe7: {  	[tilespmem:v21+s21+$0x0] =	vst.idx.msk $0xffff, v27;
	v27 =	vor.u32 v5, v28  }
0xe8: {  	v33 =	vor.u32 v6, v28;
	v21 =	vor.u32 v9, v16;
	v30 =	vld.idx.msk [tilespmem:v30+s15+$0x0], $0xffff  }
0xe9: {  	v35 =	vor.u32 v7, v28;
	v32 =	vld.idx.msk [tilespmem:v32+s15+$0x0], $0xffff  }
0xea: {  	v28 =	vor.u32 v8, v28;
	v34 =	vld.idx.msk [tilespmem:v34+s15+$0x0], $0xffff  }
0xeb: {  	v36 =	vor.u32 v0, v31;
	v29 =	vld.idx.msk [tilespmem:v29+s15+$0x0], $0xffff  }
0xec: {  	v37 =	vor.u32 v9, v31;
	v27 =	vld.idx.msk [tilespmem:v27+s15+$0x0], $0xffff  }
0xed: {  	v38 =	vor.u32 v10, v31;
	v33 =	vld.idx.msk [tilespmem:v33+s15+$0x0], $0xffff  }
0xee: {  	v39 =	vor.u32 v11, v31;
	v35 =	vld.idx.msk [tilespmem:v35+s15+$0x0], $0xffff  }
0xef: {  	v40 =	vor.u32 v12, v31;
	v28 =	vld.idx.msk [tilespmem:v28+s15+$0x0], $0xffff  }
0xf0: {  	s2 =	sadd.s32 $0x2, s9;
	[tilespmem:v36+s21+$0x0] =	vst.idx.msk $0xffff, v34;
	v34 =	vor.u32 v13, v31  }
0xf1: {  	v36 =	vadd.s32 s2, v0;
	[tilespmem:v37+s21+$0x0] =	vst.idx.msk $0xffff, v32;
	v32 =	vor.u32 v14, v31  }
0xf2: {  	[tilespmem:v38+s21+$0x0] =	vst.idx.msk $0xffff, v30;
	v30 =	vor.u32 v15, v31;
	v31 =	vand.u32 $0x7F, v36  }
0xf3: {  	[tilespmem:v39+s21+$0x0] =	vst.idx.msk $0xffff, v29;
	v29 =	vor.u32 v3, v31;
	v36 =	vshll.u32 v31, $0x7  }
0xf4: {  	[tilespmem:v40+s21+$0x0] =	vst.idx.msk $0xffff, v27;
	v27 =	vor.u32 v2, v31  }
0xf5: {  	[tilespmem:v34+s21+$0x0] =	vst.idx.msk $0xffff, v33;
	v33 =	vor.u32 v1, v31  }
0xf6: {  	[tilespmem:v32+s21+$0x0] =	vst.idx.msk $0xffff, v35;
	v32 =	vor.u32 v4, v31  }
0xf7: {  	[tilespmem:v30+s21+$0x0] =	vst.idx.msk $0xffff, v28;
	v28 =	vor.u32 v5, v31  }
0xf8: {  	v30 =	vor.u32 v6, v31;
	v29 =	vld.idx.msk [tilespmem:v29+s15+$0x0], $0xffff  }
0xf9: {  	v34 =	vor.u32 v8, v31;
	v27 =	vld.idx.msk [tilespmem:v27+s15+$0x0], $0xffff  }
0xfa: {  	v31 =	vor.u32 v7, v31;
	v33 =	vld.idx.msk [tilespmem:v33+s15+$0x0], $0xffff  }
0xfb: {  	v35 =	vor.u32 v0, v36;
	v32 =	vld.idx.msk [tilespmem:v32+s15+$0x0], $0xffff  }
0xfc: {  	v37 =	vor.u32 v9, v36;
	v28 =	vld.idx.msk [tilespmem:v28+s15+$0x0], $0xffff  }
0xfd: {  	v38 =	vor.u32 v10, v36;
	v30 =	vld.idx.msk [tilespmem:v30+s15+$0x0], $0xffff  }
0xfe: {  	v39 =	vor.u32 v11, v36;
	v34 =	vld.idx.msk [tilespmem:v34+s15+$0x0], $0xffff  }
0xff: {  	v40 =	vor.u32 v12, v36;
	v31 =	vld.idx.msk [tilespmem:v31+s15+$0x0], $0xffff  }
0x100: {  	s2 =	sadd.s32 $0x3, s9;
	s9 =	smov.u32 s25;
	[tilespmem:v35+s21+$0x0] =	vst.idx.msk $0xffff, v33;
	v33 =	vor.u32 v13, v36  }
0x101: {  	v35 =	vadd.s32 s2, v0;
	[tilespmem:v37+s21+$0x0] =	vst.idx.msk $0xffff, v27;
	v27 =	vor.u32 v14, v36  }
0x102: {  	v35 =	vand.u32 $0x7F, v35;
	[tilespmem:v38+s21+$0x0] =	vst.idx.msk $0xffff, v29;
	v29 =	vor.u32 v15, v36  }
0x103: {  	v36 =	vshll.u32 v35, $0x7;
	[tilespmem:v39+s21+$0x0] =	vst.idx.msk $0xffff, v32;
	v32 =	vor.u32 v3, v35  }
0x104: {  	v37 =	vor.u32 v2, v35;
	[tilespmem:v40+s21+$0x0] =	vst.idx.msk $0xffff, v28;
	v28 =	vor.u32 v1, v35  }
0x105: {  	[tilespmem:v33+s21+$0x0] =	vst.idx.msk $0xffff, v30  }
0x106: {  	[tilespmem:v27+s21+$0x0] =	vst.idx.msk $0xffff, v31;
	v27 =	vor.u32 v4, v35  }
0x107: {  	[tilespmem:v29+s21+$0x0] =	vst.idx.msk $0xffff, v34;
	v29 =	vor.u32 v5, v35  }
0x108: {  	v31 =	vor.u32 v6, v35;
	v30 =	vld.idx.msk [tilespmem:v32+s15+$0x0], $0xffff  }
0x109: {  	v33 =	vor.u32 v8, v35;
	v32 =	vld.idx.msk [tilespmem:v37+s15+$0x0], $0xffff  }
0x10a: {  	v34 =	vor.u32 v7, v35;
	v35 =	vor.u32 v0, v36;
	v28 =	vld.idx.msk [tilespmem:v28+s15+$0x0], $0xffff  }
0x10b: {  	v37 =	vor.u32 v9, v36;
	v27 =	vld.idx.msk [tilespmem:v27+s15+$0x0], $0xffff  }
0x10c: {  	v38 =	vor.u32 v10, v36;
	v29 =	vld.idx.msk [tilespmem:v29+s15+$0x0], $0xffff  }
0x10d: {  	v39 =	vor.u32 v11, v36;
	v31 =	vld.idx.msk [tilespmem:v31+s15+$0x0], $0xffff  }
0x10e: {  	v40 =	vor.u32 v12, v36;
	v33 =	vld.idx.msk [tilespmem:v33+s15+$0x0], $0xffff  }
0x10f: {  	v41 =	vor.u32 v13, v36;
	v34 =	vld.idx.msk [tilespmem:v34+s15+$0x0], $0xffff  }
0x110: {  	[tilespmem:v35+s21+$0x0] =	vst.idx.msk $0xffff, v28;
	v28 =	vor.u32 v14, v36  }
0x111: {  	[tilespmem:v37+s21+$0x0] =	vst.idx.msk $0xffff, v32;
	v32 =	vor.u32 v15, v36  }
0x112: {  	[tilespmem:v38+s21+$0x0] =	vst.idx.msk $0xffff, v30  }
0x113: {  	[tilespmem:v39+s21+$0x0] =	vst.idx.msk $0xffff, v27  }
0x114: {  	[tilespmem:v40+s21+$0x0] =	vst.idx.msk $0xffff, v29  }
0x115: {  	[tilespmem:v41+s21+$0x0] =	vst.idx.msk $0xffff, v31  }
.Ltmp1:
0x116: {  	[tilespmem:v28+s21+$0x0] =	vst.idx.msk $0xffff, v34;
	(pc) =	sbr.rel @p0 .LBB2_6-.Ltmp1, $4  }
0x117: {  	[tilespmem:v32+s21+$0x0] =	vst.idx.msk $0xffff, v33  }
0x118: {  	v28 =	vld.idx.msk [tilespmem:v25+s15+$0x0], $0xffff  }
0x119: {  	v27 =	vld.idx.msk [tilespmem:v26+s15+$0x0], $0xffff  }
0x11a: {  	v26 =	vld.idx.msk [tilespmem:v24+s15+$0x0], $0xffff  }
0x11b: {  	_ =	sdelay $0x3  }
0x11c: {  	v22 =	vld.idx.msk [tilespmem:v22+s15+$0x0], $0xffff  }
0x11d: {  	v23 =	vld.idx.msk [tilespmem:v23+s15+$0x0], $0xffff;
	v24 =	vor.u32 v10, v16  }
0x11e: {  	v18 =	vld.idx.msk [tilespmem:v18+s15+$0x0], $0xffff;
	v25 =	vor.u32 v11, v16  }
0x11f: {  	v17 =	vld.idx.msk [tilespmem:v17+s15+$0x0], $0xffff;
	v29 =	vor.u32 v12, v16  }
0x120: {  	v20 =	vld.idx.msk [tilespmem:v20+s15+$0x0], $0xffff;
	v30 =	vor.u32 v13, v16;
	s2 =	sadd.s32 $0x1, s9;
	[tilespmem:v19+s21+$0x0] =	vst.idx.msk $0xffff, v26  }
0x121: {  	v51 =	vor.u32 v14, v16;
	v52 =	vadd.s32 s2, v0;
	[tilespmem:v21+s21+$0x0] =	vst.idx.msk $0xffff, v28  }
0x122: {  	v16 =	vor.u32 v15, v16;
	v21 =	vand.u32 $0x7F, v52;
	[tilespmem:v24+s21+$0x0] =	vst.idx.msk $0xffff, v23  }
0x123: {  	v53 =	vor.u32 v3, v21;
	[tilespmem:v25+s21+$0x0] =	vst.idx.msk $0xffff, v18  }
0x124: {  	v54 =	vor.u32 v1, v21;
	[tilespmem:v29+s21+$0x0] =	vst.idx.msk $0xffff, v17  }
0x125: {  	v55 =	vor.u32 v4, v21;
	[tilespmem:v30+s21+$0x0] =	vst.idx.msk $0xffff, v20  }
0x126: {  	v17 =	vor.u32 v2, v21;
	[tilespmem:v51+s21+$0x0] =	vst.idx.msk $0xffff, v22  }
0x127: {  	v56 =	vor.u32 v6, v21;
	[tilespmem:v16+s21+$0x0] =	vst.idx.msk $0xffff, v27  }
0x128: {  	v57 =	vor.u32 v7, v21;
	v18 =	vld.idx.msk [tilespmem:v53+s15+$0x0], $0xffff  }
0x129: {  	v58 =	vshll.u32 v21, $0x7;
	v16 =	vor.u32 v5, v21;
	v20 =	vld.idx.msk [tilespmem:v54+s15+$0x0], $0xffff  }
0x12a: {  	v59 =	vor.u32 v0, v58;
	v21 =	vor.u32 v8, v21;
	v19 =	vld.idx.msk [tilespmem:v55+s15+$0x0], $0xffff  }
0x12b: {  	v60 =	vor.u32 v9, v58;
	v17 =	vld.idx.msk [tilespmem:v17+s15+$0x0], $0xffff  }
0x12c: {  	v61 =	vor.u32 v10, v58;
	v22 =	vld.idx.msk [tilespmem:v56+s15+$0x0], $0xffff  }
0x12d: {  	v62 =	vor.u32 v11, v58;
	v23 =	vld.idx.msk [tilespmem:v57+s15+$0x0], $0xffff  }
0x12e: {  	v63 =	vor.u32 v12, v58;
	v16 =	vld.idx.msk [tilespmem:v16+s15+$0x0], $0xffff  }
0x12f: {  	s25 =	sadd.s32 $0x2, s9;
	v31 =	vor.u32 v13, v58;
	v21 =	vld.idx.msk [tilespmem:v21+s15+$0x0], $0xffff;
	[tilespmem:v59+s21+$0x0] =	vst.idx.msk $0xffff, v20  }
0x130: {  	v32 =	vadd.s32 s25, v0;
	[tilespmem:v60+s21+$0x0] =	vst.idx.msk $0xffff, v17;
	v17 =	vor.u32 v14, v58  }
0x131: {  	v34 =	vand.u32 $0x7F, v32;
	v33 =	vor.u32 v15, v58;
	[tilespmem:v61+s21+$0x0] =	vst.idx.msk $0xffff, v18  }
0x132: {  	v35 =	vor.u32 v3, v34;
	[tilespmem:v62+s21+$0x0] =	vst.idx.msk $0xffff, v19  }
0x133: {  	v36 =	vor.u32 v1, v34;
	[tilespmem:v63+s21+$0x0] =	vst.idx.msk $0xffff, v16  }
0x134: {  	v37 =	vor.u32 v5, v34;
	[tilespmem:v31+s21+$0x0] =	vst.idx.msk $0xffff, v22  }
0x135: {  	v16 =	vor.u32 v2, v34;
	[tilespmem:v17+s21+$0x0] =	vst.idx.msk $0xffff, v23  }
0x136: {  	v38 =	vor.u32 v6, v34;
	[tilespmem:v33+s21+$0x0] =	vst.idx.msk $0xffff, v21  }
0x137: {  	v17 =	vor.u32 v4, v34;
	v19 =	vld.idx.msk [tilespmem:v35+s15+$0x0], $0xffff  }
0x138: {  	v39 =	vor.u32 v8, v34;
	v40 =	vshll.u32 v34, $0x7;
	v20 =	vld.idx.msk [tilespmem:v36+s15+$0x0], $0xffff  }
0x139: {  	v41 =	vor.u32 v0, v40;
	v24 =	vor.u32 v7, v34;
	v18 =	vld.idx.msk [tilespmem:v37+s15+$0x0], $0xffff  }
0x13a: {  	v42 =	vor.u32 v9, v40;
	v16 =	vld.idx.msk [tilespmem:v16+s15+$0x0], $0xffff  }
0x13b: {  	v43 =	vor.u32 v10, v40;
	v21 =	vld.idx.msk [tilespmem:v38+s15+$0x0], $0xffff  }
0x13c: {  	v44 =	vor.u32 v11, v40;
	v17 =	vld.idx.msk [tilespmem:v17+s15+$0x0], $0xffff  }
0x13d: {  	v45 =	vor.u32 v12, v40;
	v22 =	vld.idx.msk [tilespmem:v39+s15+$0x0], $0xffff  }
0x13e: {  	s24 =	sadd.s32 $0x3, s9;
	v46 =	vor.u32 v13, v40;
	v24 =	vld.idx.msk [tilespmem:v24+s15+$0x0], $0xffff;
	[tilespmem:v41+s21+$0x0] =	vst.idx.msk $0xffff, v20  }
0x13f: {  	v47 =	vadd.s32 s24, v0;
	[tilespmem:v42+s21+$0x0] =	vst.idx.msk $0xffff, v16;
	v16 =	vor.u32 v14, v40  }
0x140: {  	v49 =	vand.u32 $0x7F, v47;
	v48 =	vor.u32 v15, v40;
	[tilespmem:v43+s21+$0x0] =	vst.idx.msk $0xffff, v19  }
0x141: {  	[tilespmem:v44+s21+$0x0] =	vst.idx.msk $0xffff, v17;
	v17 =	vor.u32 v3, v49  }
0x142: {  	v50 =	vor.u32 v2, v49;
	[tilespmem:v45+s21+$0x0] =	vst.idx.msk $0xffff, v18  }
0x143: {  	v25 =	vor.u32 v1, v49;
	[tilespmem:v46+s21+$0x0] =	vst.idx.msk $0xffff, v21  }
0x144: {  	v51 =	vor.u32 v5, v49;
	[tilespmem:v16+s21+$0x0] =	vst.idx.msk $0xffff, v24  }
0x145: {  	v52 =	vor.u32 v6, v49;
	[tilespmem:v48+s21+$0x0] =	vst.idx.msk $0xffff, v22  }
0x146: {  	v16 =	vor.u32 v4, v49;
	v17 =	vld.idx.msk [tilespmem:v17+s15+$0x0], $0xffff  }
0x147: {  	v53 =	vor.u32 v8, v49;
	v54 =	vshll.u32 v49, $0x7;
	v18 =	vld.idx.msk [tilespmem:v50+s15+$0x0], $0xffff  }
0x148: {  	v55 =	vor.u32 v0, v54;
	v23 =	vor.u32 v7, v49;
	v24 =	vld.idx.msk [tilespmem:v25+s15+$0x0], $0xffff  }
0x149: {  	v56 =	vor.u32 v9, v54;
	v19 =	vld.idx.msk [tilespmem:v51+s15+$0x0], $0xffff  }
0x14a: {  	v57 =	vor.u32 v10, v54;
	v20 =	vld.idx.msk [tilespmem:v52+s15+$0x0], $0xffff  }
0x14b: {  	v58 =	vor.u32 v11, v54;
	v16 =	vld.idx.msk [tilespmem:v16+s15+$0x0], $0xffff  }
0x14c: {  	v59 =	vor.u32 v12, v54;
	v21 =	vld.idx.msk [tilespmem:v53+s15+$0x0], $0xffff  }
0x14d: {  	v60 =	vor.u32 v13, v54;
	v23 =	vld.idx.msk [tilespmem:v23+s15+$0x0], $0xffff;
	[tilespmem:v55+s21+$0x0] =	vst.idx.msk $0xffff, v24  }
0x14e: {  	v61 =	vor.u32 v14, v54;
	[tilespmem:v56+s21+$0x0] =	vst.idx.msk $0xffff, v18  }
0x14f: {  	v62 =	vor.u32 v15, v54;
	[tilespmem:v57+s21+$0x0] =	vst.idx.msk $0xffff, v17  }
0x150: {  	[tilespmem:v58+s21+$0x0] =	vst.idx.msk $0xffff, v16  }
0x151: {  	[tilespmem:v59+s21+$0x0] =	vst.idx.msk $0xffff, v19  }
0x152: {  	[tilespmem:v60+s21+$0x0] =	vst.idx.msk $0xffff, v20  }
0x153: {  	[tilespmem:v61+s21+$0x0] =	vst.idx.msk $0xffff, v23  }
0x154: {  	[tilespmem:v62+s21+$0x0] =	vst.idx.msk $0xffff, v21  }
0x155: {  	v16 =	vld [tilespmem:$0x80]  }
0x156: {  	v17 =	vld [tilespmem:$0x90]  }
0x157: {  	v18 =	vld [tilespmem:$0xA0]  }
0x158: {  	v19 =	vld [tilespmem:$0xB0]  }
0x159: {  	s0 =	sadd.s32 $0x3, s0;
	v20 =	vld [tilespmem:$0xC0]  }
0x15a: {  	v21 =	vld [tilespmem:$0xD0];
	v16 =	vadd.s32 s0, v16  }
0x15b: {  	[tilespmem:$0x180] =	vst v16;
	v16 =	vadd.s32 s0, v17;
	v17 =	vld [tilespmem:$0xE0]  }
0x15c: {  	v63 =	vld [tilespmem:$0xF0];
	[tilespmem:$0x190] =	vst v16;
	v16 =	vadd.s32 s0, v18  }
0x15d: {  	[tilespmem:$0x1A0] =	vst v16;
	v16 =	vadd.s32 s0, v19  }
0x15e: {  	[tilespmem:$0x1B0] =	vst v16;
	v16 =	vadd.s32 s0, v20  }
0x15f: {  	s31 =	sadd.s32 $0x1, s31;
	[tilespmem:$0x1C0] =	vst v16;
	v16 =	vadd.s32 s0, v21  }
0x160: {  	p0 =	sne.s32 s31, $0x3;
	[tilespmem:$0x1D0] =	vst v16;
	v16 =	vadd.s32 s0, v17  }
.Ltmp2:
0x161: {  	s25 =	sadd.s32 s30, s4;
	[tilespmem:$0x1E0] =	vst v16;
	v16 =	vadd.s32 s0, v63;
	(pc) =	sbr.rel @p0 .LBB2_3-.Ltmp2, $4  }
0x162: {  	s0 =	sshrl.u32 s25, $0x3;
	[tilespmem:$0x1F0] =	vst v16  }
0x163: {  	[tilespmem:s15], [sflag:$0x2] =	stream.indirect.gather [hbm4b:s5+s11], $0x80, s14, s11, $0xb8;
	[tilespmem:$0x14200] =	vst v63  }
0x164: {  	s0 =	sadd.s32 s1, s0  }
0x165: {  	[hbm4b:s0+s18] =	stream.strided.scatter [tilespmem:s21], [sflag:$0x4], $0x4000, s19, s18, $0x38;
	[tilespmem:$0x14200] =	vst v63  }
0x166: {  	s0 =	simm.s32 $0x0  }
0x167: {  	v16 =	vadd.s32 s0, v0  }
0x168: {  	_ =	swait.ge [sflag:s16], $0x4000;
	v19 =	vand.u32 $0x7F, v16  }
0x169: {  	[sflag:s16] =	ssyncset.done $0x0;
	v16 =	vor.u32 v2, v19  }
0x16a: {  	[sflag:s16] =	ssyncadd.s32 $0xFFFFC000;
	v20 =	vor.u32 v8, v19  }
0x16b: {  	_ =	swait.ge [sflag:s22], $0x4000;
	v24 =	vor.u32 v1, v19  }
0x16c: {  	v22 =	vor.u32 v7, v19;
	[sflag:s22] =	ssyncset.done $0x0  }
0x16d: {  	v23 =	vor.u32 v3, v19;
	[sflag:s22] =	ssyncadd.s32 $0xFFFFC000  }
0x16e: {  	v18 =	vor.u32 v4, v19;
	v28 =	vld.idx.msk [tilespmem:v16+s13+$0x0], $0xffff  }
0x16f: {  	v17 =	vor.u32 v5, v19;
	v16 =	vshll.u32 v19, $0x7;
	v27 =	vld.idx.msk [tilespmem:v20+s13+$0x0], $0xffff  }
0x170: {  	s4 =	simm.s32 $0x4;
	v20 =	vor.u32 v6, v19;
	v26 =	vld.idx.msk [tilespmem:v24+s13+$0x0], $0xffff;
	v19 =	vor.u32 v0, v16;
	v21 =	vor.u32 v9, v16  }
.LBB2_9:
0x171: {  	p0 =	sne.s32 s4, $0x7C;
	v29 =	vld.idx.msk [tilespmem:v22+s13+$0x0], $0xffff;
	s9 =	smov.u32 s4;
	s4 =	sadd.s32 $0x4, s4  }
0x172: {  	v30 =	vld.idx.msk [tilespmem:v23+s13+$0x0], $0xffff  }
0x173: {  	v32 =	vor.u32 v10, v16;
	v33 =	vor.u32 v14, v16;
	v22 =	vadd.s32 s9, v0;
	v31 =	vld.idx.msk [tilespmem:v18+s13+$0x0], $0xffff  }
0x174: {  	v36 =	vor.u32 v11, v16;
	v37 =	vor.u32 v13, v16;
	v34 =	vand.u32 $0x7F, v22;
	v35 =	vld.idx.msk [tilespmem:v17+s13+$0x0], $0xffff  }
0x175: {  	v39 =	vor.u32 v12, v16;
	v24 =	vor.u32 v1, v34;
	v25 =	vor.u32 v2, v34;
	v38 =	vld.idx.msk [tilespmem:v20+s13+$0x0], $0xffff  }
0x176: {  	s2 =	sadd.s32 $0x1, s0;
	v18 =	vor.u32 v4, v34;
	v17 =	vor.u32 v5, v34;
	[tilespmem:v19+s17+$0x0] =	vst.idx.msk $0xffff, v26  }
0x177: {  	v22 =	vor.u32 v7, v34;
	v26 =	vor.u32 v8, v34;
	v19 =	vadd.s32 s2, v0;
	[tilespmem:v21+s17+$0x0] =	vst.idx.msk $0xffff, v28  }
0x178: {  	v23 =	vor.u32 v3, v34;
	v21 =	vor.u32 v15, v16;
	v28 =	vand.u32 $0x7F, v19;
	[tilespmem:v32+s17+$0x0] =	vst.idx.msk $0xffff, v30  }
0x179: {  	v30 =	vor.u32 v3, v28;
	[tilespmem:v36+s17+$0x0] =	vst.idx.msk $0xffff, v31;
	v31 =	vshll.u32 v28, $0x7  }
0x17a: {  	v20 =	vor.u32 v6, v34;
	v16 =	vshll.u32 v34, $0x7;
	v32 =	vor.u32 v2, v28;
	[tilespmem:v39+s17+$0x0] =	vst.idx.msk $0xffff, v35  }
0x17b: {  	v19 =	vor.u32 v0, v16;
	v34 =	vor.u32 v1, v28;
	[tilespmem:v37+s17+$0x0] =	vst.idx.msk $0xffff, v38  }
0x17c: {  	[tilespmem:v33+s17+$0x0] =	vst.idx.msk $0xffff, v29;
	v29 =	vor.u32 v4, v28  }
0x17d: {  	[tilespmem:v21+s17+$0x0] =	vst.idx.msk $0xffff, v27;
	v27 =	vor.u32 v5, v28  }
0x17e: {  	v33 =	vor.u32 v6, v28;
	v21 =	vor.u32 v9, v16;
	v30 =	vld.idx.msk [tilespmem:v30+s13+$0x0], $0xffff  }
0x17f: {  	v35 =	vor.u32 v7, v28;
	v32 =	vld.idx.msk [tilespmem:v32+s13+$0x0], $0xffff  }
0x180: {  	v28 =	vor.u32 v8, v28;
	v34 =	vld.idx.msk [tilespmem:v34+s13+$0x0], $0xffff  }
0x181: {  	v36 =	vor.u32 v0, v31;
	v29 =	vld.idx.msk [tilespmem:v29+s13+$0x0], $0xffff  }
0x182: {  	v37 =	vor.u32 v9, v31;
	v27 =	vld.idx.msk [tilespmem:v27+s13+$0x0], $0xffff  }
0x183: {  	v38 =	vor.u32 v10, v31;
	v33 =	vld.idx.msk [tilespmem:v33+s13+$0x0], $0xffff  }
0x184: {  	v39 =	vor.u32 v11, v31;
	v35 =	vld.idx.msk [tilespmem:v35+s13+$0x0], $0xffff  }
0x185: {  	v40 =	vor.u32 v12, v31;
	v28 =	vld.idx.msk [tilespmem:v28+s13+$0x0], $0xffff  }
0x186: {  	s2 =	sadd.s32 $0x2, s0;
	[tilespmem:v36+s17+$0x0] =	vst.idx.msk $0xffff, v34;
	v34 =	vor.u32 v13, v31  }
0x187: {  	v36 =	vadd.s32 s2, v0;
	[tilespmem:v37+s17+$0x0] =	vst.idx.msk $0xffff, v32;
	v32 =	vor.u32 v14, v31  }
0x188: {  	[tilespmem:v38+s17+$0x0] =	vst.idx.msk $0xffff, v30;
	v30 =	vor.u32 v15, v31;
	v31 =	vand.u32 $0x7F, v36  }
0x189: {  	[tilespmem:v39+s17+$0x0] =	vst.idx.msk $0xffff, v29;
	v29 =	vor.u32 v3, v31;
	v36 =	vshll.u32 v31, $0x7  }
0x18a: {  	[tilespmem:v40+s17+$0x0] =	vst.idx.msk $0xffff, v27;
	v27 =	vor.u32 v2, v31  }
0x18b: {  	[tilespmem:v34+s17+$0x0] =	vst.idx.msk $0xffff, v33;
	v33 =	vor.u32 v1, v31  }
0x18c: {  	[tilespmem:v32+s17+$0x0] =	vst.idx.msk $0xffff, v35;
	v32 =	vor.u32 v4, v31  }
0x18d: {  	[tilespmem:v30+s17+$0x0] =	vst.idx.msk $0xffff, v28;
	v28 =	vor.u32 v5, v31  }
0x18e: {  	v30 =	vor.u32 v6, v31;
	v29 =	vld.idx.msk [tilespmem:v29+s13+$0x0], $0xffff  }
0x18f: {  	v34 =	vor.u32 v8, v31;
	v27 =	vld.idx.msk [tilespmem:v27+s13+$0x0], $0xffff  }
0x190: {  	v31 =	vor.u32 v7, v31;
	v33 =	vld.idx.msk [tilespmem:v33+s13+$0x0], $0xffff  }
0x191: {  	v35 =	vor.u32 v0, v36;
	v32 =	vld.idx.msk [tilespmem:v32+s13+$0x0], $0xffff  }
0x192: {  	v37 =	vor.u32 v9, v36;
	v28 =	vld.idx.msk [tilespmem:v28+s13+$0x0], $0xffff  }
0x193: {  	v38 =	vor.u32 v10, v36;
	v30 =	vld.idx.msk [tilespmem:v30+s13+$0x0], $0xffff  }
0x194: {  	v39 =	vor.u32 v11, v36;
	v34 =	vld.idx.msk [tilespmem:v34+s13+$0x0], $0xffff  }
0x195: {  	v40 =	vor.u32 v12, v36;
	v31 =	vld.idx.msk [tilespmem:v31+s13+$0x0], $0xffff  }
0x196: {  	s2 =	sadd.s32 $0x3, s0;
	s0 =	smov.u32 s9;
	[tilespmem:v35+s17+$0x0] =	vst.idx.msk $0xffff, v33;
	v33 =	vor.u32 v13, v36  }
0x197: {  	v35 =	vadd.s32 s2, v0;
	[tilespmem:v37+s17+$0x0] =	vst.idx.msk $0xffff, v27;
	v27 =	vor.u32 v14, v36  }
0x198: {  	v35 =	vand.u32 $0x7F, v35;
	[tilespmem:v38+s17+$0x0] =	vst.idx.msk $0xffff, v29;
	v29 =	vor.u32 v15, v36  }
0x199: {  	v36 =	vshll.u32 v35, $0x7;
	[tilespmem:v39+s17+$0x0] =	vst.idx.msk $0xffff, v32;
	v32 =	vor.u32 v3, v35  }
0x19a: {  	v37 =	vor.u32 v2, v35;
	[tilespmem:v40+s17+$0x0] =	vst.idx.msk $0xffff, v28;
	v28 =	vor.u32 v1, v35  }
0x19b: {  	[tilespmem:v33+s17+$0x0] =	vst.idx.msk $0xffff, v30  }
0x19c: {  	[tilespmem:v27+s17+$0x0] =	vst.idx.msk $0xffff, v31;
	v27 =	vor.u32 v4, v35  }
0x19d: {  	[tilespmem:v29+s17+$0x0] =	vst.idx.msk $0xffff, v34;
	v29 =	vor.u32 v5, v35  }
0x19e: {  	v31 =	vor.u32 v6, v35;
	v30 =	vld.idx.msk [tilespmem:v32+s13+$0x0], $0xffff  }
0x19f: {  	v33 =	vor.u32 v8, v35;
	v32 =	vld.idx.msk [tilespmem:v37+s13+$0x0], $0xffff  }
0x1a0: {  	v34 =	vor.u32 v7, v35;
	v35 =	vor.u32 v0, v36;
	v28 =	vld.idx.msk [tilespmem:v28+s13+$0x0], $0xffff  }
0x1a1: {  	v37 =	vor.u32 v9, v36;
	v27 =	vld.idx.msk [tilespmem:v27+s13+$0x0], $0xffff  }
0x1a2: {  	v38 =	vor.u32 v10, v36;
	v29 =	vld.idx.msk [tilespmem:v29+s13+$0x0], $0xffff  }
0x1a3: {  	v39 =	vor.u32 v11, v36;
	v31 =	vld.idx.msk [tilespmem:v31+s13+$0x0], $0xffff  }
0x1a4: {  	v40 =	vor.u32 v12, v36;
	v33 =	vld.idx.msk [tilespmem:v33+s13+$0x0], $0xffff  }
0x1a5: {  	v41 =	vor.u32 v13, v36;
	v34 =	vld.idx.msk [tilespmem:v34+s13+$0x0], $0xffff  }
0x1a6: {  	[tilespmem:v35+s17+$0x0] =	vst.idx.msk $0xffff, v28;
	v28 =	vor.u32 v14, v36  }
0x1a7: {  	[tilespmem:v37+s17+$0x0] =	vst.idx.msk $0xffff, v32;
	v32 =	vor.u32 v15, v36  }
0x1a8: {  	[tilespmem:v38+s17+$0x0] =	vst.idx.msk $0xffff, v30  }
0x1a9: {  	[tilespmem:v39+s17+$0x0] =	vst.idx.msk $0xffff, v27  }
0x1aa: {  	[tilespmem:v40+s17+$0x0] =	vst.idx.msk $0xffff, v29  }
0x1ab: {  	[tilespmem:v41+s17+$0x0] =	vst.idx.msk $0xffff, v31  }
.Ltmp3:
0x1ac: {  	[tilespmem:v28+s17+$0x0] =	vst.idx.msk $0xffff, v34;
	(pc) =	sbr.rel @p0 .LBB2_9-.Ltmp3, $4  }
0x1ad: {  	[tilespmem:v32+s17+$0x0] =	vst.idx.msk $0xffff, v33  }
0x1ae: {  	v28 =	vld.idx.msk [tilespmem:v25+s13+$0x0], $0xffff  }
0x1af: {  	v27 =	vld.idx.msk [tilespmem:v26+s13+$0x0], $0xffff  }
0x1b0: {  	v26 =	vld.idx.msk [tilespmem:v24+s13+$0x0], $0xffff  }
0x1b1: {  	_ =	sdelay $0x3  }
0x1b2: {  	v22 =	vld.idx.msk [tilespmem:v22+s13+$0x0], $0xffff  }
0x1b3: {  	v23 =	vld.idx.msk [tilespmem:v23+s13+$0x0], $0xffff;
	v24 =	vor.u32 v10, v16  }
0x1b4: {  	v18 =	vld.idx.msk [tilespmem:v18+s13+$0x0], $0xffff;
	v25 =	vor.u32 v11, v16  }
0x1b5: {  	v17 =	vld.idx.msk [tilespmem:v17+s13+$0x0], $0xffff;
	v29 =	vor.u32 v12, v16  }
0x1b6: {  	v20 =	vld.idx.msk [tilespmem:v20+s13+$0x0], $0xffff;
	v30 =	vor.u32 v13, v16;
	s2 =	sadd.s32 $0x1, s0;
	[tilespmem:v19+s17+$0x0] =	vst.idx.msk $0xffff, v26  }
0x1b7: {  	v19 =	vor.u32 v14, v16;
	[tilespmem:v21+s17+$0x0] =	vst.idx.msk $0xffff, v28;
	v21 =	vadd.s32 s2, v0  }
0x1b8: {  	v16 =	vor.u32 v15, v16;
	[tilespmem:v24+s17+$0x0] =	vst.idx.msk $0xffff, v23;
	v21 =	vand.u32 $0x7F, v21  }
0x1b9: {  	[tilespmem:v25+s17+$0x0] =	vst.idx.msk $0xffff, v18;
	v18 =	vor.u32 v3, v21  }
0x1ba: {  	v23 =	vor.u32 v7, v21;
	[tilespmem:v29+s17+$0x0] =	vst.idx.msk $0xffff, v17  }
0x1bb: {  	[tilespmem:v30+s17+$0x0] =	vst.idx.msk $0xffff, v20;
	v20 =	vor.u32 v1, v21  }
0x1bc: {  	v17 =	vor.u32 v2, v21;
	[tilespmem:v19+s17+$0x0] =	vst.idx.msk $0xffff, v22  }
0x1bd: {  	v19 =	vor.u32 v4, v21;
	[tilespmem:v16+s17+$0x0] =	vst.idx.msk $0xffff, v27  }
0x1be: {  	v22 =	vor.u32 v6, v21;
	v18 =	vld.idx.msk [tilespmem:v18+s13+$0x0], $0xffff  }
0x1bf: {  	v24 =	vshll.u32 v21, $0x7;
	v16 =	vor.u32 v5, v21;
	v23 =	vld.idx.msk [tilespmem:v23+s13+$0x0], $0xffff  }
0x1c0: {  	v25 =	vor.u32 v0, v24;
	v21 =	vor.u32 v8, v21;
	v20 =	vld.idx.msk [tilespmem:v20+s13+$0x0], $0xffff  }
0x1c1: {  	v26 =	vor.u32 v9, v24;
	v17 =	vld.idx.msk [tilespmem:v17+s13+$0x0], $0xffff  }
0x1c2: {  	v27 =	vor.u32 v10, v24;
	v19 =	vld.idx.msk [tilespmem:v19+s13+$0x0], $0xffff  }
0x1c3: {  	v28 =	vor.u32 v11, v24;
	v22 =	vld.idx.msk [tilespmem:v22+s13+$0x0], $0xffff  }
0x1c4: {  	v29 =	vor.u32 v12, v24;
	v16 =	vld.idx.msk [tilespmem:v16+s13+$0x0], $0xffff  }
0x1c5: {  	s24 =	sadd.s32 $0x2, s0;
	v21 =	vld.idx.msk [tilespmem:v21+s13+$0x0], $0xffff;
	[tilespmem:v25+s17+$0x0] =	vst.idx.msk $0xffff, v20;
	v20 =	vor.u32 v13, v24  }
0x1c6: {  	v25 =	vadd.s32 s24, v0;
	[tilespmem:v26+s17+$0x0] =	vst.idx.msk $0xffff, v17;
	v17 =	vor.u32 v14, v24  }
0x1c7: {  	[tilespmem:v27+s17+$0x0] =	vst.idx.msk $0xffff, v18;
	v18 =	vor.u32 v15, v24;
	v24 =	vand.u32 $0x7F, v25  }
0x1c8: {  	[tilespmem:v28+s17+$0x0] =	vst.idx.msk $0xffff, v19;
	v19 =	vor.u32 v3, v24  }
0x1c9: {  	[tilespmem:v29+s17+$0x0] =	vst.idx.msk $0xffff, v16;
	v16 =	vor.u32 v2, v24  }
0x1ca: {  	[tilespmem:v20+s17+$0x0] =	vst.idx.msk $0xffff, v22;
	v20 =	vor.u32 v1, v24  }
0x1cb: {  	v22 =	vor.u32 v8, v24;
	[tilespmem:v17+s17+$0x0] =	vst.idx.msk $0xffff, v23  }
0x1cc: {  	v17 =	vor.u32 v4, v24;
	[tilespmem:v18+s17+$0x0] =	vst.idx.msk $0xffff, v21  }
0x1cd: {  	v18 =	vor.u32 v5, v24;
	v19 =	vld.idx.msk [tilespmem:v19+s13+$0x0], $0xffff  }
0x1ce: {  	v23 =	vshll.u32 v24, $0x7;
	v21 =	vor.u32 v6, v24;
	v16 =	vld.idx.msk [tilespmem:v16+s13+$0x0], $0xffff  }
0x1cf: {  	v24 =	vor.u32 v7, v24;
	v25 =	vor.u32 v0, v23;
	v20 =	vld.idx.msk [tilespmem:v20+s13+$0x0], $0xffff  }
0x1d0: {  	v26 =	vor.u32 v9, v23;
	v22 =	vld.idx.msk [tilespmem:v22+s13+$0x0], $0xffff  }
0x1d1: {  	v27 =	vor.u32 v10, v23;
	v17 =	vld.idx.msk [tilespmem:v17+s13+$0x0], $0xffff  }
0x1d2: {  	v28 =	vor.u32 v11, v23;
	v18 =	vld.idx.msk [tilespmem:v18+s13+$0x0], $0xffff  }
0x1d3: {  	v29 =	vor.u32 v12, v23;
	v21 =	vld.idx.msk [tilespmem:v21+s13+$0x0], $0xffff  }
0x1d4: {  	s25 =	sadd.s32 $0x3, s0;
	v24 =	vld.idx.msk [tilespmem:v24+s13+$0x0], $0xffff;
	[tilespmem:v25+s17+$0x0] =	vst.idx.msk $0xffff, v20;
	v20 =	vor.u32 v13, v23  }
0x1d5: {  	v25 =	vadd.s32 s25, v0;
	[tilespmem:v26+s17+$0x0] =	vst.idx.msk $0xffff, v16;
	v16 =	vor.u32 v14, v23  }
0x1d6: {  	[tilespmem:v27+s17+$0x0] =	vst.idx.msk $0xffff, v19;
	v19 =	vor.u32 v15, v23;
	v23 =	vand.u32 $0x7F, v25  }
0x1d7: {  	[tilespmem:v28+s17+$0x0] =	vst.idx.msk $0xffff, v17;
	v17 =	vor.u32 v3, v23  }
0x1d8: {  	v25 =	vor.u32 v1, v23;
	[tilespmem:v29+s17+$0x0] =	vst.idx.msk $0xffff, v18  }
0x1d9: {  	v18 =	vor.u32 v2, v23;
	[tilespmem:v20+s17+$0x0] =	vst.idx.msk $0xffff, v21  }
0x1da: {  	v20 =	vor.u32 v6, v23;
	[tilespmem:v16+s17+$0x0] =	vst.idx.msk $0xffff, v24  }
0x1db: {  	v21 =	vor.u32 v8, v23;
	[tilespmem:v19+s17+$0x0] =	vst.idx.msk $0xffff, v22  }
0x1dc: {  	v16 =	vor.u32 v4, v23;
	v17 =	vld.idx.msk [tilespmem:v17+s13+$0x0], $0xffff  }
0x1dd: {  	v19 =	vor.u32 v5, v23;
	v22 =	vshll.u32 v23, $0x7;
	v24 =	vld.idx.msk [tilespmem:v25+s13+$0x0], $0xffff  }
0x1de: {  	v23 =	vor.u32 v7, v23;
	v25 =	vor.u32 v0, v22;
	v18 =	vld.idx.msk [tilespmem:v18+s13+$0x0], $0xffff  }
0x1df: {  	v26 =	vor.u32 v9, v22;
	v20 =	vld.idx.msk [tilespmem:v20+s13+$0x0], $0xffff  }
0x1e0: {  	v27 =	vor.u32 v10, v22;
	v21 =	vld.idx.msk [tilespmem:v21+s13+$0x0], $0xffff  }
0x1e1: {  	v28 =	vor.u32 v11, v22;
	v16 =	vld.idx.msk [tilespmem:v16+s13+$0x0], $0xffff  }
0x1e2: {  	v29 =	vor.u32 v12, v22;
	v19 =	vld.idx.msk [tilespmem:v19+s13+$0x0], $0xffff  }
0x1e3: {  	v63 =	vor.u32 v13, v22;
	v23 =	vld.idx.msk [tilespmem:v23+s13+$0x0], $0xffff;
	[tilespmem:v25+s17+$0x0] =	vst.idx.msk $0xffff, v24  }
0x1e4: {  	v24 =	vor.u32 v14, v22;
	[tilespmem:v26+s17+$0x0] =	vst.idx.msk $0xffff, v18  }
0x1e5: {  	v18 =	vor.u32 v15, v22;
	[tilespmem:v27+s17+$0x0] =	vst.idx.msk $0xffff, v17  }
0x1e6: {  	[tilespmem:v28+s17+$0x0] =	vst.idx.msk $0xffff, v16  }
0x1e7: {  	[tilespmem:v29+s17+$0x0] =	vst.idx.msk $0xffff, v19  }
0x1e8: {  	s30 =	sshrl.u32 s28, $0x3;
	[tilespmem:v63+s17+$0x0] =	vst.idx.msk $0xffff, v20  }
0x1e9: {  	s0 =	sadd.s32 s1, s30;
	[tilespmem:v24+s17+$0x0] =	vst.idx.msk $0xffff, v23  }
0x1ea: {  	s4 =	simm.s32 $0x0;
	s31 =	sadd.s32 $0x4B0000, s0;
	[tilespmem:v18+s17+$0x0] =	vst.idx.msk $0xffff, v21  }
0x1eb: {  	v16 =	vadd.s32 s4, v0;
	[hbm4b:s31+s18] =	stream.strided.scatter [tilespmem:s17], [sflag:$0x3], $0x4000, s19, s18, $0x38;
	[tilespmem:$0x14200] =	vst v63  }
0x1ec: {  	v20 =	vand.u32 $0x7F, v16;
	_ =	swait.ge [sflag:s20], $0x4000  }
0x1ed: {  	p0 =	seq.s32 s26, $0x0;
	v21 =	vor.u32 v1, v20;
	[sflag:s20] =	ssyncset.done $0x0  }
0x1ee: {  	s2 =	simm.s32 @!p0 $0x5;
	v24 =	vor.u32 v8, v20;
	[sflag:s20] =	ssyncadd.s32 $0xFFFFC000  }
0x1ef: {  	v23 =	vor.u32 v7, v20;
	_ =	swait.ge @!p0 [sflag:s2], $0x3400  }
0x1f0: {  	v19 =	vor.u32 v2, v20;
	[sflag:s2] =	ssyncset.done @!p0 $0x0  }
0x1f1: {  	v17 =	vor.u32 v5, v20;
	v22 =	vor.u32 v3, v20;
	[sflag:s2] =	ssyncadd.s32 @!p0 $0xFFFFCC00  }
0x1f2: {  	v16 =	vshll.u32 v20, $0x7;
	vm0 =	vlt.u32 v20, $0x68;
	v18 =	vor.u32 v4, v20;
	v27 =	vld.idx.msk [tilespmem:v21+s15+$0x0], $0xffff  }
0x1f3: {  	s9 =	simm.s32 $0x4;
	vm0 =	vmmov vm0;
	v21 =	vor.u32 v6, v20;
	v20 =	vor.u32 v0, v16;
	v26 =	vld.idx.msk [tilespmem:v24+s15+$0x0], $0xffff  }
.LBB2_11:
0x1f4: {  	p0 =	sne.s32 s9, $0x7C;
	v28 =	vld.idx.msk [tilespmem:v23+s15+$0x0], $0xffff;
	s24 =	smov.u32 s9;
	s9 =	sadd.s32 $0x4, s9  }
0x1f5: {  	v29 =	vld.idx.msk [tilespmem:v19+s15+$0x0], $0xffff  }
0x1f6: {  	v31 =	vor.u32 v9, v16;
	v19 =	vadd.s32 s24, v0;
	v30 =	vld.idx.msk [tilespmem:v22+s15+$0x0], $0xffff  }
0x1f7: {  	v34 =	vor.u32 v10, v16;
	v35 =	vor.u32 v13, v16;
	v32 =	vand.u32 $0x7F, v19;
	v33 =	vld.idx.msk [tilespmem:v18+s15+$0x0], $0xffff  }
0x1f8: {  	v37 =	vor.u32 v11, v16;
	v24 =	vor.u32 v1, v32;
	v19 =	vor.u32 v2, v32;
	v36 =	vld.idx.msk [tilespmem:v17+s15+$0x0], $0xffff  }
0x1f9: {  	v39 =	vor.u32 v12, v16;
	v18 =	vor.u32 v4, v32;
	v17 =	vor.u32 v5, v32;
	v38 =	vld.idx.msk [tilespmem:v21+s15+$0x0], $0xffff  }
0x1fa: {  	s2 =	sadd.s32 $0x1, s4;
	v23 =	vor.u32 v7, v32;
	v25 =	vor.u32 v8, v32;
	v21 =	vshll.u32 v32, $0x7;
	[tilespmem:v20+s23+$0x0] =	vst.idx.msk vm0, v27  }
0x1fb: {  	v22 =	vor.u32 v3, v32;
	v27 =	vor.u32 v14, v16;
	v20 =	vadd.s32 s2, v0;
	[tilespmem:v31+s23+$0x0] =	vst.idx.msk vm0, v29  }
0x1fc: {  	v29 =	vor.u32 v15, v16;
	v16 =	vmov v21;
	[tilespmem:v34+s23+$0x0] =	vst.idx.msk vm0, v30;
	v30 =	vand.u32 $0x7F, v20  }
0x1fd: {  	vm1 =	vlt.u32 v32, $0x68;
	v21 =	vor.u32 v6, v32;
	[tilespmem:v37+s23+$0x0] =	vst.idx.msk vm0, v33;
	v31 =	vor.u32 v3, v30  }
0x1fe: {  	v20 =	vor.u32 v0, v16;
	v32 =	vor.u32 v2, v30;
	v33 =	vshll.u32 v30, $0x7;
	[tilespmem:v39+s23+$0x0] =	vst.idx.msk vm0, v36  }
0x1ff: {  	v34 =	vor.u32 v1, v30;
	[tilespmem:v35+s23+$0x0] =	vst.idx.msk vm0, v38  }
0x200: {  	[tilespmem:v27+s23+$0x0] =	vst.idx.msk vm0, v28;
	v27 =	vor.u32 v4, v30  }
0x201: {  	[tilespmem:v29+s23+$0x0] =	vst.idx.msk vm0, v26;
	v26 =	vor.u32 v5, v30;
	vm0 =	vmmov vm1  }
0x202: {  	v29 =	vor.u32 v6, v30;
	v28 =	vld.idx.msk [tilespmem:v31+s15+$0x0], $0xffff  }
0x203: {  	v31 =	vld.idx.msk [tilespmem:v32+s15+$0x0], $0xffff;
	v32 =	vor.u32 v7, v30  }
0x204: {  	vm1 =	vlt.u32 v30, $0x68;
	v30 =	vor.u32 v8, v30;
	v34 =	vld.idx.msk [tilespmem:v34+s15+$0x0], $0xffff  }
0x205: {  	v35 =	vor.u32 v0, v33;
	v27 =	vld.idx.msk [tilespmem:v27+s15+$0x0], $0xffff  }
0x206: {  	v36 =	vor.u32 v9, v33;
	v26 =	vld.idx.msk [tilespmem:v26+s15+$0x0], $0xffff  }
0x207: {  	v37 =	vor.u32 v10, v33;
	v29 =	vld.idx.msk [tilespmem:v29+s15+$0x0], $0xffff  }
0x208: {  	v38 =	vor.u32 v11, v33;
	v32 =	vld.idx.msk [tilespmem:v32+s15+$0x0], $0xffff  }
0x209: {  	v39 =	vor.u32 v12, v33;
	v30 =	vld.idx.msk [tilespmem:v30+s15+$0x0], $0xffff  }
0x20a: {  	s2 =	sadd.s32 $0x2, s4;
	[tilespmem:v35+s23+$0x0] =	vst.idx.msk vm1, v34;
	v34 =	vor.u32 v13, v33  }
0x20b: {  	v35 =	vadd.s32 s2, v0;
	[tilespmem:v36+s23+$0x0] =	vst.idx.msk vm1, v31;
	v31 =	vor.u32 v14, v33  }
0x20c: {  	[tilespmem:v37+s23+$0x0] =	vst.idx.msk vm1, v28;
	v28 =	vor.u32 v15, v33;
	v33 =	vand.u32 $0x7F, v35  }
0x20d: {  	[tilespmem:v38+s23+$0x0] =	vst.idx.msk vm1, v27;
	v27 =	vor.u32 v3, v33;
	v35 =	vshll.u32 v33, $0x7  }
0x20e: {  	[tilespmem:v39+s23+$0x0] =	vst.idx.msk vm1, v26;
	v26 =	vor.u32 v2, v33  }
0x20f: {  	[tilespmem:v34+s23+$0x0] =	vst.idx.msk vm1, v29;
	v29 =	vor.u32 v1, v33  }
0x210: {  	[tilespmem:v31+s23+$0x0] =	vst.idx.msk vm1, v32;
	v31 =	vor.u32 v4, v33  }
0x211: {  	[tilespmem:v28+s23+$0x0] =	vst.idx.msk vm1, v30;
	v28 =	vor.u32 v5, v33  }
0x212: {  	v30 =	vor.u32 v6, v33;
	v27 =	vld.idx.msk [tilespmem:v27+s15+$0x0], $0xffff  }
0x213: {  	v32 =	vor.u32 v8, v33;
	v26 =	vld.idx.msk [tilespmem:v26+s15+$0x0], $0xffff  }
0x214: {  	vm1 =	vlt.u32 v33, $0x68;
	v33 =	vor.u32 v7, v33;
	v29 =	vld.idx.msk [tilespmem:v29+s15+$0x0], $0xffff  }
0x215: {  	v34 =	vor.u32 v0, v35;
	v31 =	vld.idx.msk [tilespmem:v31+s15+$0x0], $0xffff  }
0x216: {  	v36 =	vor.u32 v9, v35;
	v28 =	vld.idx.msk [tilespmem:v28+s15+$0x0], $0xffff  }
0x217: {  	v37 =	vor.u32 v10, v35;
	v30 =	vld.idx.msk [tilespmem:v30+s15+$0x0], $0xffff  }
0x218: {  	v38 =	vor.u32 v11, v35;
	v32 =	vld.idx.msk [tilespmem:v32+s15+$0x0], $0xffff  }
0x219: {  	v39 =	vor.u32 v12, v35;
	v33 =	vld.idx.msk [tilespmem:v33+s15+$0x0], $0xffff  }
0x21a: {  	s2 =	sadd.s32 $0x3, s4;
	s4 =	smov.u32 s24;
	[tilespmem:v34+s23+$0x0] =	vst.idx.msk vm1, v29;
	v29 =	vor.u32 v13, v35  }
0x21b: {  	v34 =	vadd.s32 s2, v0;
	[tilespmem:v36+s23+$0x0] =	vst.idx.msk vm1, v26;
	v26 =	vor.u32 v14, v35  }
0x21c: {  	v34 =	vand.u32 $0x7F, v34;
	[tilespmem:v37+s23+$0x0] =	vst.idx.msk vm1, v27;
	v27 =	vor.u32 v15, v35  }
0x21d: {  	v35 =	vshll.u32 v34, $0x7;
	[tilespmem:v38+s23+$0x0] =	vst.idx.msk vm1, v31;
	v31 =	vor.u32 v3, v34  }
0x21e: {  	v36 =	vor.u32 v2, v34;
	[tilespmem:v39+s23+$0x0] =	vst.idx.msk vm1, v28;
	v28 =	vor.u32 v1, v34  }
0x21f: {  	[tilespmem:v29+s23+$0x0] =	vst.idx.msk vm1, v30  }
0x220: {  	[tilespmem:v26+s23+$0x0] =	vst.idx.msk vm1, v33;
	v26 =	vor.u32 v4, v34  }
0x221: {  	[tilespmem:v27+s23+$0x0] =	vst.idx.msk vm1, v32;
	v27 =	vor.u32 v5, v34  }
0x222: {  	v30 =	vor.u32 v6, v34;
	v29 =	vld.idx.msk [tilespmem:v31+s15+$0x0], $0xffff  }
0x223: {  	vm1 =	vlt.u32 v34, $0x68;
	v32 =	vor.u32 v8, v34;
	v31 =	vld.idx.msk [tilespmem:v36+s15+$0x0], $0xffff  }
0x224: {  	v33 =	vor.u32 v7, v34;
	v34 =	vor.u32 v0, v35;
	v28 =	vld.idx.msk [tilespmem:v28+s15+$0x0], $0xffff  }
0x225: {  	v36 =	vor.u32 v9, v35;
	v26 =	vld.idx.msk [tilespmem:v26+s15+$0x0], $0xffff  }
0x226: {  	v37 =	vor.u32 v10, v35;
	v27 =	vld.idx.msk [tilespmem:v27+s15+$0x0], $0xffff  }
0x227: {  	v38 =	vor.u32 v11, v35;
	v30 =	vld.idx.msk [tilespmem:v30+s15+$0x0], $0xffff  }
0x228: {  	v39 =	vor.u32 v12, v35;
	v32 =	vld.idx.msk [tilespmem:v32+s15+$0x0], $0xffff  }
0x229: {  	v40 =	vor.u32 v13, v35;
	v33 =	vld.idx.msk [tilespmem:v33+s15+$0x0], $0xffff  }
0x22a: {  	[tilespmem:v34+s23+$0x0] =	vst.idx.msk vm1, v28;
	v28 =	vor.u32 v14, v35  }
0x22b: {  	[tilespmem:v36+s23+$0x0] =	vst.idx.msk vm1, v31;
	v31 =	vor.u32 v15, v35  }
0x22c: {  	[tilespmem:v37+s23+$0x0] =	vst.idx.msk vm1, v29  }
0x22d: {  	[tilespmem:v38+s23+$0x0] =	vst.idx.msk vm1, v26  }
0x22e: {  	[tilespmem:v39+s23+$0x0] =	vst.idx.msk vm1, v27  }
.Ltmp4:
0x22f: {  	[tilespmem:v40+s23+$0x0] =	vst.idx.msk vm1, v30;
	(pc) =	sbr.rel @p0 .LBB2_11-.Ltmp4, $4  }
0x230: {  	[tilespmem:v28+s23+$0x0] =	vst.idx.msk vm1, v33  }
0x231: {  	[tilespmem:v31+s23+$0x0] =	vst.idx.msk vm1, v32  }
0x232: {  	v27 =	vld.idx.msk [tilespmem:v24+s15+$0x0], $0xffff  }
0x233: {  	v26 =	vld.idx.msk [tilespmem:v25+s15+$0x0], $0xffff  }
0x234: {  	_ =	sdelay $0x3  }
0x235: {  	v23 =	vld.idx.msk [tilespmem:v23+s15+$0x0], $0xffff  }
0x236: {  	v19 =	vld.idx.msk [tilespmem:v19+s15+$0x0], $0xffff;
	v24 =	vor.u32 v9, v16  }
0x237: {  	v22 =	vld.idx.msk [tilespmem:v22+s15+$0x0], $0xffff;
	v25 =	vor.u32 v10, v16  }
0x238: {  	v18 =	vld.idx.msk [tilespmem:v18+s15+$0x0], $0xffff;
	v28 =	vor.u32 v11, v16  }
0x239: {  	v17 =	vld.idx.msk [tilespmem:v17+s15+$0x0], $0xffff;
	v29 =	vor.u32 v12, v16  }
0x23a: {  	v21 =	vld.idx.msk [tilespmem:v21+s15+$0x0], $0xffff;
	v30 =	vor.u32 v13, v16;
	s2 =	sadd.s32 $0x1, s4;
	[tilespmem:v20+s23+$0x0] =	vst.idx.msk vm0, v27  }
0x23b: {  	v51 =	vor.u32 v14, v16;
	v52 =	vadd.s32 s2, v0;
	[tilespmem:v24+s23+$0x0] =	vst.idx.msk vm0, v19  }
0x23c: {  	v16 =	vor.u32 v15, v16;
	v20 =	vand.u32 $0x7F, v52;
	[tilespmem:v25+s23+$0x0] =	vst.idx.msk vm0, v22  }
0x23d: {  	v53 =	vor.u32 v3, v20;
	[tilespmem:v28+s23+$0x0] =	vst.idx.msk vm0, v18  }
0x23e: {  	v54 =	vor.u32 v1, v20;
	[tilespmem:v29+s23+$0x0] =	vst.idx.msk vm0, v17  }
0x23f: {  	v55 =	vor.u32 v4, v20;
	[tilespmem:v30+s23+$0x0] =	vst.idx.msk vm0, v21  }
0x240: {  	v17 =	vor.u32 v2, v20;
	[tilespmem:v51+s23+$0x0] =	vst.idx.msk vm0, v23  }
0x241: {  	v56 =	vor.u32 v6, v20;
	[tilespmem:v16+s23+$0x0] =	vst.idx.msk vm0, v26  }
0x242: {  	v57 =	vor.u32 v7, v20;
	v18 =	vld.idx.msk [tilespmem:v53+s15+$0x0], $0xffff  }
0x243: {  	v58 =	vshll.u32 v20, $0x7;
	vm13 =	vlt.u32 v20, $0x68;
	v16 =	vor.u32 v5, v20;
	v21 =	vld.idx.msk [tilespmem:v54+s15+$0x0], $0xffff  }
0x244: {  	v59 =	vor.u32 v0, v58;
	v20 =	vor.u32 v8, v20;
	v19 =	vld.idx.msk [tilespmem:v55+s15+$0x0], $0xffff  }
0x245: {  	v60 =	vor.u32 v9, v58;
	v17 =	vld.idx.msk [tilespmem:v17+s15+$0x0], $0xffff  }
0x246: {  	v61 =	vor.u32 v10, v58;
	v22 =	vld.idx.msk [tilespmem:v56+s15+$0x0], $0xffff  }
0x247: {  	v62 =	vor.u32 v11, v58;
	v23 =	vld.idx.msk [tilespmem:v57+s15+$0x0], $0xffff  }
0x248: {  	v63 =	vor.u32 v12, v58;
	v16 =	vld.idx.msk [tilespmem:v16+s15+$0x0], $0xffff  }
0x249: {  	s30 =	sadd.s32 $0x2, s4;
	v32 =	vor.u32 v13, v58;
	v20 =	vld.idx.msk [tilespmem:v20+s15+$0x0], $0xffff;
	[tilespmem:v59+s23+$0x0] =	vst.idx.msk vm13, v21  }
0x24a: {  	v33 =	vadd.s32 s30, v0;
	[tilespmem:v60+s23+$0x0] =	vst.idx.msk vm13, v17;
	v17 =	vor.u32 v14, v58  }
0x24b: {  	v35 =	vand.u32 $0x7F, v33;
	v34 =	vor.u32 v15, v58;
	[tilespmem:v61+s23+$0x0] =	vst.idx.msk vm13, v18  }
0x24c: {  	v36 =	vor.u32 v3, v35;
	[tilespmem:v62+s23+$0x0] =	vst.idx.msk vm13, v19  }
0x24d: {  	v37 =	vor.u32 v1, v35;
	[tilespmem:v63+s23+$0x0] =	vst.idx.msk vm13, v16  }
0x24e: {  	v38 =	vor.u32 v5, v35;
	[tilespmem:v32+s23+$0x0] =	vst.idx.msk vm13, v22  }
0x24f: {  	v16 =	vor.u32 v2, v35;
	[tilespmem:v17+s23+$0x0] =	vst.idx.msk vm13, v23  }
0x250: {  	v39 =	vor.u32 v6, v35;
	[tilespmem:v34+s23+$0x0] =	vst.idx.msk vm13, v20  }
0x251: {  	v17 =	vor.u32 v4, v35;
	v19 =	vld.idx.msk [tilespmem:v36+s15+$0x0], $0xffff  }
0x252: {  	v40 =	vor.u32 v8, v35;
	v41 =	vshll.u32 v35, $0x7;
	vm14 =	vlt.u32 v35, $0x68;
	v21 =	vld.idx.msk [tilespmem:v37+s15+$0x0], $0xffff  }
0x253: {  	v42 =	vor.u32 v0, v41;
	v24 =	vor.u32 v7, v35;
	v18 =	vld.idx.msk [tilespmem:v38+s15+$0x0], $0xffff  }
0x254: {  	v43 =	vor.u32 v9, v41;
	v16 =	vld.idx.msk [tilespmem:v16+s15+$0x0], $0xffff  }
0x255: {  	v44 =	vor.u32 v10, v41;
	v20 =	vld.idx.msk [tilespmem:v39+s15+$0x0], $0xffff  }
0x256: {  	v45 =	vor.u32 v11, v41;
	v17 =	vld.idx.msk [tilespmem:v17+s15+$0x0], $0xffff  }
0x257: {  	v46 =	vor.u32 v12, v41;
	v22 =	vld.idx.msk [tilespmem:v40+s15+$0x0], $0xffff  }
0x258: {  	s31 =	sadd.s32 $0x3, s4;
	v47 =	vor.u32 v13, v41;
	v24 =	vld.idx.msk [tilespmem:v24+s15+$0x0], $0xffff;
	[tilespmem:v42+s23+$0x0] =	vst.idx.msk vm14, v21  }
0x259: {  	v48 =	vadd.s32 s31, v0;
	[tilespmem:v43+s23+$0x0] =	vst.idx.msk vm14, v16;
	v16 =	vor.u32 v14, v41  }
0x25a: {  	v50 =	vand.u32 $0x7F, v48;
	v49 =	vor.u32 v15, v41;
	[tilespmem:v44+s23+$0x0] =	vst.idx.msk vm14, v19  }
0x25b: {  	[tilespmem:v45+s23+$0x0] =	vst.idx.msk vm14, v17;
	v17 =	vor.u32 v3, v50  }
0x25c: {  	v51 =	vor.u32 v2, v50;
	[tilespmem:v46+s23+$0x0] =	vst.idx.msk vm14, v18  }
0x25d: {  	v25 =	vor.u32 v1, v50;
	[tilespmem:v47+s23+$0x0] =	vst.idx.msk vm14, v20  }
0x25e: {  	v52 =	vor.u32 v5, v50;
	[tilespmem:v16+s23+$0x0] =	vst.idx.msk vm14, v24  }
0x25f: {  	v53 =	vor.u32 v6, v50;
	[tilespmem:v49+s23+$0x0] =	vst.idx.msk vm14, v22  }
0x260: {  	v16 =	vor.u32 v4, v50;
	v17 =	vld.idx.msk [tilespmem:v17+s15+$0x0], $0xffff  }
0x261: {  	vm15 =	vlt.u32 v50, $0x68;
	v54 =	vor.u32 v8, v50;
	v55 =	vshll.u32 v50, $0x7;
	v18 =	vld.idx.msk [tilespmem:v51+s15+$0x0], $0xffff  }
0x262: {  	v56 =	vor.u32 v0, v55;
	v23 =	vor.u32 v7, v50;
	v24 =	vld.idx.msk [tilespmem:v25+s15+$0x0], $0xffff  }
0x263: {  	v57 =	vor.u32 v9, v55;
	v19 =	vld.idx.msk [tilespmem:v52+s15+$0x0], $0xffff  }
0x264: {  	v58 =	vor.u32 v10, v55;
	v20 =	vld.idx.msk [tilespmem:v53+s15+$0x0], $0xffff  }
0x265: {  	v59 =	vor.u32 v11, v55;
	v16 =	vld.idx.msk [tilespmem:v16+s15+$0x0], $0xffff  }
0x266: {  	v60 =	vor.u32 v12, v55;
	v21 =	vld.idx.msk [tilespmem:v54+s15+$0x0], $0xffff  }
0x267: {  	v61 =	vor.u32 v13, v55;
	v23 =	vld.idx.msk [tilespmem:v23+s15+$0x0], $0xffff;
	[tilespmem:v56+s23+$0x0] =	vst.idx.msk vm15, v24  }
0x268: {  	v62 =	vor.u32 v14, v55;
	[tilespmem:v57+s23+$0x0] =	vst.idx.msk vm15, v18  }
0x269: {  	s26 =	sadd.s32 $0x1, s26;
	v63 =	vor.u32 v15, v55;
	[tilespmem:v58+s23+$0x0] =	vst.idx.msk vm15, v17  }
0x26a: {  	p0 =	sne.s32 s26, s8;
	[tilespmem:v59+s23+$0x0] =	vst.idx.msk vm15, v16  }
.Ltmp5:
0x26b: {  	[tilespmem:v60+s23+$0x0] =	vst.idx.msk vm15, v19;
	(pc) =	sbr.rel @p0 .LBB2_2-.Ltmp5, $4  }
0x26c: {  	[tilespmem:v61+s23+$0x0] =	vst.idx.msk vm15, v20  }
0x26d: {  	[tilespmem:v62+s23+$0x0] =	vst.idx.msk vm15, v23  }
0x26e: {  	s0 =	sadd.s32 $0x578000, s0;
	[tilespmem:v63+s23+$0x0] =	vst.idx.msk vm15, v21  }
0x26f: {  	[hbm4b:s0+s18] =	stream.strided.scatter [tilespmem:s23], [sflag:$0x5], $0x3400, s19, s18, $0x38;
	[tilespmem:$0x14200] =	vst v63  }
0x270: {  	_ =	swait.ge [sflag:s22], $0x4000  }
0x271: {  	[sflag:s22] =	ssyncset.done $0x0  }
0x272: {  	s0 =	simm.s32 $0x4;
	[sflag:s22] =	ssyncadd.s32 $0xFFFFC000  }
0x273: {  	_ =	swait.ge [sflag:s0], $0x4000  }
0x274: {  	[sflag:s0] =	ssyncset.done $0x0  }
0x275: {  	s4 =	simm.s32 $0x5;
	[sflag:s0] =	ssyncadd.s32 $0xFFFFC000  }
0x276: {  	_ =	swait.ge [sflag:s4], $0x3400  }
0x277: {  	s2 =	rddreg [dreg:$0x3]  }
0x278: {  	s31 =	rddreg [dreg:$0x4];
	s2 =	sadd.s32 $0x1, s2  }
0x279: {  	p0 =	sne.s32 s2, s31  }
.Ltmp6:
0x27a: {  	_ = 	snop;
	(pc) =	sbr.rel @p0 .LBB2_1-.Ltmp6, $3  }
0x27b: {  	_ =	sdelay $0x1  }
0x27c: {  	[sflag:s4] =	ssyncset.done $0x0  }
0x27d: {  	[sflag:s4] =	ssyncadd.s32 $0xFFFFCC00  }
0x27e: {  	_ =	sfence.sel $0x180000  }
0x27f: {  	[bflag:$0x0] =	sbarrier.arrive $0xFFFF  }
0x280: {  	_ =	strace $0x90000047  }
0x281: {  	s0 =	stileid.u32;
	[bflag:$0x2] =	sbarrier.arrive $0xFFFF  }
0x282: {  	p0 =	sne.s32 s0, $0x0;
	s0 =	rddreg [dreg:$0x2]  }
0x283: {  	s0 =	sadd.s32 @!p0 $0x100000, s0  }
0x284: {  	[sflag:s0] =	ssyncadd.tile.s32 @!p0 $0x1;
	_ =	shalt  }
.Lfunc_end2:
_tile_overlayer_lowered:
.L_overlay_start_2:
0x285: {  	(tag) =	ssettag $0x2  }
0x286: {  	s0 =	rddreg [dreg:$0x0];
	s2 =	stileid.u32  }
0x287: {  	s1 =	rddreg [dreg:$0x1];
	p0 =	sne.s32 s2, $0x0  }
0x288: {  	s3 =	rddreg [dreg:$0x2];
	[bflag:$0x3] =	sbarrier.arrive $0xFFFF;
	s2 =	simm.s32 @!p0 $0x1C06  }
0x289: {  	[timem:s3], [sflag:s2] =	dma.local @!p0 [hbm:s0], s1  }
0x28a: {  	s0 =	simm.s32 @!p0 $0x6  }
0x28b: {  	_ =	swait.ge @!p0 [sflag:s0], s1  }
0x28c: {  	s1 =	ssub.s32 @!p0 $0x0, s1;
	[sflag:s0] =	ssyncset.done @!p0 $0x0  }
0x28d: {  	[sflag:s0] =	ssyncadd.s32 @!p0 s1  }
0x28e: {  	[bflag:$0x3] =	sbarrier.arrive $0xFFFF  }
0x28f: {  	_ =	shalt  }

</sc_bundles>
